<compile_context>
chip_gen: v7x
topology: tpu7x:2x2x1
jax: 0.10.2.dev20260603
libtpu: 0.0.44.dev20260713+nightly
codegen_flags: <defaults>
</compile_context>

<pallas_src>
import jax
import jax.numpy as jnp
from jax import lax
from jax.experimental import pallas as pl
from jax.experimental.pallas import tpu as pltpu
from jax.experimental.pallas import tpu_sc as plsc

N = 10000
D = 128
B = 64
N_AGG = 10240
NC = 2
NS = 16
NW = NC * NS
CH = 128
NBUF = 2
ROWS_PER_TILE = N_AGG // NS

R = 2000
NB = N // R



def _sc_scatter_call(h, src2d, dst3d):
    ept_half = src2d.shape[1]
    nchalf = ept_half // CH
    mesh = plsc.VectorSubcoreMesh(core_axis_name="c", subcore_axis_name="s")

    def body(h_hbm, src_hbm, dst_hbm, out_hbm,
             src_v, dst_v, rows_a, rows_b, agg_sh,
             sem_a, sem_s):
        c = lax.axis_index("c")
        s = lax.axis_index("s")
        w = s * NC + c
        bufs = (rows_a, rows_b)
        def zrow(r, carry):
            for buf in bufs:
                for jj in range(D // 16):
                    buf[r, pl.ds(jj * 16, 16)] = jnp.zeros((16,), jnp.float32)
            return carry

        lax.fori_loop(0, CH, zrow, 0)
        base = s * ROWS_PER_TILE
        for r in range(ROWS_PER_TILE // CH):
            pltpu.sync_copy(
                bufs[r % NBUF], agg_sh.at[pl.ds(base + r * CH, CH)])
        plsc.subcore_barrier()

        def step(j, carry):
            gs = [pltpu.async_copy(
                h_hbm.at[src_v.at[pl.ds((NBUF * j + bi) * CH, CH)]],
                buf, sem_a) for bi, buf in enumerate(bufs)]
            for g in gs:
                g.wait()
            ss = [pltpu.async_copy(
                buf, agg_sh.at[dst_v.at[NBUF * j + bi]], sem_s, add=True)
                for bi, buf in enumerate(bufs)]
            for scp in ss:
                scp.wait()
            return carry

        for k in range(2):
            pltpu.sync_copy(src_hbm.at[w * 2 + k], src_v)
            pltpu.sync_copy(dst_hbm.at[w * 2 + k], dst_v)
            lax.fori_loop(0, nchalf // NBUF, step, 0)
        plsc.subcore_barrier()
        pltpu.sync_copy(agg_sh.at[pl.ds(base, ROWS_PER_TILE)],
                        out_hbm.at[pl.ds(c * N_AGG + base, ROWS_PER_TILE)])

    kfn = pl.kernel(
        body,
        mesh=mesh,
        out_type=jax.ShapeDtypeStruct((NC * N_AGG, D), jnp.float32),
        scratch_types=[
            pltpu.VMEM((ept_half,), jnp.int32),
            pltpu.VMEM((nchalf, CH), jnp.int32),
            pltpu.VMEM((CH, D), jnp.float32),
            pltpu.VMEM((CH, D), jnp.float32),
            pltpu.VMEM_SHARED((N_AGG, D), jnp.float32),
            pltpu.SemaphoreType.DMA,
            pltpu.SemaphoreType.DMA,
        ],
    )
    return kfn(h, src2d, dst3d).reshape(NC, N_AGG, D)



def _mlp1_body(h_ref, a_ref, w_ref, b_ref, z_ref, mom_ref):
    i = pl.program_id(0)
    zin = h_ref[...] + a_ref[0] + a_ref[1]
    z = jnp.dot(zin, w_ref[...], preferred_element_type=jnp.float32) + b_ref[...]
    z_ref[...] = z
    mom = jnp.concatenate(
        [jnp.sum(z, axis=0, keepdims=True),
         jnp.sum(z * z, axis=0, keepdims=True)], axis=0)

    @pl.when(i == 0)
    def _():
        mom_ref[...] = mom

    @pl.when(i > 0)
    def _():
        mom_ref[...] += mom


def _mlp1_call(h, agg, w1, b1):
    c = w1.shape[1]
    return pl.pallas_call(
        _mlp1_body,
        grid=(NB,),
        in_specs=[
            pl.BlockSpec((R, D), lambda i: (i, 0)),
            pl.BlockSpec((NC, R, D), lambda i: (0, i, 0)),
            pl.BlockSpec((D, c), lambda i: (0, 0)),
            pl.BlockSpec((1, c), lambda i: (0, 0)),
        ],
        out_specs=[
            pl.BlockSpec((R, c), lambda i: (i, 0)),
            pl.BlockSpec((2, c), lambda i: (0, 0)),
        ],
        out_shape=[
            jax.ShapeDtypeStruct((N, c), jnp.float32),
            jax.ShapeDtypeStruct((2, c), jnp.float32),
        ],
    )(h, agg, w1, b1.reshape(1, c))


def _mlp2_body(z_ref, mom_ref, g_ref, be_ref, w_ref, b_ref, h2_ref, mom2_ref):
    i = pl.program_id(0)
    mom = mom_ref[...]
    mean = mom[0:1] / N
    var = mom[1:2] / N - mean * mean
    rstd = lax.rsqrt(var + 1e-5)
    zn = (z_ref[...] - mean) * (rstd * g_ref[...]) + be_ref[...]
    zn = jnp.maximum(zn, 0.0)
    h2 = jnp.dot(zn, w_ref[...], preferred_element_type=jnp.float32) + b_ref[...]
    h2_ref[...] = h2
    mom2 = jnp.concatenate(
        [jnp.sum(h2, axis=0, keepdims=True),
         jnp.sum(h2 * h2, axis=0, keepdims=True)], axis=0)

    @pl.when(i == 0)
    def _():
        mom2_ref[...] = mom2

    @pl.when(i > 0)
    def _():
        mom2_ref[...] += mom2


def _mlp2_call(z, mom, g1, be1, w2, b2):
    c = z.shape[1]
    d2 = w2.shape[1]
    return pl.pallas_call(
        _mlp2_body,
        grid=(NB,),
        in_specs=[
            pl.BlockSpec((R, c), lambda i: (i, 0)),
            pl.BlockSpec((2, c), lambda i: (0, 0)),
            pl.BlockSpec((1, c), lambda i: (0, 0)),
            pl.BlockSpec((1, c), lambda i: (0, 0)),
            pl.BlockSpec((c, d2), lambda i: (0, 0)),
            pl.BlockSpec((1, d2), lambda i: (0, 0)),
        ],
        out_specs=[
            pl.BlockSpec((R, d2), lambda i: (i, 0)),
            pl.BlockSpec((2, d2), lambda i: (0, 0)),
        ],
        out_shape=[
            jax.ShapeDtypeStruct((N, d2), jnp.float32),
            jax.ShapeDtypeStruct((2, d2), jnp.float32),
        ],
    )(z, mom, g1.reshape(1, c), be1.reshape(1, c), w2, b2.reshape(1, d2))


def _bn_body(h2_ref, mom_ref, g_ref, be_ref, out_ref):
    mom = mom_ref[...]
    mean = mom[0:1] / N
    var = mom[1:2] / N - mean * mean
    rstd = lax.rsqrt(var + 1e-5)
    h = (h2_ref[...] - mean) * (rstd * g_ref[...]) + be_ref[...]
    out_ref[...] = jnp.maximum(h, 0.0)


def _bn_call(h2, mom, g2, be2):
    return pl.pallas_call(
        _bn_body,
        grid=(NB,),
        in_specs=[
            pl.BlockSpec((R, D), lambda i: (i, 0)),
            pl.BlockSpec((2, D), lambda i: (0, 0)),
            pl.BlockSpec((1, D), lambda i: (0, 0)),
            pl.BlockSpec((1, D), lambda i: (0, 0)),
        ],
        out_specs=pl.BlockSpec((R, D), lambda i: (i, 0)),
        out_shape=jax.ShapeDtypeStruct((N, D), jnp.float32),
    )(h2, mom, g2.reshape(1, D), be2.reshape(1, D))


def _bn_readout_body(h2_ref, mom_ref, g_ref, be_ref, bt_ref, cw_ref, cb_ref,
                     out_ref, sums, cnts):
    i = pl.program_id(0)

    @pl.when(i == 0)
    def _():
        sums[...] = jnp.zeros_like(sums)
        cnts[...] = jnp.zeros_like(cnts)

    mom = mom_ref[...]
    mean = mom[0:1] / N
    var = mom[1:2] / N - mean * mean
    rstd = lax.rsqrt(var + 1e-5)
    h = (h2_ref[...] - mean) * (rstd * g_ref[...]) + be_ref[...]

    bt = bt_ref[0, 0]
    oh = (lax.broadcasted_iota(jnp.int32, (B, R), 0)
          == bt[None, :]).astype(jnp.float32)
    sums[...] += jnp.dot(oh, h, preferred_element_type=jnp.float32)
    cnts[...] += jnp.broadcast_to(jnp.sum(oh, axis=1, keepdims=True), cnts.shape)

    @pl.when(i == NB - 1)
    def _():
        ro = sums[...] / jnp.maximum(cnts[...][:, 0:1], 1.0)
        out_ref[...] = jnp.dot(
            ro, cw_ref[...], preferred_element_type=jnp.float32) + cb_ref[...]


def _bn_readout_call(h2, mom, g2, be2, batch3d, cw, cb):
    out = cw.shape[1]
    return pl.pallas_call(
        _bn_readout_body,
        grid=(NB,),
        in_specs=[
            pl.BlockSpec((R, D), lambda i: (i, 0)),
            pl.BlockSpec((2, D), lambda i: (0, 0)),
            pl.BlockSpec((1, D), lambda i: (0, 0)),
            pl.BlockSpec((1, D), lambda i: (0, 0)),
            pl.BlockSpec((1, 1, R), lambda i: (i, 0, 0)),
            pl.BlockSpec((D, out), lambda i: (0, 0)),
            pl.BlockSpec((1, out), lambda i: (0, 0)),
        ],
        out_specs=pl.BlockSpec((B, out), lambda i: (0, 0)),
        out_shape=jax.ShapeDtypeStruct((B, out), jnp.float32),
        scratch_shapes=[
            pltpu.VMEM((B, D), jnp.float32),
            pltpu.VMEM((B, 128), jnp.float32),
        ],
    )(h2, mom, g2.reshape(1, D), be2.reshape(1, D), batch3d, cw,
      cb.reshape(1, out))



def kernel(x, edge_index, batch, params):
    e = edge_index.shape[1]
    ept = -(-e // (NW * 2 * NBUF * CH)) * 2 * NBUF * CH
    e_pad = ept * NW
    npad = N_AGG - N

    src = edge_index[0]
    dst = edge_index[1]
    pad_idx = jnp.arange(e_pad - e, dtype=jnp.int32) % npad
    src2d = jnp.concatenate([src, pad_idx]).reshape(NW * 2, ept // 2)
    dst3d = jnp.concatenate([dst, pad_idx + N]).reshape(
        NW * 2, ept // (2 * CH), CH)

    batch3d = batch.astype(jnp.int32).reshape(NB, 1, R)

    h = x
    layers = params['layers']
    for li, p in enumerate(layers):
        agg = _sc_scatter_call(h, src2d, dst3d)
        z1, mom1 = _mlp1_call(h, agg, p['W1'], p['b1'])
        h2, mom2 = _mlp2_call(z1, mom1, p['g1'], p['be1'], p['W2'], p['b2'])
        if li != len(layers) - 1:
            h = _bn_call(h2, mom2, p['g2'], p['be2'])
        else:
            return _bn_readout_call(h2, mom2, p['g2'], p['be2'], batch3d,
                                    params['cls_W'], params['cls_b'])

# --- scband reference (transcript-rebuilt; emitter-appended) ---
"""Pipeline reference for scband-gin-16604343566556 (READ-ONLY COPY).

The authoritative reference and input builder live on the scoring server;
editing this copy changes nothing except your own understanding.
"""

import jax, jax.numpy as jnp
import numpy as np

N, E, D, B, OUT, L = 10000, 320000, 128, 64, 16, 3


def _bn(h, g, b):
    m = jnp.mean(h, axis=0, keepdims=True)
    v = jnp.var(h, axis=0, keepdims=True)
    return (h - m) / jnp.sqrt(v + 1e-5) * g + b


def setup_inputs(seed: int = 0) -> dict:
    key = jax.random.key(seed)
    kx, ke, kb, kp = jax.random.split(key, 4)
    x = jax.random.normal(kx, (N, D), dtype=jnp.float32)
    edge_index = jax.random.randint(ke, (2, E), 0, N)
    batch = jnp.sort(jax.random.randint(kb, (N,), 0, B))
    layers = []
    pk = kp
    for i in range(L):
        pk, k1, k2 = jax.random.split(pk, 3)
        layers.append({
            'W1': jax.random.normal(k1, (D, 2 * D), jnp.float32) * (1.0 / np.sqrt(D)),
            'b1': jnp.zeros((2 * D,), jnp.float32),
            'g1': jnp.ones((2 * D,), jnp.float32),
            'be1': jnp.zeros((2 * D,), jnp.float32),
            'W2': jax.random.normal(k2, (2 * D, D), jnp.float32) * (1.0 / np.sqrt(2 * D)),
            'b2': jnp.zeros((D,), jnp.float32),
            'g2': jnp.ones((D,), jnp.float32),
            'be2': jnp.zeros((D,), jnp.float32),
        })
    pk, kc = jax.random.split(pk)
    params = {
        'layers': layers,
        'cls_W': jax.random.normal(kc, (D, OUT), jnp.float32) * (1.0 / np.sqrt(D)),
        'cls_b': jnp.zeros((OUT,), jnp.float32),
    }
    return {'x': x, 'edge_index': edge_index, 'batch': batch, 'params': params}


def reference(x, edge_index, batch, params):
    src, dst = edge_index[0], edge_index[1]
    h = x
    nl = len(params['layers'])
    for i, p in enumerate(params['layers']):
        # GINConv with eps=0: MLP((1+eps)*x + sum_{j in N(i)} x_j)
        agg = jnp.zeros_like(h).at[dst].add(h[src])
        z = h + agg
        z = z @ p['W1'] + p['b1']
        z = _bn(z, p['g1'], p['be1'])
        z = jax.nn.relu(z)
        z = z @ p['W2'] + p['b2']
        # outer BatchNorm after each conv
        z = _bn(z, p['g2'], p['be2'])
        if i != nl - 1:
            z = jax.nn.relu(z)
        # dropout is identity at inference
        h = z
    # global mean pool readout per graph in the batch
    sums = jax.ops.segment_sum(h, batch, num_segments=B)
    cnts = jax.ops.segment_sum(jnp.ones((h.shape[0], 1), h.dtype), batch, num_segments=B)
    readout = sums / jnp.maximum(cnts, 1.0)
    out = readout @ params['cls_W'] + params['cls_b']
    return out

if __name__ == "__main__":
    import jax
    _d = setup_inputs()
    print(jax.jit(kernel)(*tuple(_d.values())))

</pallas_src>

<mosaic_0001>
#map = affine_map<(d0, d1) -> (0, 0)>
#map1 = affine_map<(d0, d1) -> (0, 0, 0)>
module attributes {stable_mosaic.version = 14 : i64} {
  func.func @body(%arg0: i32, %arg1: i32, %arg2: memref<10000x128xf32, #tpu.memory_space<hbm>>, %arg3: memref<64x5120xi32, #tpu.memory_space<hbm>>, %arg4: memref<64x40x128xi32, #tpu.memory_space<hbm>>, %arg5: memref<20480x128xf32, #tpu.memory_space<hbm>>, %arg6: memref<5120xi32, #tpu.memory_space<vmem>>, %arg7: memref<40x128xi32, #tpu.memory_space<vmem>>, %arg8: memref<128x128xf32, #tpu.memory_space<vmem>>, %arg9: memref<128x128xf32, #tpu.memory_space<vmem>>, %arg10: memref<10240x128xf32, #tpu.memory_space<vmem_shared>>, %arg11: memref<!tpu.dma_semaphore, #tpu.memory_space<semaphore_mem>>, %arg12: memref<!tpu.dma_semaphore, #tpu.memory_space<semaphore_mem>>) attributes {dimension_semantics = [#tpu.dimension_semantics<core_parallel>, #tpu.dimension_semantics<subcore_parallel>], iteration_bounds = array<i64: 2, 16>, scalar_prefetch = 0 : i64, scratch_operands = 7 : i64, tpu.core_type = #tpu.core_type<sc_vector_subcore>, window_params = [{transform_indices = #map}, {transform_indices = #map}, {transform_indices = #map1}, {transform_indices = #map}]} {
    %mul3A = arith.constant 2 : i32
    %mul3A_0 = arith.muli %arg1, %mul3A : i32
    %add3A = arith.addi %mul3A_0, %arg0 : i32
    %scan3A = arith.constant 0 : i32
    %scan3A_1 = arith.constant 0 : i32
    %scan3A_2 = arith.constant 128 : i32
    %scan3A_3 = arith.addi %scan3A_1, %scan3A_2 : i32
    %scan3A_4 = arith.constant 1 : i32
    scf.for %scan3A_50 = %scan3A_1 to %scan3A_3 step %scan3A_4  : i32 {
      %broadcast_in_dim3A = arith.constant 0.000000e+00 : f32
      %broadcast_in_dim3A_51 = vector.broadcast %broadcast_in_dim3A : f32 to vector<16xf32>
      %swap3A = arith.index_cast %scan3A_50 : i32 to index
      %swap3A_52 = arith.constant 0 : index
      %swap3A_53 = tpu.vector_load %arg8[%swap3A, %swap3A_52] {strides = array<i32>} : memref<128x128xf32, #tpu.memory_space<vmem>>, vector<1x16xf32>,
      %swap3A_54 = vector.shape_cast %swap3A_53 : vector<1x16xf32> to vector<16xf32>
      %swap3A_55 = vector.shape_cast %broadcast_in_dim3A_51 : vector<16xf32> to vector<1x16xf32>
      tpu.vector_store %arg8[%swap3A, %swap3A_52], %swap3A_55 {strides = array<i32>} : memref<128x128xf32, #tpu.memory_space<vmem>>, vector<1x16xf32>,
      %broadcast_in_dim3A_56 = arith.constant 0.000000e+00 : f32
      %broadcast_in_dim3A_57 = vector.broadcast %broadcast_in_dim3A_56 : f32 to vector<16xf32>
      %swap3A_58 = arith.index_cast %scan3A_50 : i32 to index
      %swap3A_59 = arith.constant 16 : index
      %swap3A_60 = tpu.vector_load %arg8[%swap3A_58, %swap3A_59] {strides = array<i32>} : memref<128x128xf32, #tpu.memory_space<vmem>>, vector<1x16xf32>,
      %swap3A_61 = vector.shape_cast %swap3A_60 : vector<1x16xf32> to vector<16xf32>
      %swap3A_62 = vector.shape_cast %broadcast_in_dim3A_57 : vector<16xf32> to vector<1x16xf32>
      tpu.vector_store %arg8[%swap3A_58, %swap3A_59], %swap3A_62 {strides = array<i32>} : memref<128x128xf32, #tpu.memory_space<vmem>>, vector<1x16xf32>,
      %broadcast_in_dim3A_63 = arith.constant 0.000000e+00 : f32
      %broadcast_in_dim3A_64 = vector.broadcast %broadcast_in_dim3A_63 : f32 to vector<16xf32>
      %swap3A_65 = arith.index_cast %scan3A_50 : i32 to index
      %swap3A_66 = arith.constant 32 : index
      %swap3A_67 = tpu.vector_load %arg8[%swap3A_65, %swap3A_66] {strides = array<i32>} : memref<128x128xf32, #tpu.memory_space<vmem>>, vector<1x16xf32>,
      %swap3A_68 = vector.shape_cast %swap3A_67 : vector<1x16xf32> to vector<16xf32>
      %swap3A_69 = vector.shape_cast %broadcast_in_dim3A_64 : vector<16xf32> to vector<1x16xf32>
      tpu.vector_store %arg8[%swap3A_65, %swap3A_66], %swap3A_69 {strides = array<i32>} : memref<128x128xf32, #tpu.memory_space<vmem>>, vector<1x16xf32>,
      %broadcast_in_dim3A_70 = arith.constant 0.000000e+00 : f32
      %broadcast_in_dim3A_71 = vector.broadcast %broadcast_in_dim3A_70 : f32 to vector<16xf32>
      %swap3A_72 = arith.index_cast %scan3A_50 : i32 to index
      %swap3A_73 = arith.constant 48 : index
      %swap3A_74 = tpu.vector_load %arg8[%swap3A_72, %swap3A_73] {strides = array<i32>} : memref<128x128xf32, #tpu.memory_space<vmem>>, vector<1x16xf32>,
      %swap3A_75 = vector.shape_cast %swap3A_74 : vector<1x16xf32> to vector<16xf32>
      %swap3A_76 = vector.shape_cast %broadcast_in_dim3A_71 : vector<16xf32> to vector<1x16xf32>
      tpu.vector_store %arg8[%swap3A_72, %swap3A_73], %swap3A_76 {strides = array<i32>} : memref<128x128xf32, #tpu.memory_space<vmem>>, vector<1x16xf32>,
      %broadcast_in_dim3A_77 = arith.constant 0.000000e+00 : f32
      %broadcast_in_dim3A_78 = vector.broadcast %broadcast_in_dim3A_77 : f32 to vector<16xf32>
      %swap3A_79 = arith.index_cast %scan3A_50 : i32 to index
      %swap3A_80 = arith.constant 64 : index
      %swap3A_81 = tpu.vector_load %arg8[%swap3A_79, %swap3A_80] {strides = array<i32>} : memref<128x128xf32, #tpu.memory_space<vmem>>, vector<1x16xf32>,
      %swap3A_82 = vector.shape_cast %swap3A_81 : vector<1x16xf32> to vector<16xf32>
      %swap3A_83 = vector.shape_cast %broadcast_in_dim3A_78 : vector<16xf32> to vector<1x16xf32>
      tpu.vector_store %arg8[%swap3A_79, %swap3A_80], %swap3A_83 {strides = array<i32>} : memref<128x128xf32, #tpu.memory_space<vmem>>, vector<1x16xf32>,
      %broadcast_in_dim3A_84 = arith.constant 0.000000e+00 : f32
      %broadcast_in_dim3A_85 = vector.broadcast %broadcast_in_dim3A_84 : f32 to vector<16xf32>
      %swap3A_86 = arith.index_cast %scan3A_50 : i32 to index
      %swap3A_87 = arith.constant 80 : index
      %swap3A_88 = tpu.vector_load %arg8[%swap3A_86, %swap3A_87] {strides = array<i32>} : memref<128x128xf32, #tpu.memory_space<vmem>>, vector<1x16xf32>,
      %swap3A_89 = vector.shape_cast %swap3A_88 : vector<1x16xf32> to vector<16xf32>
      %swap3A_90 = vector.shape_cast %broadcast_in_dim3A_85 : vector<16xf32> to vector<1x16xf32>
      tpu.vector_store %arg8[%swap3A_86, %swap3A_87], %swap3A_90 {strides = array<i32>} : memref<128x128xf32, #tpu.memory_space<vmem>>, vector<1x16xf32>,
      %broadcast_in_dim3A_91 = arith.constant 0.000000e+00 : f32
      %broadcast_in_dim3A_92 = vector.broadcast %broadcast_in_dim3A_91 : f32 to vector<16xf32>
      %swap3A_93 = arith.index_cast %scan3A_50 : i32 to index
      %swap3A_94 = arith.constant 96 : index
      %swap3A_95 = tpu.vector_load %arg8[%swap3A_93, %swap3A_94] {strides = array<i32>} : memref<128x128xf32, #tpu.memory_space<vmem>>, vector<1x16xf32>,
      %swap3A_96 = vector.shape_cast %swap3A_95 : vector<1x16xf32> to vector<16xf32>
      %swap3A_97 = vector.shape_cast %broadcast_in_dim3A_92 : vector<16xf32> to vector<1x16xf32>
      tpu.vector_store %arg8[%swap3A_93, %swap3A_94], %swap3A_97 {strides = array<i32>} : memref<128x128xf32, #tpu.memory_space<vmem>>, vector<1x16xf32>,
      %broadcast_in_dim3A_98 = arith.constant 0.000000e+00 : f32
      %broadcast_in_dim3A_99 = vector.broadcast %broadcast_in_dim3A_98 : f32 to vector<16xf32>
      %swap3A_100 = arith.index_cast %scan3A_50 : i32 to index
      %swap3A_101 = arith.constant 112 : index
      %swap3A_102 = tpu.vector_load %arg8[%swap3A_100, %swap3A_101] {strides = array<i32>} : memref<128x128xf32, #tpu.memory_space<vmem>>, vector<1x16xf32>,
      %swap3A_103 = vector.shape_cast %swap3A_102 : vector<1x16xf32> to vector<16xf32>
      %swap3A_104 = vector.shape_cast %broadcast_in_dim3A_99 : vector<16xf32> to vector<1x16xf32>
      tpu.vector_store %arg8[%swap3A_100, %swap3A_101], %swap3A_104 {strides = array<i32>} : memref<128x128xf32, #tpu.memory_space<vmem>>, vector<1x16xf32>,
      %broadcast_in_dim3A_105 = arith.constant 0.000000e+00 : f32
      %broadcast_in_dim3A_106 = vector.broadcast %broadcast_in_dim3A_105 : f32 to vector<16xf32>
      %swap3A_107 = arith.index_cast %scan3A_50 : i32 to index
      %swap3A_108 = arith.constant 0 : index
      %swap3A_109 = tpu.vector_load %arg9[%swap3A_107, %swap3A_108] {strides = array<i32>} : memref<128x128xf32, #tpu.memory_space<vmem>>, vector<1x16xf32>,
      %swap3A_110 = vector.shape_cast %swap3A_109 : vector<1x16xf32> to vector<16xf32>
      %swap3A_111 = vector.shape_cast %broadcast_in_dim3A_106 : vector<16xf32> to vector<1x16xf32>
      tpu.vector_store %arg9[%swap3A_107, %swap3A_108], %swap3A_111 {strides = array<i32>} : memref<128x128xf32, #tpu.memory_space<vmem>>, vector<1x16xf32>,
      %broadcast_in_dim3A_112 = arith.constant 0.000000e+00 : f32
      %broadcast_in_dim3A_113 = vector.broadcast %broadcast_in_dim3A_112 : f32 to vector<16xf32>
      %swap3A_114 = arith.index_cast %scan3A_50 : i32 to index
      %swap3A_115 = arith.constant 16 : index
      %swap3A_116 = tpu.vector_load %arg9[%swap3A_114, %swap3A_115] {strides = array<i32>} : memref<128x128xf32, #tpu.memory_space<vmem>>, vector<1x16xf32>,
      %swap3A_117 = vector.shape_cast %swap3A_116 : vector<1x16xf32> to vector<16xf32>
      %swap3A_118 = vector.shape_cast %broadcast_in_dim3A_113 : vector<16xf32> to vector<1x16xf32>
      tpu.vector_store %arg9[%swap3A_114, %swap3A_115], %swap3A_118 {strides = array<i32>} : memref<128x128xf32, #tpu.memory_space<vmem>>, vector<1x16xf32>,
      %broadcast_in_dim3A_119 = arith.constant 0.000000e+00 : f32
      %broadcast_in_dim3A_120 = vector.broadcast %broadcast_in_dim3A_119 : f32 to vector<16xf32>
      %swap3A_121 = arith.index_cast %scan3A_50 : i32 to index
      %swap3A_122 = arith.constant 32 : index
      %swap3A_123 = tpu.vector_load %arg9[%swap3A_121, %swap3A_122] {strides = array<i32>} : memref<128x128xf32, #tpu.memory_space<vmem>>, vector<1x16xf32>,
      %swap3A_124 = vector.shape_cast %swap3A_123 : vector<1x16xf32> to vector<16xf32>
      %swap3A_125 = vector.shape_cast %broadcast_in_dim3A_120 : vector<16xf32> to vector<1x16xf32>
      tpu.vector_store %arg9[%swap3A_121, %swap3A_122], %swap3A_125 {strides = array<i32>} : memref<128x128xf32, #tpu.memory_space<vmem>>, vector<1x16xf32>,
      %broadcast_in_dim3A_126 = arith.constant 0.000000e+00 : f32
      %broadcast_in_dim3A_127 = vector.broadcast %broadcast_in_dim3A_126 : f32 to vector<16xf32>
      %swap3A_128 = arith.index_cast %scan3A_50 : i32 to index
      %swap3A_129 = arith.constant 48 : index
      %swap3A_130 = tpu.vector_load %arg9[%swap3A_128, %swap3A_129] {strides = array<i32>} : memref<128x128xf32, #tpu.memory_space<vmem>>, vector<1x16xf32>,
      %swap3A_131 = vector.shape_cast %swap3A_130 : vector<1x16xf32> to vector<16xf32>
      %swap3A_132 = vector.shape_cast %broadcast_in_dim3A_127 : vector<16xf32> to vector<1x16xf32>
      tpu.vector_store %arg9[%swap3A_128, %swap3A_129], %swap3A_132 {strides = array<i32>} : memref<128x128xf32, #tpu.memory_space<vmem>>, vector<1x16xf32>,
      %broadcast_in_dim3A_133 = arith.constant 0.000000e+00 : f32
      %broadcast_in_dim3A_134 = vector.broadcast %broadcast_in_dim3A_133 : f32 to vector<16xf32>
      %swap3A_135 = arith.index_cast %scan3A_50 : i32 to index
      %swap3A_136 = arith.constant 64 : index
      %swap3A_137 = tpu.vector_load %arg9[%swap3A_135, %swap3A_136] {strides = array<i32>} : memref<128x128xf32, #tpu.memory_space<vmem>>, vector<1x16xf32>,
      %swap3A_138 = vector.shape_cast %swap3A_137 : vector<1x16xf32> to vector<16xf32>
      %swap3A_139 = vector.shape_cast %broadcast_in_dim3A_134 : vector<16xf32> to vector<1x16xf32>
      tpu.vector_store %arg9[%swap3A_135, %swap3A_136], %swap3A_139 {strides = array<i32>} : memref<128x128xf32, #tpu.memory_space<vmem>>, vector<1x16xf32>,
      %broadcast_in_dim3A_140 = arith.constant 0.000000e+00 : f32
      %broadcast_in_dim3A_141 = vector.broadcast %broadcast_in_dim3A_140 : f32 to vector<16xf32>
      %swap3A_142 = arith.index_cast %scan3A_50 : i32 to index
      %swap3A_143 = arith.constant 80 : index
      %swap3A_144 = tpu.vector_load %arg9[%swap3A_142, %swap3A_143] {strides = array<i32>} : memref<128x128xf32, #tpu.memory_space<vmem>>, vector<1x16xf32>,
      %swap3A_145 = vector.shape_cast %swap3A_144 : vector<1x16xf32> to vector<16xf32>
      %swap3A_146 = vector.shape_cast %broadcast_in_dim3A_141 : vector<16xf32> to vector<1x16xf32>
      tpu.vector_store %arg9[%swap3A_142, %swap3A_143], %swap3A_146 {strides = array<i32>} : memref<128x128xf32, #tpu.memory_space<vmem>>, vector<1x16xf32>,
      %broadcast_in_dim3A_147 = arith.constant 0.000000e+00 : f32
      %broadcast_in_dim3A_148 = vector.broadcast %broadcast_in_dim3A_147 : f32 to vector<16xf32>
      %swap3A_149 = arith.index_cast %scan3A_50 : i32 to index
      %swap3A_150 = arith.constant 96 : index
      %swap3A_151 = tpu.vector_load %arg9[%swap3A_149, %swap3A_150] {strides = array<i32>} : memref<128x128xf32, #tpu.memory_space<vmem>>, vector<1x16xf32>,
      %swap3A_152 = vector.shape_cast %swap3A_151 : vector<1x16xf32> to vector<16xf32>
      %swap3A_153 = vector.shape_cast %broadcast_in_dim3A_148 : vector<16xf32> to vector<1x16xf32>
      tpu.vector_store %arg9[%swap3A_149, %swap3A_150], %swap3A_153 {strides = array<i32>} : memref<128x128xf32, #tpu.memory_space<vmem>>, vector<1x16xf32>,
      %broadcast_in_dim3A_154 = arith.constant 0.000000e+00 : f32
      %broadcast_in_dim3A_155 = vector.broadcast %broadcast_in_dim3A_154 : f32 to vector<16xf32>
      %swap3A_156 = arith.index_cast %scan3A_50 : i32 to index
      %swap3A_157 = arith.constant 112 : index
      %swap3A_158 = tpu.vector_load %arg9[%swap3A_156, %swap3A_157] {strides = array<i32>} : memref<128x128xf32, #tpu.memory_space<vmem>>, vector<1x16xf32>,
      %swap3A_159 = vector.shape_cast %swap3A_158 : vector<1x16xf32> to vector<16xf32>
      %swap3A_160 = vector.shape_cast %broadcast_in_dim3A_155 : vector<16xf32> to vector<1x16xf32>
      tpu.vector_store %arg9[%swap3A_156, %swap3A_157], %swap3A_160 {strides = array<i32>} : memref<128x128xf32, #tpu.memory_space<vmem>>, vector<1x16xf32>,
    }
    %scan3A_5 = arith.constant 128 : i32
    %mul3A_6 = arith.constant 640 : i32
    %mul3A_7 = arith.muli %arg1, %mul3A_6 : i32
    %add3A_8 = arith.constant 0 : i32
    %add3A_9 = arith.addi %mul3A_7, %add3A_8 : i32
    "tpu.region"() ({
      %run_scoped3A = tpu.sem_alloc : memref<!tpu.dma_semaphore, #tpu.memory_space<semaphore_mem>>
      %dma_start3A = arith.constant 0 : i32
      %dma_start3A_50 = tpu.memref_slice %arg10[%add3A_9, %dma_start3A] : memref<10240x128xf32, #tpu.memory_space<vmem_shared>> -> memref<128x128xf32, #tpu.memory_space<vmem_shared>>
      %dma_start3A_51 = arith.constant 0 : i32
      %dma_start3A_52 = tpu.memref_slice %arg10[%add3A_9, %dma_start3A_51] : memref<10240x128xf32, #tpu.memory_space<vmem_shared>> -> memref<128x128xf32, #tpu.memory_space<vmem_shared>>
      tpu.enqueue_dma source(%arg8 : memref<128x128xf32, #tpu.memory_space<vmem>>) target(%dma_start3A_52 : memref<128x128xf32, #tpu.memory_space<vmem_shared>>) target_semaphore(%run_scoped3A : memref<!tpu.dma_semaphore, #tpu.memory_space<semaphore_mem>>)
      %dma_wait3A = arith.constant 0 : i32
      %dma_wait3A_53 = tpu.memref_slice %arg10[%add3A_9, %dma_wait3A] : memref<10240x128xf32, #tpu.memory_space<vmem_shared>> -> memref<128x128xf32, #tpu.memory_space<vmem_shared>>
      %dma_wait3A_54 = arith.constant 0 : i32
      %dma_wait3A_55 = tpu.memref_slice %arg10[%add3A_9, %dma_wait3A_54] : memref<10240x128xf32, #tpu.memory_space<vmem_shared>> -> memref<128x128xf32, #tpu.memory_space<vmem_shared>>
      tpu.wait_dma2 semaphore(%run_scoped3A : memref<!tpu.dma_semaphore, #tpu.memory_space<semaphore_mem>>) src(%arg8 : memref<128x128xf32, #tpu.memory_space<vmem>>) dst(%dma_wait3A_55 : memref<128x128xf32, #tpu.memory_space<vmem_shared>>)
      tpu.yield
    }) : () -> ()
    %add3A_10 = arith.constant 128 : i32
    %add3A_11 = arith.addi %mul3A_7, %add3A_10 : i32
    "tpu.region"() ({
      %run_scoped3A = tpu.sem_alloc : memref<!tpu.dma_semaphore, #tpu.memory_space<semaphore_mem>>
      %dma_start3A = arith.constant 0 : i32
      %dma_start3A_50 = tpu.memref_slice %arg10[%add3A_11, %dma_start3A] : memref<10240x128xf32, #tpu.memory_space<vmem_shared>> -> memref<128x128xf32, #tpu.memory_space<vmem_shared>>
      %dma_start3A_51 = arith.constant 0 : i32
      %dma_start3A_52 = tpu.memref_slice %arg10[%add3A_11, %dma_start3A_51] : memref<10240x128xf32, #tpu.memory_space<vmem_shared>> -> memref<128x128xf32, #tpu.memory_space<vmem_shared>>
      tpu.enqueue_dma source(%arg9 : memref<128x128xf32, #tpu.memory_space<vmem>>) target(%dma_start3A_52 : memref<128x128xf32, #tpu.memory_space<vmem_shared>>) target_semaphore(%run_scoped3A : memref<!tpu.dma_semaphore, #tpu.memory_space<semaphore_mem>>)
      %dma_wait3A = arith.constant 0 : i32
      %dma_wait3A_53 = tpu.memref_slice %arg10[%add3A_11, %dma_wait3A] : memref<10240x128xf32, #tpu.memory_space<vmem_shared>> -> memref<128x128xf32, #tpu.memory_space<vmem_shared>>
      %dma_wait3A_54 = arith.constant 0 : i32
      %dma_wait3A_55 = tpu.memref_slice %arg10[%add3A_11, %dma_wait3A_54] : memref<10240x128xf32, #tpu.memory_space<vmem_shared>> -> memref<128x128xf32, #tpu.memory_space<vmem_shared>>
      tpu.wait_dma2 semaphore(%run_scoped3A : memref<!tpu.dma_semaphore, #tpu.memory_space<semaphore_mem>>) src(%arg9 : memref<128x128xf32, #tpu.memory_space<vmem>>) dst(%dma_wait3A_55 : memref<128x128xf32, #tpu.memory_space<vmem_shared>>)
      tpu.yield
    }) : () -> ()
    %add3A_12 = arith.constant 256 : i32
    %add3A_13 = arith.addi %mul3A_7, %add3A_12 : i32
    "tpu.region"() ({
      %run_scoped3A = tpu.sem_alloc : memref<!tpu.dma_semaphore, #tpu.memory_space<semaphore_mem>>
      %dma_start3A = arith.constant 0 : i32
      %dma_start3A_50 = tpu.memref_slice %arg10[%add3A_13, %dma_start3A] : memref<10240x128xf32, #tpu.memory_space<vmem_shared>> -> memref<128x128xf32, #tpu.memory_space<vmem_shared>>
      %dma_start3A_51 = arith.constant 0 : i32
      %dma_start3A_52 = tpu.memref_slice %arg10[%add3A_13, %dma_start3A_51] : memref<10240x128xf32, #tpu.memory_space<vmem_shared>> -> memref<128x128xf32, #tpu.memory_space<vmem_shared>>
      tpu.enqueue_dma source(%arg8 : memref<128x128xf32, #tpu.memory_space<vmem>>) target(%dma_start3A_52 : memref<128x128xf32, #tpu.memory_space<vmem_shared>>) target_semaphore(%run_scoped3A : memref<!tpu.dma_semaphore, #tpu.memory_space<semaphore_mem>>)
      %dma_wait3A = arith.constant 0 : i32
      %dma_wait3A_53 = tpu.memref_slice %arg10[%add3A_13, %dma_wait3A] : memref<10240x128xf32, #tpu.memory_space<vmem_shared>> -> memref<128x128xf32, #tpu.memory_space<vmem_shared>>
      %dma_wait3A_54 = arith.constant 0 : i32
      %dma_wait3A_55 = tpu.memref_slice %arg10[%add3A_13, %dma_wait3A_54] : memref<10240x128xf32, #tpu.memory_space<vmem_shared>> -> memref<128x128xf32, #tpu.memory_space<vmem_shared>>
      tpu.wait_dma2 semaphore(%run_scoped3A : memref<!tpu.dma_semaphore, #tpu.memory_space<semaphore_mem>>) src(%arg8 : memref<128x128xf32, #tpu.memory_space<vmem>>) dst(%dma_wait3A_55 : memref<128x128xf32, #tpu.memory_space<vmem_shared>>)
      tpu.yield
    }) : () -> ()
    %add3A_14 = arith.constant 384 : i32
    %add3A_15 = arith.addi %mul3A_7, %add3A_14 : i32
    "tpu.region"() ({
      %run_scoped3A = tpu.sem_alloc : memref<!tpu.dma_semaphore, #tpu.memory_space<semaphore_mem>>
      %dma_start3A = arith.constant 0 : i32
      %dma_start3A_50 = tpu.memref_slice %arg10[%add3A_15, %dma_start3A] : memref<10240x128xf32, #tpu.memory_space<vmem_shared>> -> memref<128x128xf32, #tpu.memory_space<vmem_shared>>
      %dma_start3A_51 = arith.constant 0 : i32
      %dma_start3A_52 = tpu.memref_slice %arg10[%add3A_15, %dma_start3A_51] : memref<10240x128xf32, #tpu.memory_space<vmem_shared>> -> memref<128x128xf32, #tpu.memory_space<vmem_shared>>
      tpu.enqueue_dma source(%arg9 : memref<128x128xf32, #tpu.memory_space<vmem>>) target(%dma_start3A_52 : memref<128x128xf32, #tpu.memory_space<vmem_shared>>) target_semaphore(%run_scoped3A : memref<!tpu.dma_semaphore, #tpu.memory_space<semaphore_mem>>)
      %dma_wait3A = arith.constant 0 : i32
      %dma_wait3A_53 = tpu.memref_slice %arg10[%add3A_15, %dma_wait3A] : memref<10240x128xf32, #tpu.memory_space<vmem_shared>> -> memref<128x128xf32, #tpu.memory_space<vmem_shared>>
      %dma_wait3A_54 = arith.constant 0 : i32
      %dma_wait3A_55 = tpu.memref_slice %arg10[%add3A_15, %dma_wait3A_54] : memref<10240x128xf32, #tpu.memory_space<vmem_shared>> -> memref<128x128xf32, #tpu.memory_space<vmem_shared>>
      tpu.wait_dma2 semaphore(%run_scoped3A : memref<!tpu.dma_semaphore, #tpu.memory_space<semaphore_mem>>) src(%arg9 : memref<128x128xf32, #tpu.memory_space<vmem>>) dst(%dma_wait3A_55 : memref<128x128xf32, #tpu.memory_space<vmem_shared>>)
      tpu.yield
    }) : () -> ()
    %add3A_16 = arith.constant 512 : i32
    %add3A_17 = arith.addi %mul3A_7, %add3A_16 : i32
    "tpu.region"() ({
      %run_scoped3A = tpu.sem_alloc : memref<!tpu.dma_semaphore, #tpu.memory_space<semaphore_mem>>
      %dma_start3A = arith.constant 0 : i32
      %dma_start3A_50 = tpu.memref_slice %arg10[%add3A_17, %dma_start3A] : memref<10240x128xf32, #tpu.memory_space<vmem_shared>> -> memref<128x128xf32, #tpu.memory_space<vmem_shared>>
      %dma_start3A_51 = arith.constant 0 : i32
      %dma_start3A_52 = tpu.memref_slice %arg10[%add3A_17, %dma_start3A_51] : memref<10240x128xf32, #tpu.memory_space<vmem_shared>> -> memref<128x128xf32, #tpu.memory_space<vmem_shared>>
      tpu.enqueue_dma source(%arg8 : memref<128x128xf32, #tpu.memory_space<vmem>>) target(%dma_start3A_52 : memref<128x128xf32, #tpu.memory_space<vmem_shared>>) target_semaphore(%run_scoped3A : memref<!tpu.dma_semaphore, #tpu.memory_space<semaphore_mem>>)
      %dma_wait3A = arith.constant 0 : i32
      %dma_wait3A_53 = tpu.memref_slice %arg10[%add3A_17, %dma_wait3A] : memref<10240x128xf32, #tpu.memory_space<vmem_shared>> -> memref<128x128xf32, #tpu.memory_space<vmem_shared>>
      %dma_wait3A_54 = arith.constant 0 : i32
      %dma_wait3A_55 = tpu.memref_slice %arg10[%add3A_17, %dma_wait3A_54] : memref<10240x128xf32, #tpu.memory_space<vmem_shared>> -> memref<128x128xf32, #tpu.memory_space<vmem_shared>>
      tpu.wait_dma2 semaphore(%run_scoped3A : memref<!tpu.dma_semaphore, #tpu.memory_space<semaphore_mem>>) src(%arg8 : memref<128x128xf32, #tpu.memory_space<vmem>>) dst(%dma_wait3A_55 : memref<128x128xf32, #tpu.memory_space<vmem_shared>>)
      tpu.yield
    }) : () -> ()
    %barrier3A = arith.constant 0 : index
    tpu.barrier barrier_id(%barrier3A)
    %mul3A_18 = arith.constant 2 : i32
    %mul3A_19 = arith.muli %add3A, %mul3A_18 : i32
    %add3A_20 = arith.constant 0 : i32
    %add3A_21 = arith.addi %mul3A_19, %add3A_20 : i32
    "tpu.region"() ({
      %run_scoped3A = tpu.sem_alloc : memref<!tpu.dma_semaphore, #tpu.memory_space<semaphore_mem>>
      %dma_start3A = arith.constant 0 : i32
      %dma_start3A_50 = tpu.memref_slice %arg3[%add3A_21, %dma_start3A] : memref<64x5120xi32, #tpu.memory_space<hbm>> -> memref<1x5120xi32, #tpu.memory_space<hbm>>
      %dma_start3A_51 = tpu.memref_squeeze %dma_start3A_50 : memref<1x5120xi32, #tpu.memory_space<hbm>> -> memref<5120xi32, #tpu.memory_space<hbm>>
      %dma_start3A_52 = arith.constant 0 : i32
      %dma_start3A_53 = tpu.memref_slice %arg3[%add3A_21, %dma_start3A_52] : memref<64x5120xi32, #tpu.memory_space<hbm>> -> memref<1x5120xi32, #tpu.memory_space<hbm>>
      %dma_start3A_54 = tpu.memref_squeeze %dma_start3A_53 : memref<1x5120xi32, #tpu.memory_space<hbm>> -> memref<5120xi32, #tpu.memory_space<hbm>>
      tpu.enqueue_dma source(%dma_start3A_54 : memref<5120xi32, #tpu.memory_space<hbm>>) target(%arg6 : memref<5120xi32, #tpu.memory_space<vmem>>) target_semaphore(%run_scoped3A : memref<!tpu.dma_semaphore, #tpu.memory_space<semaphore_mem>>)
      %dma_wait3A = arith.constant 0 : i32
      %dma_wait3A_55 = tpu.memref_slice %arg3[%add3A_21, %dma_wait3A] : memref<64x5120xi32, #tpu.memory_space<hbm>> -> memref<1x5120xi32, #tpu.memory_space<hbm>>
      %dma_wait3A_56 = tpu.memref_squeeze %dma_wait3A_55 : memref<1x5120xi32, #tpu.memory_space<hbm>> -> memref<5120xi32, #tpu.memory_space<hbm>>
      %dma_wait3A_57 = arith.constant 0 : i32
      %dma_wait3A_58 = tpu.memref_slice %arg3[%add3A_21, %dma_wait3A_57] : memref<64x5120xi32, #tpu.memory_space<hbm>> -> memref<1x5120xi32, #tpu.memory_space<hbm>>
      %dma_wait3A_59 = tpu.memref_squeeze %dma_wait3A_58 : memref<1x5120xi32, #tpu.memory_space<hbm>> -> memref<5120xi32, #tpu.memory_space<hbm>>
      tpu.wait_dma2 semaphore(%run_scoped3A : memref<!tpu.dma_semaphore, #tpu.memory_space<semaphore_mem>>) src(%dma_wait3A_59 : memref<5120xi32, #tpu.memory_space<hbm>>) dst(%arg6 : memref<5120xi32, #tpu.memory_space<vmem>>)
      tpu.yield
    }) : () -> ()
    %mul3A_22 = arith.constant 2 : i32
    %mul3A_23 = arith.muli %add3A, %mul3A_22 : i32
    %add3A_24 = arith.constant 0 : i32
    %add3A_25 = arith.addi %mul3A_23, %add3A_24 : i32
    "tpu.region"() ({
      %run_scoped3A = tpu.sem_alloc : memref<!tpu.dma_semaphore, #tpu.memory_space<semaphore_mem>>
      %dma_start3A = arith.constant 0 : i32
      %dma_start3A_50 = arith.constant 0 : i32
      %dma_start3A_51 = tpu.memref_slice %arg4[%add3A_25, %dma_start3A, %dma_start3A_50] : memref<64x40x128xi32, #tpu.memory_space<hbm>> -> memref<1x40x128xi32, #tpu.memory_space<hbm>>
      %dma_start3A_52 = tpu.memref_squeeze %dma_start3A_51 : memref<1x40x128xi32, #tpu.memory_space<hbm>> -> memref<40x128xi32, #tpu.memory_space<hbm>>
      %dma_start3A_53 = arith.constant 0 : i32
      %dma_start3A_54 = arith.constant 0 : i32
      %dma_start3A_55 = tpu.memref_slice %arg4[%add3A_25, %dma_start3A_53, %dma_start3A_54] : memref<64x40x128xi32, #tpu.memory_space<hbm>> -> memref<1x40x128xi32, #tpu.memory_space<hbm>>
      %dma_start3A_56 = tpu.memref_squeeze %dma_start3A_55 : memref<1x40x128xi32, #tpu.memory_space<hbm>> -> memref<40x128xi32, #tpu.memory_space<hbm>>
      tpu.enqueue_dma source(%dma_start3A_56 : memref<40x128xi32, #tpu.memory_space<hbm>>) target(%arg7 : memref<40x128xi32, #tpu.memory_space<vmem>>) target_semaphore(%run_scoped3A : memref<!tpu.dma_semaphore, #tpu.memory_space<semaphore_mem>>)
      %dma_wait3A = arith.constant 0 : i32
      %dma_wait3A_57 = arith.constant 0 : i32
      %dma_wait3A_58 = tpu.memref_slice %arg4[%add3A_25, %dma_wait3A, %dma_wait3A_57] : memref<64x40x128xi32, #tpu.memory_space<hbm>> -> memref<1x40x128xi32, #tpu.memory_space<hbm>>
      %dma_wait3A_59 = tpu.memref_squeeze %dma_wait3A_58 : memref<1x40x128xi32, #tpu.memory_space<hbm>> -> memref<40x128xi32, #tpu.memory_space<hbm>>
      %dma_wait3A_60 = arith.constant 0 : i32
      %dma_wait3A_61 = arith.constant 0 : i32
      %dma_wait3A_62 = tpu.memref_slice %arg4[%add3A_25, %dma_wait3A_60, %dma_wait3A_61] : memref<64x40x128xi32, #tpu.memory_space<hbm>> -> memref<1x40x128xi32, #tpu.memory_space<hbm>>
      %dma_wait3A_63 = tpu.memref_squeeze %dma_wait3A_62 : memref<1x40x128xi32, #tpu.memory_space<hbm>> -> memref<40x128xi32, #tpu.memory_space<hbm>>
      tpu.wait_dma2 semaphore(%run_scoped3A : memref<!tpu.dma_semaphore, #tpu.memory_space<semaphore_mem>>) src(%dma_wait3A_63 : memref<40x128xi32, #tpu.memory_space<hbm>>) dst(%arg7 : memref<40x128xi32, #tpu.memory_space<vmem>>)
      tpu.yield
    }) : () -> ()
    %scan3A_26 = arith.constant 0 : i32
    %scan3A_27 = arith.constant 0 : i32
    %scan3A_28 = arith.constant 20 : i32
    %scan3A_29 = arith.addi %scan3A_27, %scan3A_28 : i32
    %scan3A_30 = arith.constant 1 : i32
    scf.for %scan3A_50 = %scan3A_27 to %scan3A_29 step %scan3A_30  : i32 {
      %mul3A_51 = arith.constant 2 : i32
      %mul3A_52 = arith.muli %mul3A_51, %scan3A_50 : i32
      %add3A_53 = arith.constant 0 : i32
      %add3A_54 = arith.addi %mul3A_52, %add3A_53 : i32
      %mul3A_55 = arith.constant 128 : i32
      %mul3A_56 = arith.muli %add3A_54, %mul3A_55 : i32
      %dma_start3A = tpu.memref_slice %arg6[%mul3A_56] : memref<5120xi32, #tpu.memory_space<vmem>> -> memref<128xi32, #tpu.memory_space<vmem>>
      %dma_start3A_57 = arith.constant 0 : i32
      %dma_start3A_58 = arith.constant 0 : i32
      %dma_start3A_59 = tpu.memref_slice %arg2[%dma_start3A_57, %dma_start3A_58] : memref<10000x128xf32, #tpu.memory_space<hbm>> -> memref<10000x128xf32, #tpu.memory_space<hbm>>
      tpu.enqueue_indirect_dma source(%dma_start3A_59 : memref<10000x128xf32, #tpu.memory_space<hbm>>) target(%arg8 : memref<128x128xf32, #tpu.memory_space<vmem>>) offsets(%dma_start3A : memref<128xi32, #tpu.memory_space<vmem>>) semaphore(%arg11 : memref<!tpu.dma_semaphore, #tpu.memory_space<semaphore_mem>>)
      %mul3A_60 = arith.constant 2 : i32
      %mul3A_61 = arith.muli %mul3A_60, %scan3A_50 : i32
      %add3A_62 = arith.constant 1 : i32
      %add3A_63 = arith.addi %mul3A_61, %add3A_62 : i32
      %mul3A_64 = arith.constant 128 : i32
      %mul3A_65 = arith.muli %add3A_63, %mul3A_64 : i32
      %dma_start3A_66 = tpu.memref_slice %arg6[%mul3A_65] : memref<5120xi32, #tpu.memory_space<vmem>> -> memref<128xi32, #tpu.memory_space<vmem>>
      %dma_start3A_67 = arith.constant 0 : i32
      %dma_start3A_68 = arith.constant 0 : i32
      %dma_start3A_69 = tpu.memref_slice %arg2[%dma_start3A_67, %dma_start3A_68] : memref<10000x128xf32, #tpu.memory_space<hbm>> -> memref<10000x128xf32, #tpu.memory_space<hbm>>
      tpu.enqueue_indirect_dma source(%dma_start3A_69 : memref<10000x128xf32, #tpu.memory_space<hbm>>) target(%arg9 : memref<128x128xf32, #tpu.memory_space<vmem>>) offsets(%dma_start3A_66 : memref<128xi32, #tpu.memory_space<vmem>>) semaphore(%arg11 : memref<!tpu.dma_semaphore, #tpu.memory_space<semaphore_mem>>)
      %dma_wait3A = tpu.memref_slice %arg6[%mul3A_56] : memref<5120xi32, #tpu.memory_space<vmem>> -> memref<128xi32, #tpu.memory_space<vmem>>
      %dma_wait3A_70 = arith.constant 0 : i32
      %dma_wait3A_71 = arith.constant 0 : i32
      %dma_wait3A_72 = tpu.memref_slice %arg2[%dma_wait3A_70, %dma_wait3A_71] : memref<10000x128xf32, #tpu.memory_space<hbm>> -> memref<10000x128xf32, #tpu.memory_space<hbm>>
      tpu.wait_indirect_dma semaphore(%arg11 : memref<!tpu.dma_semaphore, #tpu.memory_space<semaphore_mem>>) src(%dma_wait3A_72 : memref<10000x128xf32, #tpu.memory_space<hbm>>) dst(%arg8 : memref<128x128xf32, #tpu.memory_space<vmem>>)
      %dma_wait3A_73 = tpu.memref_slice %arg6[%mul3A_65] : memref<5120xi32, #tpu.memory_space<vmem>> -> memref<128xi32, #tpu.memory_space<vmem>>
      %dma_wait3A_74 = arith.constant 0 : i32
      %dma_wait3A_75 = arith.constant 0 : i32
      %dma_wait3A_76 = tpu.memref_slice %arg2[%dma_wait3A_74, %dma_wait3A_75] : memref<10000x128xf32, #tpu.memory_space<hbm>> -> memref<10000x128xf32, #tpu.memory_space<hbm>>
      tpu.wait_indirect_dma semaphore(%arg11 : memref<!tpu.dma_semaphore, #tpu.memory_space<semaphore_mem>>) src(%dma_wait3A_76 : memref<10000x128xf32, #tpu.memory_space<hbm>>) dst(%arg9 : memref<128x128xf32, #tpu.memory_space<vmem>>)
      %mul3A_77 = arith.constant 2 : i32
      %mul3A_78 = arith.muli %mul3A_77, %scan3A_50 : i32
      %add3A_79 = arith.constant 0 : i32
      %add3A_80 = arith.addi %mul3A_78, %add3A_79 : i32
      %dma_start3A_81 = arith.constant 0 : i32
      %dma_start3A_82 = tpu.memref_slice %arg7[%add3A_80, %dma_start3A_81] : memref<40x128xi32, #tpu.memory_space<vmem>> -> memref<1x128xi32, #tpu.memory_space<vmem>>
      %dma_start3A_83 = tpu.memref_squeeze %dma_start3A_82 : memref<1x128xi32, #tpu.memory_space<vmem>> -> memref<128xi32, #tpu.memory_space<vmem>>
      %dma_start3A_84 = arith.constant 0 : i32
      %dma_start3A_85 = arith.constant 0 : i32
      %dma_start3A_86 = tpu.memref_slice %arg10[%dma_start3A_84, %dma_start3A_85] : memref<10240x128xf32, #tpu.memory_space<vmem_shared>> -> memref<10240x128xf32, #tpu.memory_space<vmem_shared>>
      tpu.enqueue_indirect_dma source(%arg8 : memref<128x128xf32, #tpu.memory_space<vmem>>) target(%dma_start3A_86 : memref<10240x128xf32, #tpu.memory_space<vmem_shared>>) offsets(%dma_start3A_83 : memref<128xi32, #tpu.memory_space<vmem>>) semaphore(%arg12 : memref<!tpu.dma_semaphore, #tpu.memory_space<semaphore_mem>>) {add = true}
      %mul3A_87 = arith.constant 2 : i32
      %mul3A_88 = arith.muli %mul3A_87, %scan3A_50 : i32
      %add3A_89 = arith.constant 1 : i32
      %add3A_90 = arith.addi %mul3A_88, %add3A_89 : i32
      %dma_start3A_91 = arith.constant 0 : i32
      %dma_start3A_92 = tpu.memref_slice %arg7[%add3A_90, %dma_start3A_91] : memref<40x128xi32, #tpu.memory_space<vmem>> -> memref<1x128xi32, #tpu.memory_space<vmem>>
      %dma_start3A_93 = tpu.memref_squeeze %dma_start3A_92 : memref<1x128xi32, #tpu.memory_space<vmem>> -> memref<128xi32, #tpu.memory_space<vmem>>
      %dma_start3A_94 = arith.constant 0 : i32
      %dma_start3A_95 = arith.constant 0 : i32
      %dma_start3A_96 = tpu.memref_slice %arg10[%dma_start3A_94, %dma_start3A_95] : memref<10240x128xf32, #tpu.memory_space<vmem_shared>> -> memref<10240x128xf32, #tpu.memory_space<vmem_shared>>
      tpu.enqueue_indirect_dma source(%arg9 : memref<128x128xf32, #tpu.memory_space<vmem>>) target(%dma_start3A_96 : memref<10240x128xf32, #tpu.memory_space<vmem_shared>>) offsets(%dma_start3A_93 : memref<128xi32, #tpu.memory_space<vmem>>) semaphore(%arg12 : memref<!tpu.dma_semaphore, #tpu.memory_space<semaphore_mem>>) {add = true}
      %dma_wait3A_97 = arith.constant 0 : i32
      %dma_wait3A_98 = tpu.memref_slice %arg7[%add3A_80, %dma_wait3A_97] : memref<40x128xi32, #tpu.memory_space<vmem>> -> memref<1x128xi32, #tpu.memory_space<vmem>>
      %dma_wait3A_99 = tpu.memref_squeeze %dma_wait3A_98 : memref<1x128xi32, #tpu.memory_space<vmem>> -> memref<128xi32, #tpu.memory_space<vmem>>
      %dma_wait3A_100 = arith.constant 0 : i32
      %dma_wait3A_101 = arith.constant 0 : i32
      %dma_wait3A_102 = tpu.memref_slice %arg10[%dma_wait3A_100, %dma_wait3A_101] : memref<10240x128xf32, #tpu.memory_space<vmem_shared>> -> memref<10240x128xf32, #tpu.memory_space<vmem_shared>>
      tpu.wait_indirect_dma semaphore(%arg12 : memref<!tpu.dma_semaphore, #tpu.memory_space<semaphore_mem>>) src(%arg8 : memref<128x128xf32, #tpu.memory_space<vmem>>) dst(%dma_wait3A_102 : memref<10240x128xf32, #tpu.memory_space<vmem_shared>>)
      %dma_wait3A_103 = arith.constant 0 : i32
      %dma_wait3A_104 = tpu.memref_slice %arg7[%add3A_90, %dma_wait3A_103] : memref<40x128xi32, #tpu.memory_space<vmem>> -> memref<1x128xi32, #tpu.memory_space<vmem>>
      %dma_wait3A_105 = tpu.memref_squeeze %dma_wait3A_104 : memref<1x128xi32, #tpu.memory_space<vmem>> -> memref<128xi32, #tpu.memory_space<vmem>>
      %dma_wait3A_106 = arith.constant 0 : i32
      %dma_wait3A_107 = arith.constant 0 : i32
      %dma_wait3A_108 = tpu.memref_slice %arg10[%dma_wait3A_106, %dma_wait3A_107] : memref<10240x128xf32, #tpu.memory_space<vmem_shared>> -> memref<10240x128xf32, #tpu.memory_space<vmem_shared>>
      tpu.wait_indirect_dma semaphore(%arg12 : memref<!tpu.dma_semaphore, #tpu.memory_space<semaphore_mem>>) src(%arg9 : memref<128x128xf32, #tpu.memory_space<vmem>>) dst(%dma_wait3A_108 : memref<10240x128xf32, #tpu.memory_space<vmem_shared>>)
    }
    %scan3A_31 = arith.constant 20 : i32
    %mul3A_32 = arith.constant 2 : i32
    %mul3A_33 = arith.muli %add3A, %mul3A_32 : i32
    %add3A_34 = arith.constant 1 : i32
    %add3A_35 = arith.addi %mul3A_33, %add3A_34 : i32
    "tpu.region"() ({
      %run_scoped3A = tpu.sem_alloc : memref<!tpu.dma_semaphore, #tpu.memory_space<semaphore_mem>>
      %dma_start3A = arith.constant 0 : i32
      %dma_start3A_50 = tpu.memref_slice %arg3[%add3A_35, %dma_start3A] : memref<64x5120xi32, #tpu.memory_space<hbm>> -> memref<1x5120xi32, #tpu.memory_space<hbm>>
      %dma_start3A_51 = tpu.memref_squeeze %dma_start3A_50 : memref<1x5120xi32, #tpu.memory_space<hbm>> -> memref<5120xi32, #tpu.memory_space<hbm>>
      %dma_start3A_52 = arith.constant 0 : i32
      %dma_start3A_53 = tpu.memref_slice %arg3[%add3A_35, %dma_start3A_52] : memref<64x5120xi32, #tpu.memory_space<hbm>> -> memref<1x5120xi32, #tpu.memory_space<hbm>>
      %dma_start3A_54 = tpu.memref_squeeze %dma_start3A_53 : memref<1x5120xi32, #tpu.memory_space<hbm>> -> memref<5120xi32, #tpu.memory_space<hbm>>
      tpu.enqueue_dma source(%dma_start3A_54 : memref<5120xi32, #tpu.memory_space<hbm>>) target(%arg6 : memref<5120xi32, #tpu.memory_space<vmem>>) target_semaphore(%run_scoped3A : memref<!tpu.dma_semaphore, #tpu.memory_space<semaphore_mem>>)
      %dma_wait3A = arith.constant 0 : i32
      %dma_wait3A_55 = tpu.memref_slice %arg3[%add3A_35, %dma_wait3A] : memref<64x5120xi32, #tpu.memory_space<hbm>> -> memref<1x5120xi32, #tpu.memory_space<hbm>>
      %dma_wait3A_56 = tpu.memref_squeeze %dma_wait3A_55 : memref<1x5120xi32, #tpu.memory_space<hbm>> -> memref<5120xi32, #tpu.memory_space<hbm>>
      %dma_wait3A_57 = arith.constant 0 : i32
      %dma_wait3A_58 = tpu.memref_slice %arg3[%add3A_35, %dma_wait3A_57] : memref<64x5120xi32, #tpu.memory_space<hbm>> -> memref<1x5120xi32, #tpu.memory_space<hbm>>
      %dma_wait3A_59 = tpu.memref_squeeze %dma_wait3A_58 : memref<1x5120xi32, #tpu.memory_space<hbm>> -> memref<5120xi32, #tpu.memory_space<hbm>>
      tpu.wait_dma2 semaphore(%run_scoped3A : memref<!tpu.dma_semaphore, #tpu.memory_space<semaphore_mem>>) src(%dma_wait3A_59 : memref<5120xi32, #tpu.memory_space<hbm>>) dst(%arg6 : memref<5120xi32, #tpu.memory_space<vmem>>)
      tpu.yield
    }) : () -> ()
    %mul3A_36 = arith.constant 2 : i32
    %mul3A_37 = arith.muli %add3A, %mul3A_36 : i32
    %add3A_38 = arith.constant 1 : i32
    %add3A_39 = arith.addi %mul3A_37, %add3A_38 : i32
    "tpu.region"() ({
      %run_scoped3A = tpu.sem_alloc : memref<!tpu.dma_semaphore, #tpu.memory_space<semaphore_mem>>
      %dma_start3A = arith.constant 0 : i32
      %dma_start3A_50 = arith.constant 0 : i32
      %dma_start3A_51 = tpu.memref_slice %arg4[%add3A_39, %dma_start3A, %dma_start3A_50] : memref<64x40x128xi32, #tpu.memory_space<hbm>> -> memref<1x40x128xi32, #tpu.memory_space<hbm>>
      %dma_start3A_52 = tpu.memref_squeeze %dma_start3A_51 : memref<1x40x128xi32, #tpu.memory_space<hbm>> -> memref<40x128xi32, #tpu.memory_space<hbm>>
      %dma_start3A_53 = arith.constant 0 : i32
      %dma_start3A_54 = arith.constant 0 : i32
      %dma_start3A_55 = tpu.memref_slice %arg4[%add3A_39, %dma_start3A_53, %dma_start3A_54] : memref<64x40x128xi32, #tpu.memory_space<hbm>> -> memref<1x40x128xi32, #tpu.memory_space<hbm>>
      %dma_start3A_56 = tpu.memref_squeeze %dma_start3A_55 : memref<1x40x128xi32, #tpu.memory_space<hbm>> -> memref<40x128xi32, #tpu.memory_space<hbm>>
      tpu.enqueue_dma source(%dma_start3A_56 : memref<40x128xi32, #tpu.memory_space<hbm>>) target(%arg7 : memref<40x128xi32, #tpu.memory_space<vmem>>) target_semaphore(%run_scoped3A : memref<!tpu.dma_semaphore, #tpu.memory_space<semaphore_mem>>)
      %dma_wait3A = arith.constant 0 : i32
      %dma_wait3A_57 = arith.constant 0 : i32
      %dma_wait3A_58 = tpu.memref_slice %arg4[%add3A_39, %dma_wait3A, %dma_wait3A_57] : memref<64x40x128xi32, #tpu.memory_space<hbm>> -> memref<1x40x128xi32, #tpu.memory_space<hbm>>
      %dma_wait3A_59 = tpu.memref_squeeze %dma_wait3A_58 : memref<1x40x128xi32, #tpu.memory_space<hbm>> -> memref<40x128xi32, #tpu.memory_space<hbm>>
      %dma_wait3A_60 = arith.constant 0 : i32
      %dma_wait3A_61 = arith.constant 0 : i32
      %dma_wait3A_62 = tpu.memref_slice %arg4[%add3A_39, %dma_wait3A_60, %dma_wait3A_61] : memref<64x40x128xi32, #tpu.memory_space<hbm>> -> memref<1x40x128xi32, #tpu.memory_space<hbm>>
      %dma_wait3A_63 = tpu.memref_squeeze %dma_wait3A_62 : memref<1x40x128xi32, #tpu.memory_space<hbm>> -> memref<40x128xi32, #tpu.memory_space<hbm>>
      tpu.wait_dma2 semaphore(%run_scoped3A : memref<!tpu.dma_semaphore, #tpu.memory_space<semaphore_mem>>) src(%dma_wait3A_63 : memref<40x128xi32, #tpu.memory_space<hbm>>) dst(%arg7 : memref<40x128xi32, #tpu.memory_space<vmem>>)
      tpu.yield
    }) : () -> ()
    %scan3A_40 = arith.constant 0 : i32
    %scan3A_41 = arith.constant 0 : i32
    %scan3A_42 = arith.constant 20 : i32
    %scan3A_43 = arith.addi %scan3A_41, %scan3A_42 : i32
    %scan3A_44 = arith.constant 1 : i32
    scf.for %scan3A_50 = %scan3A_41 to %scan3A_43 step %scan3A_44  : i32 {
      %mul3A_51 = arith.constant 2 : i32
      %mul3A_52 = arith.muli %mul3A_51, %scan3A_50 : i32
      %add3A_53 = arith.constant 0 : i32
      %add3A_54 = arith.addi %mul3A_52, %add3A_53 : i32
      %mul3A_55 = arith.constant 128 : i32
      %mul3A_56 = arith.muli %add3A_54, %mul3A_55 : i32
      %dma_start3A = tpu.memref_slice %arg6[%mul3A_56] : memref<5120xi32, #tpu.memory_space<vmem>> -> memref<128xi32, #tpu.memory_space<vmem>>
      %dma_start3A_57 = arith.constant 0 : i32
      %dma_start3A_58 = arith.constant 0 : i32
      %dma_start3A_59 = tpu.memref_slice %arg2[%dma_start3A_57, %dma_start3A_58] : memref<10000x128xf32, #tpu.memory_space<hbm>> -> memref<10000x128xf32, #tpu.memory_space<hbm>>
      tpu.enqueue_indirect_dma source(%dma_start3A_59 : memref<10000x128xf32, #tpu.memory_space<hbm>>) target(%arg8 : memref<128x128xf32, #tpu.memory_space<vmem>>) offsets(%dma_start3A : memref<128xi32, #tpu.memory_space<vmem>>) semaphore(%arg11 : memref<!tpu.dma_semaphore, #tpu.memory_space<semaphore_mem>>)
      %mul3A_60 = arith.constant 2 : i32
      %mul3A_61 = arith.muli %mul3A_60, %scan3A_50 : i32
      %add3A_62 = arith.constant 1 : i32
      %add3A_63 = arith.addi %mul3A_61, %add3A_62 : i32
      %mul3A_64 = arith.constant 128 : i32
      %mul3A_65 = arith.muli %add3A_63, %mul3A_64 : i32
      %dma_start3A_66 = tpu.memref_slice %arg6[%mul3A_65] : memref<5120xi32, #tpu.memory_space<vmem>> -> memref<128xi32, #tpu.memory_space<vmem>>
      %dma_start3A_67 = arith.constant 0 : i32
      %dma_start3A_68 = arith.constant 0 : i32
      %dma_start3A_69 = tpu.memref_slice %arg2[%dma_start3A_67, %dma_start3A_68] : memref<10000x128xf32, #tpu.memory_space<hbm>> -> memref<10000x128xf32, #tpu.memory_space<hbm>>
      tpu.enqueue_indirect_dma source(%dma_start3A_69 : memref<10000x128xf32, #tpu.memory_space<hbm>>) target(%arg9 : memref<128x128xf32, #tpu.memory_space<vmem>>) offsets(%dma_start3A_66 : memref<128xi32, #tpu.memory_space<vmem>>) semaphore(%arg11 : memref<!tpu.dma_semaphore, #tpu.memory_space<semaphore_mem>>)
      %dma_wait3A = tpu.memref_slice %arg6[%mul3A_56] : memref<5120xi32, #tpu.memory_space<vmem>> -> memref<128xi32, #tpu.memory_space<vmem>>
      %dma_wait3A_70 = arith.constant 0 : i32
      %dma_wait3A_71 = arith.constant 0 : i32
      %dma_wait3A_72 = tpu.memref_slice %arg2[%dma_wait3A_70, %dma_wait3A_71] : memref<10000x128xf32, #tpu.memory_space<hbm>> -> memref<10000x128xf32, #tpu.memory_space<hbm>>
      tpu.wait_indirect_dma semaphore(%arg11 : memref<!tpu.dma_semaphore, #tpu.memory_space<semaphore_mem>>) src(%dma_wait3A_72 : memref<10000x128xf32, #tpu.memory_space<hbm>>) dst(%arg8 : memref<128x128xf32, #tpu.memory_space<vmem>>)
      %dma_wait3A_73 = tpu.memref_slice %arg6[%mul3A_65] : memref<5120xi32, #tpu.memory_space<vmem>> -> memref<128xi32, #tpu.memory_space<vmem>>
      %dma_wait3A_74 = arith.constant 0 : i32
      %dma_wait3A_75 = arith.constant 0 : i32
      %dma_wait3A_76 = tpu.memref_slice %arg2[%dma_wait3A_74, %dma_wait3A_75] : memref<10000x128xf32, #tpu.memory_space<hbm>> -> memref<10000x128xf32, #tpu.memory_space<hbm>>
      tpu.wait_indirect_dma semaphore(%arg11 : memref<!tpu.dma_semaphore, #tpu.memory_space<semaphore_mem>>) src(%dma_wait3A_76 : memref<10000x128xf32, #tpu.memory_space<hbm>>) dst(%arg9 : memref<128x128xf32, #tpu.memory_space<vmem>>)
      %mul3A_77 = arith.constant 2 : i32
      %mul3A_78 = arith.muli %mul3A_77, %scan3A_50 : i32
      %add3A_79 = arith.constant 0 : i32
      %add3A_80 = arith.addi %mul3A_78, %add3A_79 : i32
      %dma_start3A_81 = arith.constant 0 : i32
      %dma_start3A_82 = tpu.memref_slice %arg7[%add3A_80, %dma_start3A_81] : memref<40x128xi32, #tpu.memory_space<vmem>> -> memref<1x128xi32, #tpu.memory_space<vmem>>
      %dma_start3A_83 = tpu.memref_squeeze %dma_start3A_82 : memref<1x128xi32, #tpu.memory_space<vmem>> -> memref<128xi32, #tpu.memory_space<vmem>>
      %dma_start3A_84 = arith.constant 0 : i32
      %dma_start3A_85 = arith.constant 0 : i32
      %dma_start3A_86 = tpu.memref_slice %arg10[%dma_start3A_84, %dma_start3A_85] : memref<10240x128xf32, #tpu.memory_space<vmem_shared>> -> memref<10240x128xf32, #tpu.memory_space<vmem_shared>>
      tpu.enqueue_indirect_dma source(%arg8 : memref<128x128xf32, #tpu.memory_space<vmem>>) target(%dma_start3A_86 : memref<10240x128xf32, #tpu.memory_space<vmem_shared>>) offsets(%dma_start3A_83 : memref<128xi32, #tpu.memory_space<vmem>>) semaphore(%arg12 : memref<!tpu.dma_semaphore, #tpu.memory_space<semaphore_mem>>) {add = true}
      %mul3A_87 = arith.constant 2 : i32
      %mul3A_88 = arith.muli %mul3A_87, %scan3A_50 : i32
      %add3A_89 = arith.constant 1 : i32
      %add3A_90 = arith.addi %mul3A_88, %add3A_89 : i32
      %dma_start3A_91 = arith.constant 0 : i32
      %dma_start3A_92 = tpu.memref_slice %arg7[%add3A_90, %dma_start3A_91] : memref<40x128xi32, #tpu.memory_space<vmem>> -> memref<1x128xi32, #tpu.memory_space<vmem>>
      %dma_start3A_93 = tpu.memref_squeeze %dma_start3A_92 : memref<1x128xi32, #tpu.memory_space<vmem>> -> memref<128xi32, #tpu.memory_space<vmem>>
      %dma_start3A_94 = arith.constant 0 : i32
      %dma_start3A_95 = arith.constant 0 : i32
      %dma_start3A_96 = tpu.memref_slice %arg10[%dma_start3A_94, %dma_start3A_95] : memref<10240x128xf32, #tpu.memory_space<vmem_shared>> -> memref<10240x128xf32, #tpu.memory_space<vmem_shared>>
      tpu.enqueue_indirect_dma source(%arg9 : memref<128x128xf32, #tpu.memory_space<vmem>>) target(%dma_start3A_96 : memref<10240x128xf32, #tpu.memory_space<vmem_shared>>) offsets(%dma_start3A_93 : memref<128xi32, #tpu.memory_space<vmem>>) semaphore(%arg12 : memref<!tpu.dma_semaphore, #tpu.memory_space<semaphore_mem>>) {add = true}
      %dma_wait3A_97 = arith.constant 0 : i32
      %dma_wait3A_98 = tpu.memref_slice %arg7[%add3A_80, %dma_wait3A_97] : memref<40x128xi32, #tpu.memory_space<vmem>> -> memref<1x128xi32, #tpu.memory_space<vmem>>
      %dma_wait3A_99 = tpu.memref_squeeze %dma_wait3A_98 : memref<1x128xi32, #tpu.memory_space<vmem>> -> memref<128xi32, #tpu.memory_space<vmem>>
      %dma_wait3A_100 = arith.constant 0 : i32
      %dma_wait3A_101 = arith.constant 0 : i32
      %dma_wait3A_102 = tpu.memref_slice %arg10[%dma_wait3A_100, %dma_wait3A_101] : memref<10240x128xf32, #tpu.memory_space<vmem_shared>> -> memref<10240x128xf32, #tpu.memory_space<vmem_shared>>
      tpu.wait_indirect_dma semaphore(%arg12 : memref<!tpu.dma_semaphore, #tpu.memory_space<semaphore_mem>>) src(%arg8 : memref<128x128xf32, #tpu.memory_space<vmem>>) dst(%dma_wait3A_102 : memref<10240x128xf32, #tpu.memory_space<vmem_shared>>)
      %dma_wait3A_103 = arith.constant 0 : i32
      %dma_wait3A_104 = tpu.memref_slice %arg7[%add3A_90, %dma_wait3A_103] : memref<40x128xi32, #tpu.memory_space<vmem>> -> memref<1x128xi32, #tpu.memory_space<vmem>>
      %dma_wait3A_105 = tpu.memref_squeeze %dma_wait3A_104 : memref<1x128xi32, #tpu.memory_space<vmem>> -> memref<128xi32, #tpu.memory_space<vmem>>
      %dma_wait3A_106 = arith.constant 0 : i32
      %dma_wait3A_107 = arith.constant 0 : i32
      %dma_wait3A_108 = tpu.memref_slice %arg10[%dma_wait3A_106, %dma_wait3A_107] : memref<10240x128xf32, #tpu.memory_space<vmem_shared>> -> memref<10240x128xf32, #tpu.memory_space<vmem_shared>>
      tpu.wait_indirect_dma semaphore(%arg12 : memref<!tpu.dma_semaphore, #tpu.memory_space<semaphore_mem>>) src(%arg9 : memref<128x128xf32, #tpu.memory_space<vmem>>) dst(%dma_wait3A_108 : memref<10240x128xf32, #tpu.memory_space<vmem_shared>>)
    }
    %scan3A_45 = arith.constant 20 : i32
    %barrier3A_46 = arith.constant 0 : index
    tpu.barrier barrier_id(%barrier3A_46)
    %mul3A_47 = arith.constant 10240 : i32
    %mul3A_48 = arith.muli %arg0, %mul3A_47 : i32
    %add3A_49 = arith.addi %mul3A_48, %mul3A_7 : i32
    "tpu.region"() ({
      %run_scoped3A = tpu.sem_alloc : memref<!tpu.dma_semaphore, #tpu.memory_space<semaphore_mem>>
      %dma_start3A = arith.constant 0 : i32
      %dma_start3A_50 = tpu.memref_slice %arg5[%add3A_49, %dma_start3A] : memref<20480x128xf32, #tpu.memory_space<hbm>> -> memref<640x128xf32, #tpu.memory_space<hbm>>
      %dma_start3A_51 = arith.constant 0 : i32
      %dma_start3A_52 = tpu.memref_slice %arg10[%mul3A_7, %dma_start3A_51] : memref<10240x128xf32, #tpu.memory_space<vmem_shared>> -> memref<640x128xf32, #tpu.memory_space<vmem_shared>>
      tpu.enqueue_dma source(%dma_start3A_52 : memref<640x128xf32, #tpu.memory_space<vmem_shared>>) target(%dma_start3A_50 : memref<640x128xf32, #tpu.memory_space<hbm>>) target_semaphore(%run_scoped3A : memref<!tpu.dma_semaphore, #tpu.memory_space<semaphore_mem>>)
      %dma_wait3A = arith.constant 0 : i32
      %dma_wait3A_53 = tpu.memref_slice %arg5[%add3A_49, %dma_wait3A] : memref<20480x128xf32, #tpu.memory_space<hbm>> -> memref<640x128xf32, #tpu.memory_space<hbm>>
      %dma_wait3A_54 = arith.constant 0 : i32
      %dma_wait3A_55 = tpu.memref_slice %arg10[%mul3A_7, %dma_wait3A_54] : memref<10240x128xf32, #tpu.memory_space<vmem_shared>> -> memref<640x128xf32, #tpu.memory_space<vmem_shared>>
      tpu.wait_dma2 semaphore(%run_scoped3A : memref<!tpu.dma_semaphore, #tpu.memory_space<semaphore_mem>>) src(%dma_wait3A_55 : memref<640x128xf32, #tpu.memory_space<vmem_shared>>) dst(%dma_wait3A_53 : memref<640x128xf32, #tpu.memory_space<hbm>>)
      tpu.yield
    }) : () -> ()
    return
  }
}

#map = affine_map<(d0, d1) -> (0, 0)>
#map1 = affine_map<(d0, d1) -> (0, 0, 0)>
module attributes {stable_mosaic.version = 14 : i64} {
  func.func @body(%arg0: i32, %arg1: i32, %arg2: memref<10000x128xf32, #tpu.memory_space<hbm>>, %arg3: memref<64x5120xi32, #tpu.memory_space<hbm>>, %arg4: memref<64x40x128xi32, #tpu.memory_space<hbm>>, %arg5: memref<20480x128xf32, #tpu.memory_space<hbm>>, %arg6: memref<5120xi32, #tpu.memory_space<vmem>>, %arg7: memref<40x128xi32, #tpu.memory_space<vmem>>, %arg8: memref<128x128xf32, #tpu.memory_space<vmem>>, %arg9: memref<128x128xf32, #tpu.memory_space<vmem>>, %arg10: memref<10240x128xf32, #tpu.memory_space<vmem_shared>>, %arg11: memref<!tpu.dma_semaphore, #tpu.memory_space<semaphore_mem>>, %arg12: memref<!tpu.dma_semaphore, #tpu.memory_space<semaphore_mem>>) attributes {dimension_semantics = [#tpu.dimension_semantics<core_parallel>, #tpu.dimension_semantics<subcore_parallel>], iteration_bounds = array<i64: 2, 16>, scalar_prefetch = 0 : i64, scratch_operands = 7 : i64, tpu.core_type = #tpu.core_type<sc_vector_subcore>, window_params = [{transform_indices = #map}, {transform_indices = #map}, {transform_indices = #map1}, {transform_indices = #map}]} {
    %mul3A = arith.constant 2 : i32
    %mul3A_0 = arith.muli %arg1, %mul3A : i32
    %add3A = arith.addi %mul3A_0, %arg0 : i32
    %scan3A = arith.constant 0 : i32
    %scan3A_1 = arith.constant 0 : i32
    %scan3A_2 = arith.constant 128 : i32
    %scan3A_3 = arith.addi %scan3A_1, %scan3A_2 : i32
    %scan3A_4 = arith.constant 1 : i32
    scf.for %scan3A_50 = %scan3A_1 to %scan3A_3 step %scan3A_4  : i32 {
      %broadcast_in_dim3A = arith.constant 0.000000e+00 : f32
      %broadcast_in_dim3A_51 = vector.broadcast %broadcast_in_dim3A : f32 to vector<16xf32>
      %swap3A = arith.index_cast %scan3A_50 : i32 to index
      %swap3A_52 = arith.constant 0 : index
      %swap3A_53 = tpu.vector_load %arg8[%swap3A, %swap3A_52] {strides = array<i32>} : memref<128x128xf32, #tpu.memory_space<vmem>>, vector<1x16xf32>,
      %swap3A_54 = vector.shape_cast %swap3A_53 : vector<1x16xf32> to vector<16xf32>
      %swap3A_55 = vector.shape_cast %broadcast_in_dim3A_51 : vector<16xf32> to vector<1x16xf32>
      tpu.vector_store %arg8[%swap3A, %swap3A_52], %swap3A_55 {strides = array<i32>} : memref<128x128xf32, #tpu.memory_space<vmem>>, vector<1x16xf32>,
      %broadcast_in_dim3A_56 = arith.constant 0.000000e+00 : f32
      %broadcast_in_dim3A_57 = vector.broadcast %broadcast_in_dim3A_56 : f32 to vector<16xf32>
      %swap3A_58 = arith.index_cast %scan3A_50 : i32 to index
      %swap3A_59 = arith.constant 16 : index
      %swap3A_60 = tpu.vector_load %arg8[%swap3A_58, %swap3A_59] {strides = array<i32>} : memref<128x128xf32, #tpu.memory_space<vmem>>, vector<1x16xf32>,
      %swap3A_61 = vector.shape_cast %swap3A_60 : vector<1x16xf32> to vector<16xf32>
      %swap3A_62 = vector.shape_cast %broadcast_in_dim3A_57 : vector<16xf32> to vector<1x16xf32>
      tpu.vector_store %arg8[%swap3A_58, %swap3A_59], %swap3A_62 {strides = array<i32>} : memref<128x128xf32, #tpu.memory_space<vmem>>, vector<1x16xf32>,
      %broadcast_in_dim3A_63 = arith.constant 0.000000e+00 : f32
      %broadcast_in_dim3A_64 = vector.broadcast %broadcast_in_dim3A_63 : f32 to vector<16xf32>
      %swap3A_65 = arith.index_cast %scan3A_50 : i32 to index
      %swap3A_66 = arith.constant 32 : index
      %swap3A_67 = tpu.vector_load %arg8[%swap3A_65, %swap3A_66] {strides = array<i32>} : memref<128x128xf32, #tpu.memory_space<vmem>>, vector<1x16xf32>,
      %swap3A_68 = vector.shape_cast %swap3A_67 : vector<1x16xf32> to vector<16xf32>
      %swap3A_69 = vector.shape_cast %broadcast_in_dim3A_64 : vector<16xf32> to vector<1x16xf32>
      tpu.vector_store %arg8[%swap3A_65, %swap3A_66], %swap3A_69 {strides = array<i32>} : memref<128x128xf32, #tpu.memory_space<vmem>>, vector<1x16xf32>,
      %broadcast_in_dim3A_70 = arith.constant 0.000000e+00 : f32
      %broadcast_in_dim3A_71 = vector.broadcast %broadcast_in_dim3A_70 : f32 to vector<16xf32>
      %swap3A_72 = arith.index_cast %scan3A_50 : i32 to index
      %swap3A_73 = arith.constant 48 : index
      %swap3A_74 = tpu.vector_load %arg8[%swap3A_72, %swap3A_73] {strides = array<i32>} : memref<128x128xf32, #tpu.memory_space<vmem>>, vector<1x16xf32>,
      %swap3A_75 = vector.shape_cast %swap3A_74 : vector<1x16xf32> to vector<16xf32>
      %swap3A_76 = vector.shape_cast %broadcast_in_dim3A_71 : vector<16xf32> to vector<1x16xf32>
      tpu.vector_store %arg8[%swap3A_72, %swap3A_73], %swap3A_76 {strides = array<i32>} : memref<128x128xf32, #tpu.memory_space<vmem>>, vector<1x16xf32>,
      %broadcast_in_dim3A_77 = arith.constant 0.000000e+00 : f32
      %broadcast_in_dim3A_78 = vector.broadcast %broadcast_in_dim3A_77 : f32 to vector<16xf32>
      %swap3A_79 = arith.index_cast %scan3A_50 : i32 to index
      %swap3A_80 = arith.constant 64 : index
      %swap3A_81 = tpu.vector_load %arg8[%swap3A_79, %swap3A_80] {strides = array<i32>} : memref<128x128xf32, #tpu.memory_space<vmem>>, vector<1x16xf32>,
      %swap3A_82 = vector.shape_cast %swap3A_81 : vector<1x16xf32> to vector<16xf32>
      %swap3A_83 = vector.shape_cast %broadcast_in_dim3A_78 : vector<16xf32> to vector<1x16xf32>
      tpu.vector_store %arg8[%swap3A_79, %swap3A_80], %swap3A_83 {strides = array<i32>} : memref<128x128xf32, #tpu.memory_space<vmem>>, vector<1x16xf32>,
      %broadcast_in_dim3A_84 = arith.constant 0.000000e+00 : f32
      %broadcast_in_dim3A_85 = vector.broadcast %broadcast_in_dim3A_84 : f32 to vector<16xf32>
      %swap3A_86 = arith.index_cast %scan3A_50 : i32 to index
      %swap3A_87 = arith.constant 80 : index
      %swap3A_88 = tpu.vector_load %arg8[%swap3A_86, %swap3A_87] {strides = array<i32>} : memref<128x128xf32, #tpu.memory_space<vmem>>, vector<1x16xf32>,
      %swap3A_89 = vector.shape_cast %swap3A_88 : vector<1x16xf32> to vector<16xf32>
      %swap3A_90 = vector.shape_cast %broadcast_in_dim3A_85 : vector<16xf32> to vector<1x16xf32>
      tpu.vector_store %arg8[%swap3A_86, %swap3A_87], %swap3A_90 {strides = array<i32>} : memref<128x128xf32, #tpu.memory_space<vmem>>, vector<1x16xf32>,
      %broadcast_in_dim3A_91 = arith.constant 0.000000e+00 : f32
      %broadcast_in_dim3A_92 = vector.broadcast %broadcast_in_dim3A_91 : f32 to vector<16xf32>
      %swap3A_93 = arith.index_cast %scan3A_50 : i32 to index
      %swap3A_94 = arith.constant 96 : index
      %swap3A_95 = tpu.vector_load %arg8[%swap3A_93, %swap3A_94] {strides = array<i32>} : memref<128x128xf32, #tpu.memory_space<vmem>>, vector<1x16xf32>,
      %swap3A_96 = vector.shape_cast %swap3A_95 : vector<1x16xf32> to vector<16xf32>
      %swap3A_97 = vector.shape_cast %broadcast_in_dim3A_92 : vector<16xf32> to vector<1x16xf32>
      tpu.vector_store %arg8[%swap3A_93, %swap3A_94], %swap3A_97 {strides = array<i32>} : memref<128x128xf32, #tpu.memory_space<vmem>>, vector<1x16xf32>,
      %broadcast_in_dim3A_98 = arith.constant 0.000000e+00 : f32
      %broadcast_in_dim3A_99 = vector.broadcast %broadcast_in_dim3A_98 : f32 to vector<16xf32>
      %swap3A_100 = arith.index_cast %scan3A_50 : i32 to index
      %swap3A_101 = arith.constant 112 : index
      %swap3A_102 = tpu.vector_load %arg8[%swap3A_100, %swap3A_101] {strides = array<i32>} : memref<128x128xf32, #tpu.memory_space<vmem>>, vector<1x16xf32>,
      %swap3A_103 = vector.shape_cast %swap3A_102 : vector<1x16xf32> to vector<16xf32>
      %swap3A_104 = vector.shape_cast %broadcast_in_dim3A_99 : vector<16xf32> to vector<1x16xf32>
      tpu.vector_store %arg8[%swap3A_100, %swap3A_101], %swap3A_104 {strides = array<i32>} : memref<128x128xf32, #tpu.memory_space<vmem>>, vector<1x16xf32>,
      %broadcast_in_dim3A_105 = arith.constant 0.000000e+00 : f32
      %broadcast_in_dim3A_106 = vector.broadcast %broadcast_in_dim3A_105 : f32 to vector<16xf32>
      %swap3A_107 = arith.index_cast %scan3A_50 : i32 to index
      %swap3A_108 = arith.constant 0 : index
      %swap3A_109 = tpu.vector_load %arg9[%swap3A_107, %swap3A_108] {strides = array<i32>} : memref<128x128xf32, #tpu.memory_space<vmem>>, vector<1x16xf32>,
      %swap3A_110 = vector.shape_cast %swap3A_109 : vector<1x16xf32> to vector<16xf32>
      %swap3A_111 = vector.shape_cast %broadcast_in_dim3A_106 : vector<16xf32> to vector<1x16xf32>
      tpu.vector_store %arg9[%swap3A_107, %swap3A_108], %swap3A_111 {strides = array<i32>} : memref<128x128xf32, #tpu.memory_space<vmem>>, vector<1x16xf32>,
      %broadcast_in_dim3A_112 = arith.constant 0.000000e+00 : f32
      %broadcast_in_dim3A_113 = vector.broadcast %broadcast_in_dim3A_112 : f32 to vector<16xf32>
      %swap3A_114 = arith.index_cast %scan3A_50 : i32 to index
      %swap3A_115 = arith.constant 16 : index
      %swap3A_116 = tpu.vector_load %arg9[%swap3A_114, %swap3A_115] {strides = array<i32>} : memref<128x128xf32, #tpu.memory_space<vmem>>, vector<1x16xf32>,
      %swap3A_117 = vector.shape_cast %swap3A_116 : vector<1x16xf32> to vector<16xf32>
      %swap3A_118 = vector.shape_cast %broadcast_in_dim3A_113 : vector<16xf32> to vector<1x16xf32>
      tpu.vector_store %arg9[%swap3A_114, %swap3A_115], %swap3A_118 {strides = array<i32>} : memref<128x128xf32, #tpu.memory_space<vmem>>, vector<1x16xf32>,
      %broadcast_in_dim3A_119 = arith.constant 0.000000e+00 : f32
      %broadcast_in_dim3A_120 = vector.broadcast %broadcast_in_dim3A_119 : f32 to vector<16xf32>
      %swap3A_121 = arith.index_cast %scan3A_50 : i32 to index
      %swap3A_122 = arith.constant 32 : index
      %swap3A_123 = tpu.vector_load %arg9[%swap3A_121, %swap3A_122] {strides = array<i32>} : memref<128x128xf32, #tpu.memory_space<vmem>>, vector<1x16xf32>,
      %swap3A_124 = vector.shape_cast %swap3A_123 : vector<1x16xf32> to vector<16xf32>
      %swap3A_125 = vector.shape_cast %broadcast_in_dim3A_120 : vector<16xf32> to vector<1x16xf32>
      tpu.vector_store %arg9[%swap3A_121, %swap3A_122], %swap3A_125 {strides = array<i32>} : memref<128x128xf32, #tpu.memory_space<vmem>>, vector<1x16xf32>,
      %broadcast_in_dim3A_126 = arith.constant 0.000000e+00 : f32
      %broadcast_in_dim3A_127 = vector.broadcast %broadcast_in_dim3A_126 : f32 to vector<16xf32>
      %swap3A_128 = arith.index_cast %scan3A_50 : i32 to index
      %swap3A_129 = arith.constant 48 : index
      %swap3A_130 = tpu.vector_load %arg9[%swap3A_128, %swap3A_129] {strides = array<i32>} : memref<128x128xf32, #tpu.memory_space<vmem>>, vector<1x16xf32>,
      %swap3A_131 = vector.shape_cast %swap3A_130 : vector<1x16xf32> to vector<16xf32>
      %swap3A_132 = vector.shape_cast %broadcast_in_dim3A_127 : vector<16xf32> to vector<1x16xf32>
      tpu.vector_store %arg9[%swap3A_128, %swap3A_129], %swap3A_132 {strides = array<i32>} : memref<128x128xf32, #tpu.memory_space<vmem>>, vector<1x16xf32>,
      %broadcast_in_dim3A_133 = arith.constant 0.000000e+00 : f32
      %broadcast_in_dim3A_134 = vector.broadcast %broadcast_in_dim3A_133 : f32 to vector<16xf32>
      %swap3A_135 = arith.index_cast %scan3A_50 : i32 to index
      %swap3A_136 = arith.constant 64 : index
      %swap3A_137 = tpu.vector_load %arg9[%swap3A_135, %swap3A_136] {strides = array<i32>} : memref<128x128xf32, #tpu.memory_space<vmem>>, vector<1x16xf32>,
      %swap3A_138 = vector.shape_cast %swap3A_137 : vector<1x16xf32> to vector<16xf32>
      %swap3A_139 = vector.shape_cast %broadcast_in_dim3A_134 : vector<16xf32> to vector<1x16xf32>
      tpu.vector_store %arg9[%swap3A_135, %swap3A_136], %swap3A_139 {strides = array<i32>} : memref<128x128xf32, #tpu.memory_space<vmem>>, vector<1x16xf32>,
      %broadcast_in_dim3A_140 = arith.constant 0.000000e+00 : f32
      %broadcast_in_dim3A_141 = vector.broadcast %broadcast_in_dim3A_140 : f32 to vector<16xf32>
      %swap3A_142 = arith.index_cast %scan3A_50 : i32 to index
      %swap3A_143 = arith.constant 80 : index
      %swap3A_144 = tpu.vector_load %arg9[%swap3A_142, %swap3A_143] {strides = array<i32>} : memref<128x128xf32, #tpu.memory_space<vmem>>, vector<1x16xf32>,
      %swap3A_145 = vector.shape_cast %swap3A_144 : vector<1x16xf32> to vector<16xf32>
      %swap3A_146 = vector.shape_cast %broadcast_in_dim3A_141 : vector<16xf32> to vector<1x16xf32>
      tpu.vector_store %arg9[%swap3A_142, %swap3A_143], %swap3A_146 {strides = array<i32>} : memref<128x128xf32, #tpu.memory_space<vmem>>, vector<1x16xf32>,
      %broadcast_in_dim3A_147 = arith.constant 0.000000e+00 : f32
      %broadcast_in_dim3A_148 = vector.broadcast %broadcast_in_dim3A_147 : f32 to vector<16xf32>
      %swap3A_149 = arith.index_cast %scan3A_50 : i32 to index
      %swap3A_150 = arith.constant 96 : index
      %swap3A_151 = tpu.vector_load %arg9[%swap3A_149, %swap3A_150] {strides = array<i32>} : memref<128x128xf32, #tpu.memory_space<vmem>>, vector<1x16xf32>,
      %swap3A_152 = vector.shape_cast %swap3A_151 : vector<1x16xf32> to vector<16xf32>
      %swap3A_153 = vector.shape_cast %broadcast_in_dim3A_148 : vector<16xf32> to vector<1x16xf32>
      tpu.vector_store %arg9[%swap3A_149, %swap3A_150], %swap3A_153 {strides = array<i32>} : memref<128x128xf32, #tpu.memory_space<vmem>>, vector<1x16xf32>,
      %broadcast_in_dim3A_154 = arith.constant 0.000000e+00 : f32
      %broadcast_in_dim3A_155 = vector.broadcast %broadcast_in_dim3A_154 : f32 to vector<16xf32>
      %swap3A_156 = arith.index_cast %scan3A_50 : i32 to index
      %swap3A_157 = arith.constant 112 : index
      %swap3A_158 = tpu.vector_load %arg9[%swap3A_156, %swap3A_157] {strides = array<i32>} : memref<128x128xf32, #tpu.memory_space<vmem>>, vector<1x16xf32>,
      %swap3A_159 = vector.shape_cast %swap3A_158 : vector<1x16xf32> to vector<16xf32>
      %swap3A_160 = vector.shape_cast %broadcast_in_dim3A_155 : vector<16xf32> to vector<1x16xf32>
      tpu.vector_store %arg9[%swap3A_156, %swap3A_157], %swap3A_160 {strides = array<i32>} : memref<128x128xf32, #tpu.memory_space<vmem>>, vector<1x16xf32>,
    }
    %scan3A_5 = arith.constant 128 : i32
    %mul3A_6 = arith.constant 640 : i32
    %mul3A_7 = arith.muli %arg1, %mul3A_6 : i32
    %add3A_8 = arith.constant 0 : i32
    %add3A_9 = arith.addi %mul3A_7, %add3A_8 : i32
    "tpu.region"() ({
      %run_scoped3A = tpu.sem_alloc : memref<!tpu.dma_semaphore, #tpu.memory_space<semaphore_mem>>
      %dma_start3A = arith.constant 0 : i32
      %dma_start3A_50 = tpu.memref_slice %arg10[%add3A_9, %dma_start3A] : memref<10240x128xf32, #tpu.memory_space<vmem_shared>> -> memref<128x128xf32, #tpu.memory_space<vmem_shared>>
      %dma_start3A_51 = arith.constant 0 : i32
      %dma_start3A_52 = tpu.memref_slice %arg10[%add3A_9, %dma_start3A_51] : memref<10240x128xf32, #tpu.memory_space<vmem_shared>> -> memref<128x128xf32, #tpu.memory_space<vmem_shared>>
      tpu.enqueue_dma source(%arg8 : memref<128x128xf32, #tpu.memory_space<vmem>>) target(%dma_start3A_52 : memref<128x128xf32, #tpu.memory_space<vmem_shared>>) target_semaphore(%run_scoped3A : memref<!tpu.dma_semaphore, #tpu.memory_space<semaphore_mem>>)
      %dma_wait3A = arith.constant 0 : i32
      %dma_wait3A_53 = tpu.memref_slice %arg10[%add3A_9, %dma_wait3A] : memref<10240x128xf32, #tpu.memory_space<vmem_shared>> -> memref<128x128xf32, #tpu.memory_space<vmem_shared>>
      %dma_wait3A_54 = arith.constant 0 : i32
      %dma_wait3A_55 = tpu.memref_slice %arg10[%add3A_9, %dma_wait3A_54] : memref<10240x128xf32, #tpu.memory_space<vmem_shared>> -> memref<128x128xf32, #tpu.memory_space<vmem_shared>>
      tpu.wait_dma2 semaphore(%run_scoped3A : memref<!tpu.dma_semaphore, #tpu.memory_space<semaphore_mem>>) src(%arg8 : memref<128x128xf32, #tpu.memory_space<vmem>>) dst(%dma_wait3A_55 : memref<128x128xf32, #tpu.memory_space<vmem_shared>>)
      tpu.yield
    }) : () -> ()
    %add3A_10 = arith.constant 128 : i32
    %add3A_11 = arith.addi %mul3A_7, %add3A_10 : i32
    "tpu.region"() ({
      %run_scoped3A = tpu.sem_alloc : memref<!tpu.dma_semaphore, #tpu.memory_space<semaphore_mem>>
      %dma_start3A = arith.constant 0 : i32
      %dma_start3A_50 = tpu.memref_slice %arg10[%add3A_11, %dma_start3A] : memref<10240x128xf32, #tpu.memory_space<vmem_shared>> -> memref<128x128xf32, #tpu.memory_space<vmem_shared>>
      %dma_start3A_51 = arith.constant 0 : i32
      %dma_start3A_52 = tpu.memref_slice %arg10[%add3A_11, %dma_start3A_51] : memref<10240x128xf32, #tpu.memory_space<vmem_shared>> -> memref<128x128xf32, #tpu.memory_space<vmem_shared>>
      tpu.enqueue_dma source(%arg9 : memref<128x128xf32, #tpu.memory_space<vmem>>) target(%dma_start3A_52 : memref<128x128xf32, #tpu.memory_space<vmem_shared>>) target_semaphore(%run_scoped3A : memref<!tpu.dma_semaphore, #tpu.memory_space<semaphore_mem>>)
      %dma_wait3A = arith.constant 0 : i32
      %dma_wait3A_53 = tpu.memref_slice %arg10[%add3A_11, %dma_wait3A] : memref<10240x128xf32, #tpu.memory_space<vmem_shared>> -> memref<128x128xf32, #tpu.memory_space<vmem_shared>>
      %dma_wait3A_54 = arith.constant 0 : i32
      %dma_wait3A_55 = tpu.memref_slice %arg10[%add3A_11, %dma_wait3A_54] : memref<10240x128xf32, #tpu.memory_space<vmem_shared>> -> memref<128x128xf32, #tpu.memory_space<vmem_shared>>
      tpu.wait_dma2 semaphore(%run_scoped3A : memref<!tpu.dma_semaphore, #tpu.memory_space<semaphore_mem>>) src(%arg9 : memref<128x128xf32, #tpu.memory_space<vmem>>) dst(%dma_wait3A_55 : memref<128x128xf32, #tpu.memory_space<vmem_shared>>)
      tpu.yield
    }) : () -> ()
    %add3A_12 = arith.constant 256 : i32
    %add3A_13 = arith.addi %mul3A_7, %add3A_12 : i32
    "tpu.region"() ({
      %run_scoped3A = tpu.sem_alloc : memref<!tpu.dma_semaphore, #tpu.memory_space<semaphore_mem>>
      %dma_start3A = arith.constant 0 : i32
      %dma_start3A_50 = tpu.memref_slice %arg10[%add3A_13, %dma_start3A] : memref<10240x128xf32, #tpu.memory_space<vmem_shared>> -> memref<128x128xf32, #tpu.memory_space<vmem_shared>>
      %dma_start3A_51 = arith.constant 0 : i32
      %dma_start3A_52 = tpu.memref_slice %arg10[%add3A_13, %dma_start3A_51] : memref<10240x128xf32, #tpu.memory_space<vmem_shared>> -> memref<128x128xf32, #tpu.memory_space<vmem_shared>>
      tpu.enqueue_dma source(%arg8 : memref<128x128xf32, #tpu.memory_space<vmem>>) target(%dma_start3A_52 : memref<128x128xf32, #tpu.memory_space<vmem_shared>>) target_semaphore(%run_scoped3A : memref<!tpu.dma_semaphore, #tpu.memory_space<semaphore_mem>>)
      %dma_wait3A = arith.constant 0 : i32
      %dma_wait3A_53 = tpu.memref_slice %arg10[%add3A_13, %dma_wait3A] : memref<10240x128xf32, #tpu.memory_space<vmem_shared>> -> memref<128x128xf32, #tpu.memory_space<vmem_shared>>
      %dma_wait3A_54 = arith.constant 0 : i32
      %dma_wait3A_55 = tpu.memref_slice %arg10[%add3A_13, %dma_wait3A_54] : memref<10240x128xf32, #tpu.memory_space<vmem_shared>> -> memref<128x128xf32, #tpu.memory_space<vmem_shared>>
      tpu.wait_dma2 semaphore(%run_scoped3A : memref<!tpu.dma_semaphore, #tpu.memory_space<semaphore_mem>>) src(%arg8 : memref<128x128xf32, #tpu.memory_space<vmem>>) dst(%dma_wait3A_55 : memref<128x128xf32, #tpu.memory_space<vmem_shared>>)
      tpu.yield
    }) : () -> ()
    %add3A_14 = arith.constant 384 : i32
    %add3A_15 = arith.addi %mul3A_7, %add3A_14 : i32
    "tpu.region"() ({
      %run_scoped3A = tpu.sem_alloc : memref<!tpu.dma_semaphore, #tpu.memory_space<semaphore_mem>>
      %dma_start3A = arith.constant 0 : i32
      %dma_start3A_50 = tpu.memref_slice %arg10[%add3A_15, %dma_start3A] : memref<10240x128xf32, #tpu.memory_space<vmem_shared>> -> memref<128x128xf32, #tpu.memory_space<vmem_shared>>
      %dma_start3A_51 = arith.constant 0 : i32
      %dma_start3A_52 = tpu.memref_slice %arg10[%add3A_15, %dma_start3A_51] : memref<10240x128xf32, #tpu.memory_space<vmem_shared>> -> memref<128x128xf32, #tpu.memory_space<vmem_shared>>
      tpu.enqueue_dma source(%arg9 : memref<128x128xf32, #tpu.memory_space<vmem>>) target(%dma_start3A_52 : memref<128x128xf32, #tpu.memory_space<vmem_shared>>) target_semaphore(%run_scoped3A : memref<!tpu.dma_semaphore, #tpu.memory_space<semaphore_mem>>)
      %dma_wait3A = arith.constant 0 : i32
      %dma_wait3A_53 = tpu.memref_slice %arg10[%add3A_15, %dma_wait3A] : memref<10240x128xf32, #tpu.memory_space<vmem_shared>> -> memref<128x128xf32, #tpu.memory_space<vmem_shared>>
      %dma_wait3A_54 = arith.constant 0 : i32
      %dma_wait3A_55 = tpu.memref_slice %arg10[%add3A_15, %dma_wait3A_54] : memref<10240x128xf32, #tpu.memory_space<vmem_shared>> -> memref<128x128xf32, #tpu.memory_space<vmem_shared>>
      tpu.wait_dma2 semaphore(%run_scoped3A : memref<!tpu.dma_semaphore, #tpu.memory_space<semaphore_mem>>) src(%arg9 : memref<128x128xf32, #tpu.memory_space<vmem>>) dst(%dma_wait3A_55 : memref<128x128xf32, #tpu.memory_space<vmem_shared>>)
      tpu.yield
    }) : () -> ()
    %add3A_16 = arith.constant 512 : i32
    %add3A_17 = arith.addi %mul3A_7, %add3A_16 : i32
    "tpu.region"() ({
      %run_scoped3A = tpu.sem_alloc : memref<!tpu.dma_semaphore, #tpu.memory_space<semaphore_mem>>
      %dma_start3A = arith.constant 0 : i32
      %dma_start3A_50 = tpu.memref_slice %arg10[%add3A_17, %dma_start3A] : memref<10240x128xf32, #tpu.memory_space<vmem_shared>> -> memref<128x128xf32, #tpu.memory_space<vmem_shared>>
      %dma_start3A_51 = arith.constant 0 : i32
      %dma_start3A_52 = tpu.memref_slice %arg10[%add3A_17, %dma_start3A_51] : memref<10240x128xf32, #tpu.memory_space<vmem_shared>> -> memref<128x128xf32, #tpu.memory_space<vmem_shared>>
      tpu.enqueue_dma source(%arg8 : memref<128x128xf32, #tpu.memory_space<vmem>>) target(%dma_start3A_52 : memref<128x128xf32, #tpu.memory_space<vmem_shared>>) target_semaphore(%run_scoped3A : memref<!tpu.dma_semaphore, #tpu.memory_space<semaphore_mem>>)
      %dma_wait3A = arith.constant 0 : i32
      %dma_wait3A_53 = tpu.memref_slice %arg10[%add3A_17, %dma_wait3A] : memref<10240x128xf32, #tpu.memory_space<vmem_shared>> -> memref<128x128xf32, #tpu.memory_space<vmem_shared>>
      %dma_wait3A_54 = arith.constant 0 : i32
      %dma_wait3A_55 = tpu.memref_slice %arg10[%add3A_17, %dma_wait3A_54] : memref<10240x128xf32, #tpu.memory_space<vmem_shared>> -> memref<128x128xf32, #tpu.memory_space<vmem_shared>>
      tpu.wait_dma2 semaphore(%run_scoped3A : memref<!tpu.dma_semaphore, #tpu.memory_space<semaphore_mem>>) src(%arg8 : memref<128x128xf32, #tpu.memory_space<vmem>>) dst(%dma_wait3A_55 : memref<128x128xf32, #tpu.memory_space<vmem_shared>>)
      tpu.yield
    }) : () -> ()
    %barrier3A = arith.constant 0 : index
    tpu.barrier barrier_id(%barrier3A)
    %mul3A_18 = arith.constant 2 : i32
    %mul3A_19 = arith.muli %add3A, %mul3A_18 : i32
    %add3A_20 = arith.constant 0 : i32
    %add3A_21 = arith.addi %mul3A_19, %add3A_20 : i32
    "tpu.region"() ({
      %run_scoped3A = tpu.sem_alloc : memref<!tpu.dma_semaphore, #tpu.memory_space<semaphore_mem>>
      %dma_start3A = arith.constant 0 : i32
      %dma_start3A_50 = tpu.memref_slice %arg3[%add3A_21, %dma_start3A] : memref<64x5120xi32, #tpu.memory_space<hbm>> -> memref<1x5120xi32, #tpu.memory_space<hbm>>
      %dma_start3A_51 = tpu.memref_squeeze %dma_start3A_50 : memref<1x5120xi32, #tpu.memory_space<hbm>> -> memref<5120xi32, #tpu.memory_space<hbm>>
      %dma_start3A_52 = arith.constant 0 : i32
      %dma_start3A_53 = tpu.memref_slice %arg3[%add3A_21, %dma_start3A_52] : memref<64x5120xi32, #tpu.memory_space<hbm>> -> memref<1x5120xi32, #tpu.memory_space<hbm>>
      %dma_start3A_54 = tpu.memref_squeeze %dma_start3A_53 : memref<1x5120xi32, #tpu.memory_space<hbm>> -> memref<5120xi32, #tpu.memory_space<hbm>>
      tpu.enqueue_dma source(%dma_start3A_54 : memref<5120xi32, #tpu.memory_space<hbm>>) target(%arg6 : memref<5120xi32, #tpu.memory_space<vmem>>) target_semaphore(%run_scoped3A : memref<!tpu.dma_semaphore, #tpu.memory_space<semaphore_mem>>)
      %dma_wait3A = arith.constant 0 : i32
      %dma_wait3A_55 = tpu.memref_slice %arg3[%add3A_21, %dma_wait3A] : memref<64x5120xi32, #tpu.memory_space<hbm>> -> memref<1x5120xi32, #tpu.memory_space<hbm>>
      %dma_wait3A_56 = tpu.memref_squeeze %dma_wait3A_55 : memref<1x5120xi32, #tpu.memory_space<hbm>> -> memref<5120xi32, #tpu.memory_space<hbm>>
      %dma_wait3A_57 = arith.constant 0 : i32
      %dma_wait3A_58 = tpu.memref_slice %arg3[%add3A_21, %dma_wait3A_57] : memref<64x5120xi32, #tpu.memory_space<hbm>> -> memref<1x5120xi32, #tpu.memory_space<hbm>>
      %dma_wait3A_59 = tpu.memref_squeeze %dma_wait3A_58 : memref<1x5120xi32, #tpu.memory_space<hbm>> -> memref<5120xi32, #tpu.memory_space<hbm>>
      tpu.wait_dma2 semaphore(%run_scoped3A : memref<!tpu.dma_semaphore, #tpu.memory_space<semaphore_mem>>) src(%dma_wait3A_59 : memref<5120xi32, #tpu.memory_space<hbm>>) dst(%arg6 : memref<5120xi32, #tpu.memory_space<vmem>>)
      tpu.yield
    }) : () -> ()
    %mul3A_22 = arith.constant 2 : i32
    %mul3A_23 = arith.muli %add3A, %mul3A_22 : i32
    %add3A_24 = arith.constant 0 : i32
    %add3A_25 = arith.addi %mul3A_23, %add3A_24 : i32
    "tpu.region"() ({
      %run_scoped3A = tpu.sem_alloc : memref<!tpu.dma_semaphore, #tpu.memory_space<semaphore_mem>>
      %dma_start3A = arith.constant 0 : i32
      %dma_start3A_50 = arith.constant 0 : i32
      %dma_start3A_51 = tpu.memref_slice %arg4[%add3A_25, %dma_start3A, %dma_start3A_50] : memref<64x40x128xi32, #tpu.memory_space<hbm>> -> memref<1x40x128xi32, #tpu.memory_space<hbm>>
      %dma_start3A_52 = tpu.memref_squeeze %dma_start3A_51 : memref<1x40x128xi32, #tpu.memory_space<hbm>> -> memref<40x128xi32, #tpu.memory_space<hbm>>
      %dma_start3A_53 = arith.constant 0 : i32
      %dma_start3A_54 = arith.constant 0 : i32
      %dma_start3A_55 = tpu.memref_slice %arg4[%add3A_25, %dma_start3A_53, %dma_start3A_54] : memref<64x40x128xi32, #tpu.memory_space<hbm>> -> memref<1x40x128xi32, #tpu.memory_space<hbm>>
      %dma_start3A_56 = tpu.memref_squeeze %dma_start3A_55 : memref<1x40x128xi32, #tpu.memory_space<hbm>> -> memref<40x128xi32, #tpu.memory_space<hbm>>
      tpu.enqueue_dma source(%dma_start3A_56 : memref<40x128xi32, #tpu.memory_space<hbm>>) target(%arg7 : memref<40x128xi32, #tpu.memory_space<vmem>>) target_semaphore(%run_scoped3A : memref<!tpu.dma_semaphore, #tpu.memory_space<semaphore_mem>>)
      %dma_wait3A = arith.constant 0 : i32
      %dma_wait3A_57 = arith.constant 0 : i32
      %dma_wait3A_58 = tpu.memref_slice %arg4[%add3A_25, %dma_wait3A, %dma_wait3A_57] : memref<64x40x128xi32, #tpu.memory_space<hbm>> -> memref<1x40x128xi32, #tpu.memory_space<hbm>>
      %dma_wait3A_59 = tpu.memref_squeeze %dma_wait3A_58 : memref<1x40x128xi32, #tpu.memory_space<hbm>> -> memref<40x128xi32, #tpu.memory_space<hbm>>
      %dma_wait3A_60 = arith.constant 0 : i32
      %dma_wait3A_61 = arith.constant 0 : i32
      %dma_wait3A_62 = tpu.memref_slice %arg4[%add3A_25, %dma_wait3A_60, %dma_wait3A_61] : memref<64x40x128xi32, #tpu.memory_space<hbm>> -> memref<1x40x128xi32, #tpu.memory_space<hbm>>
      %dma_wait3A_63 = tpu.memref_squeeze %dma_wait3A_62 : memref<1x40x128xi32, #tpu.memory_space<hbm>> -> memref<40x128xi32, #tpu.memory_space<hbm>>
      tpu.wait_dma2 semaphore(%run_scoped3A : memref<!tpu.dma_semaphore, #tpu.memory_space<semaphore_mem>>) src(%dma_wait3A_63 : memref<40x128xi32, #tpu.memory_space<hbm>>) dst(%arg7 : memref<40x128xi32, #tpu.memory_space<vmem>>)
      tpu.yield
    }) : () -> ()
    %scan3A_26 = arith.constant 0 : i32
    %scan3A_27 = arith.constant 0 : i32
    %scan3A_28 = arith.constant 20 : i32
    %scan3A_29 = arith.addi %scan3A_27, %scan3A_28 : i32
    %scan3A_30 = arith.constant 1 : i32
    scf.for %scan3A_50 = %scan3A_27 to %scan3A_29 step %scan3A_30  : i32 {
      %mul3A_51 = arith.constant 2 : i32
      %mul3A_52 = arith.muli %mul3A_51, %scan3A_50 : i32
      %add3A_53 = arith.constant 0 : i32
      %add3A_54 = arith.addi %mul3A_52, %add3A_53 : i32
      %mul3A_55 = arith.constant 128 : i32
      %mul3A_56 = arith.muli %add3A_54, %mul3A_55 : i32
      %dma_start3A = tpu.memref_slice %arg6[%mul3A_56] : memref<5120xi32, #tpu.memory_space<vmem>> -> memref<128xi32, #tpu.memory_space<vmem>>
      %dma_start3A_57 = arith.constant 0 : i32
      %dma_start3A_58 = arith.constant 0 : i32
      %dma_start3A_59 = tpu.memref_slice %arg2[%dma_start3A_57, %dma_start3A_58] : memref<10000x128xf32, #tpu.memory_space<hbm>> -> memref<10000x128xf32, #tpu.memory_space<hbm>>
      tpu.enqueue_indirect_dma source(%dma_start3A_59 : memref<10000x128xf32, #tpu.memory_space<hbm>>) target(%arg8 : memref<128x128xf32, #tpu.memory_space<vmem>>) offsets(%dma_start3A : memref<128xi32, #tpu.memory_space<vmem>>) semaphore(%arg11 : memref<!tpu.dma_semaphore, #tpu.memory_space<semaphore_mem>>)
      %mul3A_60 = arith.constant 2 : i32
      %mul3A_61 = arith.muli %mul3A_60, %scan3A_50 : i32
      %add3A_62 = arith.constant 1 : i32
      %add3A_63 = arith.addi %mul3A_61, %add3A_62 : i32
      %mul3A_64 = arith.constant 128 : i32
      %mul3A_65 = arith.muli %add3A_63, %mul3A_64 : i32
      %dma_start3A_66 = tpu.memref_slice %arg6[%mul3A_65] : memref<5120xi32, #tpu.memory_space<vmem>> -> memref<128xi32, #tpu.memory_space<vmem>>
      %dma_start3A_67 = arith.constant 0 : i32
      %dma_start3A_68 = arith.constant 0 : i32
      %dma_start3A_69 = tpu.memref_slice %arg2[%dma_start3A_67, %dma_start3A_68] : memref<10000x128xf32, #tpu.memory_space<hbm>> -> memref<10000x128xf32, #tpu.memory_space<hbm>>
      tpu.enqueue_indirect_dma source(%dma_start3A_69 : memref<10000x128xf32, #tpu.memory_space<hbm>>) target(%arg9 : memref<128x128xf32, #tpu.memory_space<vmem>>) offsets(%dma_start3A_66 : memref<128xi32, #tpu.memory_space<vmem>>) semaphore(%arg11 : memref<!tpu.dma_semaphore, #tpu.memory_space<semaphore_mem>>)
      %dma_wait3A = tpu.memref_slice %arg6[%mul3A_56] : memref<5120xi32, #tpu.memory_space<vmem>> -> memref<128xi32, #tpu.memory_space<vmem>>
      %dma_wait3A_70 = arith.constant 0 : i32
      %dma_wait3A_71 = arith.constant 0 : i32
      %dma_wait3A_72 = tpu.memref_slice %arg2[%dma_wait3A_70, %dma_wait3A_71] : memref<10000x128xf32, #tpu.memory_space<hbm>> -> memref<10000x128xf32, #tpu.memory_space<hbm>>
      tpu.wait_indirect_dma semaphore(%arg11 : memref<!tpu.dma_semaphore, #tpu.memory_space<semaphore_mem>>) src(%dma_wait3A_72 : memref<10000x128xf32, #tpu.memory_space<hbm>>) dst(%arg8 : memref<128x128xf32, #tpu.memory_space<vmem>>)
      %dma_wait3A_73 = tpu.memref_slice %arg6[%mul3A_65] : memref<5120xi32, #tpu.memory_space<vmem>> -> memref<128xi32, #tpu.memory_space<vmem>>
      %dma_wait3A_74 = arith.constant 0 : i32
      %dma_wait3A_75 = arith.constant 0 : i32
      %dma_wait3A_76 = tpu.memref_slice %arg2[%dma_wait3A_74, %dma_wait3A_75] : memref<10000x128xf32, #tpu.memory_space<hbm>> -> memref<10000x128xf32, #tpu.memory_space<hbm>>
      tpu.wait_indirect_dma semaphore(%arg11 : memref<!tpu.dma_semaphore, #tpu.memory_space<semaphore_mem>>) src(%dma_wait3A_76 : memref<10000x128xf32, #tpu.memory_space<hbm>>) dst(%arg9 : memref<128x128xf32, #tpu.memory_space<vmem>>)
      %mul3A_77 = arith.constant 2 : i32
      %mul3A_78 = arith.muli %mul3A_77, %scan3A_50 : i32
      %add3A_79 = arith.constant 0 : i32
      %add3A_80 = arith.addi %mul3A_78, %add3A_79 : i32
      %dma_start3A_81 = arith.constant 0 : i32
      %dma_start3A_82 = tpu.memref_slice %arg7[%add3A_80, %dma_start3A_81] : memref<40x128xi32, #tpu.memory_space<vmem>> -> memref<1x128xi32, #tpu.memory_space<vmem>>
      %dma_start3A_83 = tpu.memref_squeeze %dma_start3A_82 : memref<1x128xi32, #tpu.memory_space<vmem>> -> memref<128xi32, #tpu.memory_space<vmem>>
      %dma_start3A_84 = arith.constant 0 : i32
      %dma_start3A_85 = arith.constant 0 : i32
      %dma_start3A_86 = tpu.memref_slice %arg10[%dma_start3A_84, %dma_start3A_85] : memref<10240x128xf32, #tpu.memory_space<vmem_shared>> -> memref<10240x128xf32, #tpu.memory_space<vmem_shared>>
      tpu.enqueue_indirect_dma source(%arg8 : memref<128x128xf32, #tpu.memory_space<vmem>>) target(%dma_start3A_86 : memref<10240x128xf32, #tpu.memory_space<vmem_shared>>) offsets(%dma_start3A_83 : memref<128xi32, #tpu.memory_space<vmem>>) semaphore(%arg12 : memref<!tpu.dma_semaphore, #tpu.memory_space<semaphore_mem>>) {add = true}
      %mul3A_87 = arith.constant 2 : i32
      %mul3A_88 = arith.muli %mul3A_87, %scan3A_50 : i32
      %add3A_89 = arith.constant 1 : i32
      %add3A_90 = arith.addi %mul3A_88, %add3A_89 : i32
      %dma_start3A_91 = arith.constant 0 : i32
      %dma_start3A_92 = tpu.memref_slice %arg7[%add3A_90, %dma_start3A_91] : memref<40x128xi32, #tpu.memory_space<vmem>> -> memref<1x128xi32, #tpu.memory_space<vmem>>
      %dma_start3A_93 = tpu.memref_squeeze %dma_start3A_92 : memref<1x128xi32, #tpu.memory_space<vmem>> -> memref<128xi32, #tpu.memory_space<vmem>>
      %dma_start3A_94 = arith.constant 0 : i32
      %dma_start3A_95 = arith.constant 0 : i32
      %dma_start3A_96 = tpu.memref_slice %arg10[%dma_start3A_94, %dma_start3A_95] : memref<10240x128xf32, #tpu.memory_space<vmem_shared>> -> memref<10240x128xf32, #tpu.memory_space<vmem_shared>>
      tpu.enqueue_indirect_dma source(%arg9 : memref<128x128xf32, #tpu.memory_space<vmem>>) target(%dma_start3A_96 : memref<10240x128xf32, #tpu.memory_space<vmem_shared>>) offsets(%dma_start3A_93 : memref<128xi32, #tpu.memory_space<vmem>>) semaphore(%arg12 : memref<!tpu.dma_semaphore, #tpu.memory_space<semaphore_mem>>) {add = true}
      %dma_wait3A_97 = arith.constant 0 : i32
      %dma_wait3A_98 = tpu.memref_slice %arg7[%add3A_80, %dma_wait3A_97] : memref<40x128xi32, #tpu.memory_space<vmem>> -> memref<1x128xi32, #tpu.memory_space<vmem>>
      %dma_wait3A_99 = tpu.memref_squeeze %dma_wait3A_98 : memref<1x128xi32, #tpu.memory_space<vmem>> -> memref<128xi32, #tpu.memory_space<vmem>>
      %dma_wait3A_100 = arith.constant 0 : i32
      %dma_wait3A_101 = arith.constant 0 : i32
      %dma_wait3A_102 = tpu.memref_slice %arg10[%dma_wait3A_100, %dma_wait3A_101] : memref<10240x128xf32, #tpu.memory_space<vmem_shared>> -> memref<10240x128xf32, #tpu.memory_space<vmem_shared>>
      tpu.wait_indirect_dma semaphore(%arg12 : memref<!tpu.dma_semaphore, #tpu.memory_space<semaphore_mem>>) src(%arg8 : memref<128x128xf32, #tpu.memory_space<vmem>>) dst(%dma_wait3A_102 : memref<10240x128xf32, #tpu.memory_space<vmem_shared>>)
      %dma_wait3A_103 = arith.constant 0 : i32
      %dma_wait3A_104 = tpu.memref_slice %arg7[%add3A_90, %dma_wait3A_103] : memref<40x128xi32, #tpu.memory_space<vmem>> -> memref<1x128xi32, #tpu.memory_space<vmem>>
      %dma_wait3A_105 = tpu.memref_squeeze %dma_wait3A_104 : memref<1x128xi32, #tpu.memory_space<vmem>> -> memref<128xi32, #tpu.memory_space<vmem>>
      %dma_wait3A_106 = arith.constant 0 : i32
      %dma_wait3A_107 = arith.constant 0 : i32
      %dma_wait3A_108 = tpu.memref_slice %arg10[%dma_wait3A_106, %dma_wait3A_107] : memref<10240x128xf32, #tpu.memory_space<vmem_shared>> -> memref<10240x128xf32, #tpu.memory_space<vmem_shared>>
      tpu.wait_indirect_dma semaphore(%arg12 : memref<!tpu.dma_semaphore, #tpu.memory_space<semaphore_mem>>) src(%arg9 : memref<128x128xf32, #tpu.memory_space<vmem>>) dst(%dma_wait3A_108 : memref<10240x128xf32, #tpu.memory_space<vmem_shared>>)
    }
    %scan3A_31 = arith.constant 20 : i32
    %mul3A_32 = arith.constant 2 : i32
    %mul3A_33 = arith.muli %add3A, %mul3A_32 : i32
    %add3A_34 = arith.constant 1 : i32
    %add3A_35 = arith.addi %mul3A_33, %add3A_34 : i32
    "tpu.region"() ({
      %run_scoped3A = tpu.sem_alloc : memref<!tpu.dma_semaphore, #tpu.memory_space<semaphore_mem>>
      %dma_start3A = arith.constant 0 : i32
      %dma_start3A_50 = tpu.memref_slice %arg3[%add3A_35, %dma_start3A] : memref<64x5120xi32, #tpu.memory_space<hbm>> -> memref<1x5120xi32, #tpu.memory_space<hbm>>
      %dma_start3A_51 = tpu.memref_squeeze %dma_start3A_50 : memref<1x5120xi32, #tpu.memory_space<hbm>> -> memref<5120xi32, #tpu.memory_space<hbm>>
      %dma_start3A_52 = arith.constant 0 : i32
      %dma_start3A_53 = tpu.memref_slice %arg3[%add3A_35, %dma_start3A_52] : memref<64x5120xi32, #tpu.memory_space<hbm>> -> memref<1x5120xi32, #tpu.memory_space<hbm>>
      %dma_start3A_54 = tpu.memref_squeeze %dma_start3A_53 : memref<1x5120xi32, #tpu.memory_space<hbm>> -> memref<5120xi32, #tpu.memory_space<hbm>>
      tpu.enqueue_dma source(%dma_start3A_54 : memref<5120xi32, #tpu.memory_space<hbm>>) target(%arg6 : memref<5120xi32, #tpu.memory_space<vmem>>) target_semaphore(%run_scoped3A : memref<!tpu.dma_semaphore, #tpu.memory_space<semaphore_mem>>)
      %dma_wait3A = arith.constant 0 : i32
      %dma_wait3A_55 = tpu.memref_slice %arg3[%add3A_35, %dma_wait3A] : memref<64x5120xi32, #tpu.memory_space<hbm>> -> memref<1x5120xi32, #tpu.memory_space<hbm>>
      %dma_wait3A_56 = tpu.memref_squeeze %dma_wait3A_55 : memref<1x5120xi32, #tpu.memory_space<hbm>> -> memref<5120xi32, #tpu.memory_space<hbm>>
      %dma_wait3A_57 = arith.constant 0 : i32
      %dma_wait3A_58 = tpu.memref_slice %arg3[%add3A_35, %dma_wait3A_57] : memref<64x5120xi32, #tpu.memory_space<hbm>> -> memref<1x5120xi32, #tpu.memory_space<hbm>>
      %dma_wait3A_59 = tpu.memref_squeeze %dma_wait3A_58 : memref<1x5120xi32, #tpu.memory_space<hbm>> -> memref<5120xi32, #tpu.memory_space<hbm>>
      tpu.wait_dma2 semaphore(%run_scoped3A : memref<!tpu.dma_semaphore, #tpu.memory_space<semaphore_mem>>) src(%dma_wait3A_59 : memref<5120xi32, #tpu.memory_space<hbm>>) dst(%arg6 : memref<5120xi32, #tpu.memory_space<vmem>>)
      tpu.yield
    }) : () -> ()
    %mul3A_36 = arith.constant 2 : i32
    %mul3A_37 = arith.muli %add3A, %mul3A_36 : i32
    %add3A_38 = arith.constant 1 : i32
    %add3A_39 = arith.addi %mul3A_37, %add3A_38 : i32
    "tpu.region"() ({
      %run_scoped3A = tpu.sem_alloc : memref<!tpu.dma_semaphore, #tpu.memory_space<semaphore_mem>>
      %dma_start3A = arith.constant 0 : i32
      %dma_start3A_50 = arith.constant 0 : i32
      %dma_start3A_51 = tpu.memref_slice %arg4[%add3A_39, %dma_start3A, %dma_start3A_50] : memref<64x40x128xi32, #tpu.memory_space<hbm>> -> memref<1x40x128xi32, #tpu.memory_space<hbm>>
      %dma_start3A_52 = tpu.memref_squeeze %dma_start3A_51 : memref<1x40x128xi32, #tpu.memory_space<hbm>> -> memref<40x128xi32, #tpu.memory_space<hbm>>
      %dma_start3A_53 = arith.constant 0 : i32
      %dma_start3A_54 = arith.constant 0 : i32
      %dma_start3A_55 = tpu.memref_slice %arg4[%add3A_39, %dma_start3A_53, %dma_start3A_54] : memref<64x40x128xi32, #tpu.memory_space<hbm>> -> memref<1x40x128xi32, #tpu.memory_space<hbm>>
      %dma_start3A_56 = tpu.memref_squeeze %dma_start3A_55 : memref<1x40x128xi32, #tpu.memory_space<hbm>> -> memref<40x128xi32, #tpu.memory_space<hbm>>
      tpu.enqueue_dma source(%dma_start3A_56 : memref<40x128xi32, #tpu.memory_space<hbm>>) target(%arg7 : memref<40x128xi32, #tpu.memory_space<vmem>>) target_semaphore(%run_scoped3A : memref<!tpu.dma_semaphore, #tpu.memory_space<semaphore_mem>>)
      %dma_wait3A = arith.constant 0 : i32
      %dma_wait3A_57 = arith.constant 0 : i32
      %dma_wait3A_58 = tpu.memref_slice %arg4[%add3A_39, %dma_wait3A, %dma_wait3A_57] : memref<64x40x128xi32, #tpu.memory_space<hbm>> -> memref<1x40x128xi32, #tpu.memory_space<hbm>>
      %dma_wait3A_59 = tpu.memref_squeeze %dma_wait3A_58 : memref<1x40x128xi32, #tpu.memory_space<hbm>> -> memref<40x128xi32, #tpu.memory_space<hbm>>
      %dma_wait3A_60 = arith.constant 0 : i32
      %dma_wait3A_61 = arith.constant 0 : i32
      %dma_wait3A_62 = tpu.memref_slice %arg4[%add3A_39, %dma_wait3A_60, %dma_wait3A_61] : memref<64x40x128xi32, #tpu.memory_space<hbm>> -> memref<1x40x128xi32, #tpu.memory_space<hbm>>
      %dma_wait3A_63 = tpu.memref_squeeze %dma_wait3A_62 : memref<1x40x128xi32, #tpu.memory_space<hbm>> -> memref<40x128xi32, #tpu.memory_space<hbm>>
      tpu.wait_dma2 semaphore(%run_scoped3A : memref<!tpu.dma_semaphore, #tpu.memory_space<semaphore_mem>>) src(%dma_wait3A_63 : memref<40x128xi32, #tpu.memory_space<hbm>>) dst(%arg7 : memref<40x128xi32, #tpu.memory_space<vmem>>)
      tpu.yield
    }) : () -> ()
    %scan3A_40 = arith.constant 0 : i32
    %scan3A_41 = arith.constant 0 : i32
    %scan3A_42 = arith.constant 20 : i32
    %scan3A_43 = arith.addi %scan3A_41, %scan3A_42 : i32
    %scan3A_44 = arith.constant 1 : i32
    scf.for %scan3A_50 = %scan3A_41 to %scan3A_43 step %scan3A_44  : i32 {
      %mul3A_51 = arith.constant 2 : i32
      %mul3A_52 = arith.muli %mul3A_51, %scan3A_50 : i32
      %add3A_53 = arith.constant 0 : i32
      %add3A_54 = arith.addi %mul3A_52, %add3A_53 : i32
      %mul3A_55 = arith.constant 128 : i32
      %mul3A_56 = arith.muli %add3A_54, %mul3A_55 : i32
      %dma_start3A = tpu.memref_slice %arg6[%mul3A_56] : memref<5120xi32, #tpu.memory_space<vmem>> -> memref<128xi32, #tpu.memory_space<vmem>>
      %dma_start3A_57 = arith.constant 0 : i32
      %dma_start3A_58 = arith.constant 0 : i32
      %dma_start3A_59 = tpu.memref_slice %arg2[%dma_start3A_57, %dma_start3A_58] : memref<10000x128xf32, #tpu.memory_space<hbm>> -> memref<10000x128xf32, #tpu.memory_space<hbm>>
      tpu.enqueue_indirect_dma source(%dma_start3A_59 : memref<10000x128xf32, #tpu.memory_space<hbm>>) target(%arg8 : memref<128x128xf32, #tpu.memory_space<vmem>>) offsets(%dma_start3A : memref<128xi32, #tpu.memory_space<vmem>>) semaphore(%arg11 : memref<!tpu.dma_semaphore, #tpu.memory_space<semaphore_mem>>)
      %mul3A_60 = arith.constant 2 : i32
      %mul3A_61 = arith.muli %mul3A_60, %scan3A_50 : i32
      %add3A_62 = arith.constant 1 : i32
      %add3A_63 = arith.addi %mul3A_61, %add3A_62 : i32
      %mul3A_64 = arith.constant 128 : i32
      %mul3A_65 = arith.muli %add3A_63, %mul3A_64 : i32
      %dma_start3A_66 = tpu.memref_slice %arg6[%mul3A_65] : memref<5120xi32, #tpu.memory_space<vmem>> -> memref<128xi32, #tpu.memory_space<vmem>>
      %dma_start3A_67 = arith.constant 0 : i32
      %dma_start3A_68 = arith.constant 0 : i32
      %dma_start3A_69 = tpu.memref_slice %arg2[%dma_start3A_67, %dma_start3A_68] : memref<10000x128xf32, #tpu.memory_space<hbm>> -> memref<10000x128xf32, #tpu.memory_space<hbm>>
      tpu.enqueue_indirect_dma source(%dma_start3A_69 : memref<10000x128xf32, #tpu.memory_space<hbm>>) target(%arg9 : memref<128x128xf32, #tpu.memory_space<vmem>>) offsets(%dma_start3A_66 : memref<128xi32, #tpu.memory_space<vmem>>) semaphore(%arg11 : memref<!tpu.dma_semaphore, #tpu.memory_space<semaphore_mem>>)
      %dma_wait3A = tpu.memref_slice %arg6[%mul3A_56] : memref<5120xi32, #tpu.memory_space<vmem>> -> memref<128xi32, #tpu.memory_space<vmem>>
      %dma_wait3A_70 = arith.constant 0 : i32
      %dma_wait3A_71 = arith.constant 0 : i32
      %dma_wait3A_72 = tpu.memref_slice %arg2[%dma_wait3A_70, %dma_wait3A_71] : memref<10000x128xf32, #tpu.memory_space<hbm>> -> memref<10000x128xf32, #tpu.memory_space<hbm>>
      tpu.wait_indirect_dma semaphore(%arg11 : memref<!tpu.dma_semaphore, #tpu.memory_space<semaphore_mem>>) src(%dma_wait3A_72 : memref<10000x128xf32, #tpu.memory_space<hbm>>) dst(%arg8 : memref<128x128xf32, #tpu.memory_space<vmem>>)
      %dma_wait3A_73 = tpu.memref_slice %arg6[%mul3A_65] : memref<5120xi32, #tpu.memory_space<vmem>> -> memref<128xi32, #tpu.memory_space<vmem>>
      %dma_wait3A_74 = arith.constant 0 : i32
      %dma_wait3A_75 = arith.constant 0 : i32
      %dma_wait3A_76 = tpu.memref_slice %arg2[%dma_wait3A_74, %dma_wait3A_75] : memref<10000x128xf32, #tpu.memory_space<hbm>> -> memref<10000x128xf32, #tpu.memory_space<hbm>>
      tpu.wait_indirect_dma semaphore(%arg11 : memref<!tpu.dma_semaphore, #tpu.memory_space<semaphore_mem>>) src(%dma_wait3A_76 : memref<10000x128xf32, #tpu.memory_space<hbm>>) dst(%arg9 : memref<128x128xf32, #tpu.memory_space<vmem>>)
      %mul3A_77 = arith.constant 2 : i32
      %mul3A_78 = arith.muli %mul3A_77, %scan3A_50 : i32
      %add3A_79 = arith.constant 0 : i32
      %add3A_80 = arith.addi %mul3A_78, %add3A_79 : i32
      %dma_start3A_81 = arith.constant 0 : i32
      %dma_start3A_82 = tpu.memref_slice %arg7[%add3A_80, %dma_start3A_81] : memref<40x128xi32, #tpu.memory_space<vmem>> -> memref<1x128xi32, #tpu.memory_space<vmem>>
      %dma_start3A_83 = tpu.memref_squeeze %dma_start3A_82 : memref<1x128xi32, #tpu.memory_space<vmem>> -> memref<128xi32, #tpu.memory_space<vmem>>
      %dma_start3A_84 = arith.constant 0 : i32
      %dma_start3A_85 = arith.constant 0 : i32
      %dma_start3A_86 = tpu.memref_slice %arg10[%dma_start3A_84, %dma_start3A_85] : memref<10240x128xf32, #tpu.memory_space<vmem_shared>> -> memref<10240x128xf32, #tpu.memory_space<vmem_shared>>
      tpu.enqueue_indirect_dma source(%arg8 : memref<128x128xf32, #tpu.memory_space<vmem>>) target(%dma_start3A_86 : memref<10240x128xf32, #tpu.memory_space<vmem_shared>>) offsets(%dma_start3A_83 : memref<128xi32, #tpu.memory_space<vmem>>) semaphore(%arg12 : memref<!tpu.dma_semaphore, #tpu.memory_space<semaphore_mem>>) {add = true}
      %mul3A_87 = arith.constant 2 : i32
      %mul3A_88 = arith.muli %mul3A_87, %scan3A_50 : i32
      %add3A_89 = arith.constant 1 : i32
      %add3A_90 = arith.addi %mul3A_88, %add3A_89 : i32
      %dma_start3A_91 = arith.constant 0 : i32
      %dma_start3A_92 = tpu.memref_slice %arg7[%add3A_90, %dma_start3A_91] : memref<40x128xi32, #tpu.memory_space<vmem>> -> memref<1x128xi32, #tpu.memory_space<vmem>>
      %dma_start3A_93 = tpu.memref_squeeze %dma_start3A_92 : memref<1x128xi32, #tpu.memory_space<vmem>> -> memref<128xi32, #tpu.memory_space<vmem>>
      %dma_start3A_94 = arith.constant 0 : i32
      %dma_start3A_95 = arith.constant 0 : i32
      %dma_start3A_96 = tpu.memref_slice %arg10[%dma_start3A_94, %dma_start3A_95] : memref<10240x128xf32, #tpu.memory_space<vmem_shared>> -> memref<10240x128xf32, #tpu.memory_space<vmem_shared>>
      tpu.enqueue_indirect_dma source(%arg9 : memref<128x128xf32, #tpu.memory_space<vmem>>) target(%dma_start3A_96 : memref<10240x128xf32, #tpu.memory_space<vmem_shared>>) offsets(%dma_start3A_93 : memref<128xi32, #tpu.memory_space<vmem>>) semaphore(%arg12 : memref<!tpu.dma_semaphore, #tpu.memory_space<semaphore_mem>>) {add = true}
      %dma_wait3A_97 = arith.constant 0 : i32
      %dma_wait3A_98 = tpu.memref_slice %arg7[%add3A_80, %dma_wait3A_97] : memref<40x128xi32, #tpu.memory_space<vmem>> -> memref<1x128xi32, #tpu.memory_space<vmem>>
      %dma_wait3A_99 = tpu.memref_squeeze %dma_wait3A_98 : memref<1x128xi32, #tpu.memory_space<vmem>> -> memref<128xi32, #tpu.memory_space<vmem>>
      %dma_wait3A_100 = arith.constant 0 : i32
      %dma_wait3A_101 = arith.constant 0 : i32
      %dma_wait3A_102 = tpu.memref_slice %arg10[%dma_wait3A_100, %dma_wait3A_101] : memref<10240x128xf32, #tpu.memory_space<vmem_shared>> -> memref<10240x128xf32, #tpu.memory_space<vmem_shared>>
      tpu.wait_indirect_dma semaphore(%arg12 : memref<!tpu.dma_semaphore, #tpu.memory_space<semaphore_mem>>) src(%arg8 : memref<128x128xf32, #tpu.memory_space<vmem>>) dst(%dma_wait3A_102 : memref<10240x128xf32, #tpu.memory_space<vmem_shared>>)
      %dma_wait3A_103 = arith.constant 0 : i32
      %dma_wait3A_104 = tpu.memref_slice %arg7[%add3A_90, %dma_wait3A_103] : memref<40x128xi32, #tpu.memory_space<vmem>> -> memref<1x128xi32, #tpu.memory_space<vmem>>
      %dma_wait3A_105 = tpu.memref_squeeze %dma_wait3A_104 : memref<1x128xi32, #tpu.memory_space<vmem>> -> memref<128xi32, #tpu.memory_space<vmem>>
      %dma_wait3A_106 = arith.constant 0 : i32
      %dma_wait3A_107 = arith.constant 0 : i32
      %dma_wait3A_108 = tpu.memref_slice %arg10[%dma_wait3A_106, %dma_wait3A_107] : memref<10240x128xf32, #tpu.memory_space<vmem_shared>> -> memref<10240x128xf32, #tpu.memory_space<vmem_shared>>
      tpu.wait_indirect_dma semaphore(%arg12 : memref<!tpu.dma_semaphore, #tpu.memory_space<semaphore_mem>>) src(%arg9 : memref<128x128xf32, #tpu.memory_space<vmem>>) dst(%dma_wait3A_108 : memref<10240x128xf32, #tpu.memory_space<vmem_shared>>)
    }
    %scan3A_45 = arith.constant 20 : i32
    %barrier3A_46 = arith.constant 0 : index
    tpu.barrier barrier_id(%barrier3A_46)
    %mul3A_47 = arith.constant 10240 : i32
    %mul3A_48 = arith.muli %arg0, %mul3A_47 : i32
    %add3A_49 = arith.addi %mul3A_48, %mul3A_7 : i32
    "tpu.region"() ({
      %run_scoped3A = tpu.sem_alloc : memref<!tpu.dma_semaphore, #tpu.memory_space<semaphore_mem>>
      %dma_start3A = arith.constant 0 : i32
      %dma_start3A_50 = tpu.memref_slice %arg5[%add3A_49, %dma_start3A] : memref<20480x128xf32, #tpu.memory_space<hbm>> -> memref<640x128xf32, #tpu.memory_space<hbm>>
      %dma_start3A_51 = arith.constant 0 : i32
      %dma_start3A_52 = tpu.memref_slice %arg10[%mul3A_7, %dma_start3A_51] : memref<10240x128xf32, #tpu.memory_space<vmem_shared>> -> memref<640x128xf32, #tpu.memory_space<vmem_shared>>
      tpu.enqueue_dma source(%dma_start3A_52 : memref<640x128xf32, #tpu.memory_space<vmem_shared>>) target(%dma_start3A_50 : memref<640x128xf32, #tpu.memory_space<hbm>>) target_semaphore(%run_scoped3A : memref<!tpu.dma_semaphore, #tpu.memory_space<semaphore_mem>>)
      %dma_wait3A = arith.constant 0 : i32
      %dma_wait3A_53 = tpu.memref_slice %arg5[%add3A_49, %dma_wait3A] : memref<20480x128xf32, #tpu.memory_space<hbm>> -> memref<640x128xf32, #tpu.memory_space<hbm>>
      %dma_wait3A_54 = arith.constant 0 : i32
      %dma_wait3A_55 = tpu.memref_slice %arg10[%mul3A_7, %dma_wait3A_54] : memref<10240x128xf32, #tpu.memory_space<vmem_shared>> -> memref<640x128xf32, #tpu.memory_space<vmem_shared>>
      tpu.wait_dma2 semaphore(%run_scoped3A : memref<!tpu.dma_semaphore, #tpu.memory_space<semaphore_mem>>) src(%dma_wait3A_55 : memref<640x128xf32, #tpu.memory_space<vmem_shared>>) dst(%dma_wait3A_53 : memref<640x128xf32, #tpu.memory_space<hbm>>)
      tpu.yield
    }) : () -> ()
    return
  }
}

#map = affine_map<(d0, d1) -> (0, 0)>
#map1 = affine_map<(d0, d1) -> (0, 0, 0)>
module attributes {stable_mosaic.version = 14 : i64} {
  func.func @body(%arg0: i32, %arg1: i32, %arg2: memref<10000x128xf32, #tpu.memory_space<hbm>>, %arg3: memref<64x5120xi32, #tpu.memory_space<hbm>>, %arg4: memref<64x40x128xi32, #tpu.memory_space<hbm>>, %arg5: memref<20480x128xf32, #tpu.memory_space<hbm>>, %arg6: memref<5120xi32, #tpu.memory_space<vmem>>, %arg7: memref<40x128xi32, #tpu.memory_space<vmem>>, %arg8: memref<128x128xf32, #tpu.memory_space<vmem>>, %arg9: memref<128x128xf32, #tpu.memory_space<vmem>>, %arg10: memref<10240x128xf32, #tpu.memory_space<vmem_shared>>, %arg11: memref<!tpu.dma_semaphore, #tpu.memory_space<semaphore_mem>>, %arg12: memref<!tpu.dma_semaphore, #tpu.memory_space<semaphore_mem>>) attributes {dimension_semantics = [#tpu.dimension_semantics<core_parallel>, #tpu.dimension_semantics<subcore_parallel>], iteration_bounds = array<i64: 2, 16>, scalar_prefetch = 0 : i64, scratch_operands = 7 : i64, tpu.core_type = #tpu.core_type<sc_vector_subcore>, window_params = [{transform_indices = #map}, {transform_indices = #map}, {transform_indices = #map1}, {transform_indices = #map}]} {
    %mul3A = arith.constant 2 : i32
    %mul3A_0 = arith.muli %arg1, %mul3A : i32
    %add3A = arith.addi %mul3A_0, %arg0 : i32
    %scan3A = arith.constant 0 : i32
    %scan3A_1 = arith.constant 0 : i32
    %scan3A_2 = arith.constant 128 : i32
    %scan3A_3 = arith.addi %scan3A_1, %scan3A_2 : i32
    %scan3A_4 = arith.constant 1 : i32
    scf.for %scan3A_50 = %scan3A_1 to %scan3A_3 step %scan3A_4  : i32 {
      %broadcast_in_dim3A = arith.constant 0.000000e+00 : f32
      %broadcast_in_dim3A_51 = vector.broadcast %broadcast_in_dim3A : f32 to vector<16xf32>
      %swap3A = arith.index_cast %scan3A_50 : i32 to index
      %swap3A_52 = arith.constant 0 : index
      %swap3A_53 = tpu.vector_load %arg8[%swap3A, %swap3A_52] {strides = array<i32>} : memref<128x128xf32, #tpu.memory_space<vmem>>, vector<1x16xf32>,
      %swap3A_54 = vector.shape_cast %swap3A_53 : vector<1x16xf32> to vector<16xf32>
      %swap3A_55 = vector.shape_cast %broadcast_in_dim3A_51 : vector<16xf32> to vector<1x16xf32>
      tpu.vector_store %arg8[%swap3A, %swap3A_52], %swap3A_55 {strides = array<i32>} : memref<128x128xf32, #tpu.memory_space<vmem>>, vector<1x16xf32>,
      %broadcast_in_dim3A_56 = arith.constant 0.000000e+00 : f32
      %broadcast_in_dim3A_57 = vector.broadcast %broadcast_in_dim3A_56 : f32 to vector<16xf32>
      %swap3A_58 = arith.index_cast %scan3A_50 : i32 to index
      %swap3A_59 = arith.constant 16 : index
      %swap3A_60 = tpu.vector_load %arg8[%swap3A_58, %swap3A_59] {strides = array<i32>} : memref<128x128xf32, #tpu.memory_space<vmem>>, vector<1x16xf32>,
      %swap3A_61 = vector.shape_cast %swap3A_60 : vector<1x16xf32> to vector<16xf32>
      %swap3A_62 = vector.shape_cast %broadcast_in_dim3A_57 : vector<16xf32> to vector<1x16xf32>
      tpu.vector_store %arg8[%swap3A_58, %swap3A_59], %swap3A_62 {strides = array<i32>} : memref<128x128xf32, #tpu.memory_space<vmem>>, vector<1x16xf32>,
      %broadcast_in_dim3A_63 = arith.constant 0.000000e+00 : f32
      %broadcast_in_dim3A_64 = vector.broadcast %broadcast_in_dim3A_63 : f32 to vector<16xf32>
      %swap3A_65 = arith.index_cast %scan3A_50 : i32 to index
      %swap3A_66 = arith.constant 32 : index
      %swap3A_67 = tpu.vector_load %arg8[%swap3A_65, %swap3A_66] {strides = array<i32>} : memref<128x128xf32, #tpu.memory_space<vmem>>, vector<1x16xf32>,
      %swap3A_68 = vector.shape_cast %swap3A_67 : vector<1x16xf32> to vector<16xf32>
      %swap3A_69 = vector.shape_cast %broadcast_in_dim3A_64 : vector<16xf32> to vector<1x16xf32>
      tpu.vector_store %arg8[%swap3A_65, %swap3A_66], %swap3A_69 {strides = array<i32>} : memref<128x128xf32, #tpu.memory_space<vmem>>, vector<1x16xf32>,
      %broadcast_in_dim3A_70 = arith.constant 0.000000e+00 : f32
      %broadcast_in_dim3A_71 = vector.broadcast %broadcast_in_dim3A_70 : f32 to vector<16xf32>
      %swap3A_72 = arith.index_cast %scan3A_50 : i32 to index
      %swap3A_73 = arith.constant 48 : index
      %swap3A_74 = tpu.vector_load %arg8[%swap3A_72, %swap3A_73] {strides = array<i32>} : memref<128x128xf32, #tpu.memory_space<vmem>>, vector<1x16xf32>,
      %swap3A_75 = vector.shape_cast %swap3A_74 : vector<1x16xf32> to vector<16xf32>
      %swap3A_76 = vector.shape_cast %broadcast_in_dim3A_71 : vector<16xf32> to vector<1x16xf32>
      tpu.vector_store %arg8[%swap3A_72, %swap3A_73], %swap3A_76 {strides = array<i32>} : memref<128x128xf32, #tpu.memory_space<vmem>>, vector<1x16xf32>,
      %broadcast_in_dim3A_77 = arith.constant 0.000000e+00 : f32
      %broadcast_in_dim3A_78 = vector.broadcast %broadcast_in_dim3A_77 : f32 to vector<16xf32>
      %swap3A_79 = arith.index_cast %scan3A_50 : i32 to index
      %swap3A_80 = arith.constant 64 : index
      %swap3A_81 = tpu.vector_load %arg8[%swap3A_79, %swap3A_80] {strides = array<i32>} : memref<128x128xf32, #tpu.memory_space<vmem>>, vector<1x16xf32>,
      %swap3A_82 = vector.shape_cast %swap3A_81 : vector<1x16xf32> to vector<16xf32>
      %swap3A_83 = vector.shape_cast %broadcast_in_dim3A_78 : vector<16xf32> to vector<1x16xf32>
      tpu.vector_store %arg8[%swap3A_79, %swap3A_80], %swap3A_83 {strides = array<i32>} : memref<128x128xf32, #tpu.memory_space<vmem>>, vector<1x16xf32>,
      %broadcast_in_dim3A_84 = arith.constant 0.000000e+00 : f32
      %broadcast_in_dim3A_85 = vector.broadcast %broadcast_in_dim3A_84 : f32 to vector<16xf32>
      %swap3A_86 = arith.index_cast %scan3A_50 : i32 to index
      %swap3A_87 = arith.constant 80 : index
      %swap3A_88 = tpu.vector_load %arg8[%swap3A_86, %swap3A_87] {strides = array<i32>} : memref<128x128xf32, #tpu.memory_space<vmem>>, vector<1x16xf32>,
      %swap3A_89 = vector.shape_cast %swap3A_88 : vector<1x16xf32> to vector<16xf32>
      %swap3A_90 = vector.shape_cast %broadcast_in_dim3A_85 : vector<16xf32> to vector<1x16xf32>
      tpu.vector_store %arg8[%swap3A_86, %swap3A_87], %swap3A_90 {strides = array<i32>} : memref<128x128xf32, #tpu.memory_space<vmem>>, vector<1x16xf32>,
      %broadcast_in_dim3A_91 = arith.constant 0.000000e+00 : f32
      %broadcast_in_dim3A_92 = vector.broadcast %broadcast_in_dim3A_91 : f32 to vector<16xf32>
      %swap3A_93 = arith.index_cast %scan3A_50 : i32 to index
      %swap3A_94 = arith.constant 96 : index
      %swap3A_95 = tpu.vector_load %arg8[%swap3A_93, %swap3A_94] {strides = array<i32>} : memref<128x128xf32, #tpu.memory_space<vmem>>, vector<1x16xf32>,
      %swap3A_96 = vector.shape_cast %swap3A_95 : vector<1x16xf32> to vector<16xf32>
      %swap3A_97 = vector.shape_cast %broadcast_in_dim3A_92 : vector<16xf32> to vector<1x16xf32>
      tpu.vector_store %arg8[%swap3A_93, %swap3A_94], %swap3A_97 {strides = array<i32>} : memref<128x128xf32, #tpu.memory_space<vmem>>, vector<1x16xf32>,
      %broadcast_in_dim3A_98 = arith.constant 0.000000e+00 : f32
      %broadcast_in_dim3A_99 = vector.broadcast %broadcast_in_dim3A_98 : f32 to vector<16xf32>
      %swap3A_100 = arith.index_cast %scan3A_50 : i32 to index
      %swap3A_101 = arith.constant 112 : index
      %swap3A_102 = tpu.vector_load %arg8[%swap3A_100, %swap3A_101] {strides = array<i32>} : memref<128x128xf32, #tpu.memory_space<vmem>>, vector<1x16xf32>,
      %swap3A_103 = vector.shape_cast %swap3A_102 : vector<1x16xf32> to vector<16xf32>
      %swap3A_104 = vector.shape_cast %broadcast_in_dim3A_99 : vector<16xf32> to vector<1x16xf32>
      tpu.vector_store %arg8[%swap3A_100, %swap3A_101], %swap3A_104 {strides = array<i32>} : memref<128x128xf32, #tpu.memory_space<vmem>>, vector<1x16xf32>,
      %broadcast_in_dim3A_105 = arith.constant 0.000000e+00 : f32
      %broadcast_in_dim3A_106 = vector.broadcast %broadcast_in_dim3A_105 : f32 to vector<16xf32>
      %swap3A_107 = arith.index_cast %scan3A_50 : i32 to index
      %swap3A_108 = arith.constant 0 : index
      %swap3A_109 = tpu.vector_load %arg9[%swap3A_107, %swap3A_108] {strides = array<i32>} : memref<128x128xf32, #tpu.memory_space<vmem>>, vector<1x16xf32>,
      %swap3A_110 = vector.shape_cast %swap3A_109 : vector<1x16xf32> to vector<16xf32>
      %swap3A_111 = vector.shape_cast %broadcast_in_dim3A_106 : vector<16xf32> to vector<1x16xf32>
      tpu.vector_store %arg9[%swap3A_107, %swap3A_108], %swap3A_111 {strides = array<i32>} : memref<128x128xf32, #tpu.memory_space<vmem>>, vector<1x16xf32>,
      %broadcast_in_dim3A_112 = arith.constant 0.000000e+00 : f32
      %broadcast_in_dim3A_113 = vector.broadcast %broadcast_in_dim3A_112 : f32 to vector<16xf32>
      %swap3A_114 = arith.index_cast %scan3A_50 : i32 to index
      %swap3A_115 = arith.constant 16 : index
      %swap3A_116 = tpu.vector_load %arg9[%swap3A_114, %swap3A_115] {strides = array<i32>} : memref<128x128xf32, #tpu.memory_space<vmem>>, vector<1x16xf32>,
      %swap3A_117 = vector.shape_cast %swap3A_116 : vector<1x16xf32> to vector<16xf32>
      %swap3A_118 = vector.shape_cast %broadcast_in_dim3A_113 : vector<16xf32> to vector<1x16xf32>
      tpu.vector_store %arg9[%swap3A_114, %swap3A_115], %swap3A_118 {strides = array<i32>} : memref<128x128xf32, #tpu.memory_space<vmem>>, vector<1x16xf32>,
      %broadcast_in_dim3A_119 = arith.constant 0.000000e+00 : f32
      %broadcast_in_dim3A_120 = vector.broadcast %broadcast_in_dim3A_119 : f32 to vector<16xf32>
      %swap3A_121 = arith.index_cast %scan3A_50 : i32 to index
      %swap3A_122 = arith.constant 32 : index
      %swap3A_123 = tpu.vector_load %arg9[%swap3A_121, %swap3A_122] {strides = array<i32>} : memref<128x128xf32, #tpu.memory_space<vmem>>, vector<1x16xf32>,
      %swap3A_124 = vector.shape_cast %swap3A_123 : vector<1x16xf32> to vector<16xf32>
      %swap3A_125 = vector.shape_cast %broadcast_in_dim3A_120 : vector<16xf32> to vector<1x16xf32>
      tpu.vector_store %arg9[%swap3A_121, %swap3A_122], %swap3A_125 {strides = array<i32>} : memref<128x128xf32, #tpu.memory_space<vmem>>, vector<1x16xf32>,
      %broadcast_in_dim3A_126 = arith.constant 0.000000e+00 : f32
      %broadcast_in_dim3A_127 = vector.broadcast %broadcast_in_dim3A_126 : f32 to vector<16xf32>
      %swap3A_128 = arith.index_cast %scan3A_50 : i32 to index
      %swap3A_129 = arith.constant 48 : index
      %swap3A_130 = tpu.vector_load %arg9[%swap3A_128, %swap3A_129] {strides = array<i32>} : memref<128x128xf32, #tpu.memory_space<vmem>>, vector<1x16xf32>,
      %swap3A_131 = vector.shape_cast %swap3A_130 : vector<1x16xf32> to vector<16xf32>
      %swap3A_132 = vector.shape_cast %broadcast_in_dim3A_127 : vector<16xf32> to vector<1x16xf32>
      tpu.vector_store %arg9[%swap3A_128, %swap3A_129], %swap3A_132 {strides = array<i32>} : memref<128x128xf32, #tpu.memory_space<vmem>>, vector<1x16xf32>,
      %broadcast_in_dim3A_133 = arith.constant 0.000000e+00 : f32
      %broadcast_in_dim3A_134 = vector.broadcast %broadcast_in_dim3A_133 : f32 to vector<16xf32>
      %swap3A_135 = arith.index_cast %scan3A_50 : i32 to index
      %swap3A_136 = arith.constant 64 : index
      %swap3A_137 = tpu.vector_load %arg9[%swap3A_135, %swap3A_136] {strides = array<i32>} : memref<128x128xf32, #tpu.memory_space<vmem>>, vector<1x16xf32>,
      %swap3A_138 = vector.shape_cast %swap3A_137 : vector<1x16xf32> to vector<16xf32>
      %swap3A_139 = vector.shape_cast %broadcast_in_dim3A_134 : vector<16xf32> to vector<1x16xf32>
      tpu.vector_store %arg9[%swap3A_135, %swap3A_136], %swap3A_139 {strides = array<i32>} : memref<128x128xf32, #tpu.memory_space<vmem>>, vector<1x16xf32>,
      %broadcast_in_dim3A_140 = arith.constant 0.000000e+00 : f32
      %broadcast_in_dim3A_141 = vector.broadcast %broadcast_in_dim3A_140 : f32 to vector<16xf32>
      %swap3A_142 = arith.index_cast %scan3A_50 : i32 to index
      %swap3A_143 = arith.constant 80 : index
      %swap3A_144 = tpu.vector_load %arg9[%swap3A_142, %swap3A_143] {strides = array<i32>} : memref<128x128xf32, #tpu.memory_space<vmem>>, vector<1x16xf32>,
      %swap3A_145 = vector.shape_cast %swap3A_144 : vector<1x16xf32> to vector<16xf32>
      %swap3A_146 = vector.shape_cast %broadcast_in_dim3A_141 : vector<16xf32> to vector<1x16xf32>
      tpu.vector_store %arg9[%swap3A_142, %swap3A_143], %swap3A_146 {strides = array<i32>} : memref<128x128xf32, #tpu.memory_space<vmem>>, vector<1x16xf32>,
      %broadcast_in_dim3A_147 = arith.constant 0.000000e+00 : f32
      %broadcast_in_dim3A_148 = vector.broadcast %broadcast_in_dim3A_147 : f32 to vector<16xf32>
      %swap3A_149 = arith.index_cast %scan3A_50 : i32 to index
      %swap3A_150 = arith.constant 96 : index
      %swap3A_151 = tpu.vector_load %arg9[%swap3A_149, %swap3A_150] {strides = array<i32>} : memref<128x128xf32, #tpu.memory_space<vmem>>, vector<1x16xf32>,
      %swap3A_152 = vector.shape_cast %swap3A_151 : vector<1x16xf32> to vector<16xf32>
      %swap3A_153 = vector.shape_cast %broadcast_in_dim3A_148 : vector<16xf32> to vector<1x16xf32>
      tpu.vector_store %arg9[%swap3A_149, %swap3A_150], %swap3A_153 {strides = array<i32>} : memref<128x128xf32, #tpu.memory_space<vmem>>, vector<1x16xf32>,
      %broadcast_in_dim3A_154 = arith.constant 0.000000e+00 : f32
      %broadcast_in_dim3A_155 = vector.broadcast %broadcast_in_dim3A_154 : f32 to vector<16xf32>
      %swap3A_156 = arith.index_cast %scan3A_50 : i32 to index
      %swap3A_157 = arith.constant 112 : index
      %swap3A_158 = tpu.vector_load %arg9[%swap3A_156, %swap3A_157] {strides = array<i32>} : memref<128x128xf32, #tpu.memory_space<vmem>>, vector<1x16xf32>,
      %swap3A_159 = vector.shape_cast %swap3A_158 : vector<1x16xf32> to vector<16xf32>
      %swap3A_160 = vector.shape_cast %broadcast_in_dim3A_155 : vector<16xf32> to vector<1x16xf32>
      tpu.vector_store %arg9[%swap3A_156, %swap3A_157], %swap3A_160 {strides = array<i32>} : memref<128x128xf32, #tpu.memory_space<vmem>>, vector<1x16xf32>,
    }
    %scan3A_5 = arith.constant 128 : i32
    %mul3A_6 = arith.constant 640 : i32
    %mul3A_7 = arith.muli %arg1, %mul3A_6 : i32
    %add3A_8 = arith.constant 0 : i32
    %add3A_9 = arith.addi %mul3A_7, %add3A_8 : i32
    "tpu.region"() ({
      %run_scoped3A = tpu.sem_alloc : memref<!tpu.dma_semaphore, #tpu.memory_space<semaphore_mem>>
      %dma_start3A = arith.constant 0 : i32
      %dma_start3A_50 = tpu.memref_slice %arg10[%add3A_9, %dma_start3A] : memref<10240x128xf32, #tpu.memory_space<vmem_shared>> -> memref<128x128xf32, #tpu.memory_space<vmem_shared>>
      %dma_start3A_51 = arith.constant 0 : i32
      %dma_start3A_52 = tpu.memref_slice %arg10[%add3A_9, %dma_start3A_51] : memref<10240x128xf32, #tpu.memory_space<vmem_shared>> -> memref<128x128xf32, #tpu.memory_space<vmem_shared>>
      tpu.enqueue_dma source(%arg8 : memref<128x128xf32, #tpu.memory_space<vmem>>) target(%dma_start3A_52 : memref<128x128xf32, #tpu.memory_space<vmem_shared>>) target_semaphore(%run_scoped3A : memref<!tpu.dma_semaphore, #tpu.memory_space<semaphore_mem>>)
      %dma_wait3A = arith.constant 0 : i32
      %dma_wait3A_53 = tpu.memref_slice %arg10[%add3A_9, %dma_wait3A] : memref<10240x128xf32, #tpu.memory_space<vmem_shared>> -> memref<128x128xf32, #tpu.memory_space<vmem_shared>>
      %dma_wait3A_54 = arith.constant 0 : i32
      %dma_wait3A_55 = tpu.memref_slice %arg10[%add3A_9, %dma_wait3A_54] : memref<10240x128xf32, #tpu.memory_space<vmem_shared>> -> memref<128x128xf32, #tpu.memory_space<vmem_shared>>
      tpu.wait_dma2 semaphore(%run_scoped3A : memref<!tpu.dma_semaphore, #tpu.memory_space<semaphore_mem>>) src(%arg8 : memref<128x128xf32, #tpu.memory_space<vmem>>) dst(%dma_wait3A_55 : memref<128x128xf32, #tpu.memory_space<vmem_shared>>)
      tpu.yield
    }) : () -> ()
    %add3A_10 = arith.constant 128 : i32
    %add3A_11 = arith.addi %mul3A_7, %add3A_10 : i32
    "tpu.region"() ({
      %run_scoped3A = tpu.sem_alloc : memref<!tpu.dma_semaphore, #tpu.memory_space<semaphore_mem>>
      %dma_start3A = arith.constant 0 : i32
      %dma_start3A_50 = tpu.memref_slice %arg10[%add3A_11, %dma_start3A] : memref<10240x128xf32, #tpu.memory_space<vmem_shared>> -> memref<128x128xf32, #tpu.memory_space<vmem_shared>>
      %dma_start3A_51 = arith.constant 0 : i32
      %dma_start3A_52 = tpu.memref_slice %arg10[%add3A_11, %dma_start3A_51] : memref<10240x128xf32, #tpu.memory_space<vmem_shared>> -> memref<128x128xf32, #tpu.memory_space<vmem_shared>>
      tpu.enqueue_dma source(%arg9 : memref<128x128xf32, #tpu.memory_space<vmem>>) target(%dma_start3A_52 : memref<128x128xf32, #tpu.memory_space<vmem_shared>>) target_semaphore(%run_scoped3A : memref<!tpu.dma_semaphore, #tpu.memory_space<semaphore_mem>>)
      %dma_wait3A = arith.constant 0 : i32
      %dma_wait3A_53 = tpu.memref_slice %arg10[%add3A_11, %dma_wait3A] : memref<10240x128xf32, #tpu.memory_space<vmem_shared>> -> memref<128x128xf32, #tpu.memory_space<vmem_shared>>
      %dma_wait3A_54 = arith.constant 0 : i32
      %dma_wait3A_55 = tpu.memref_slice %arg10[%add3A_11, %dma_wait3A_54] : memref<10240x128xf32, #tpu.memory_space<vmem_shared>> -> memref<128x128xf32, #tpu.memory_space<vmem_shared>>
      tpu.wait_dma2 semaphore(%run_scoped3A : memref<!tpu.dma_semaphore, #tpu.memory_space<semaphore_mem>>) src(%arg9 : memref<128x128xf32, #tpu.memory_space<vmem>>) dst(%dma_wait3A_55 : memref<128x128xf32, #tpu.memory_space<vmem_shared>>)
      tpu.yield
    }) : () -> ()
    %add3A_12 = arith.constant 256 : i32
    %add3A_13 = arith.addi %mul3A_7, %add3A_12 : i32
    "tpu.region"() ({
      %run_scoped3A = tpu.sem_alloc : memref<!tpu.dma_semaphore, #tpu.memory_space<semaphore_mem>>
      %dma_start3A = arith.constant 0 : i32
      %dma_start3A_50 = tpu.memref_slice %arg10[%add3A_13, %dma_start3A] : memref<10240x128xf32, #tpu.memory_space<vmem_shared>> -> memref<128x128xf32, #tpu.memory_space<vmem_shared>>
      %dma_start3A_51 = arith.constant 0 : i32
      %dma_start3A_52 = tpu.memref_slice %arg10[%add3A_13, %dma_start3A_51] : memref<10240x128xf32, #tpu.memory_space<vmem_shared>> -> memref<128x128xf32, #tpu.memory_space<vmem_shared>>
      tpu.enqueue_dma source(%arg8 : memref<128x128xf32, #tpu.memory_space<vmem>>) target(%dma_start3A_52 : memref<128x128xf32, #tpu.memory_space<vmem_shared>>) target_semaphore(%run_scoped3A : memref<!tpu.dma_semaphore, #tpu.memory_space<semaphore_mem>>)
      %dma_wait3A = arith.constant 0 : i32
      %dma_wait3A_53 = tpu.memref_slice %arg10[%add3A_13, %dma_wait3A] : memref<10240x128xf32, #tpu.memory_space<vmem_shared>> -> memref<128x128xf32, #tpu.memory_space<vmem_shared>>
      %dma_wait3A_54 = arith.constant 0 : i32
      %dma_wait3A_55 = tpu.memref_slice %arg10[%add3A_13, %dma_wait3A_54] : memref<10240x128xf32, #tpu.memory_space<vmem_shared>> -> memref<128x128xf32, #tpu.memory_space<vmem_shared>>
      tpu.wait_dma2 semaphore(%run_scoped3A : memref<!tpu.dma_semaphore, #tpu.memory_space<semaphore_mem>>) src(%arg8 : memref<128x128xf32, #tpu.memory_space<vmem>>) dst(%dma_wait3A_55 : memref<128x128xf32, #tpu.memory_space<vmem_shared>>)
      tpu.yield
    }) : () -> ()
    %add3A_14 = arith.constant 384 : i32
    %add3A_15 = arith.addi %mul3A_7, %add3A_14 : i32
    "tpu.region"() ({
      %run_scoped3A = tpu.sem_alloc : memref<!tpu.dma_semaphore, #tpu.memory_space<semaphore_mem>>
      %dma_start3A = arith.constant 0 : i32
      %dma_start3A_50 = tpu.memref_slice %arg10[%add3A_15, %dma_start3A] : memref<10240x128xf32, #tpu.memory_space<vmem_shared>> -> memref<128x128xf32, #tpu.memory_space<vmem_shared>>
      %dma_start3A_51 = arith.constant 0 : i32
      %dma_start3A_52 = tpu.memref_slice %arg10[%add3A_15, %dma_start3A_51] : memref<10240x128xf32, #tpu.memory_space<vmem_shared>> -> memref<128x128xf32, #tpu.memory_space<vmem_shared>>
      tpu.enqueue_dma source(%arg9 : memref<128x128xf32, #tpu.memory_space<vmem>>) target(%dma_start3A_52 : memref<128x128xf32, #tpu.memory_space<vmem_shared>>) target_semaphore(%run_scoped3A : memref<!tpu.dma_semaphore, #tpu.memory_space<semaphore_mem>>)
      %dma_wait3A = arith.constant 0 : i32
      %dma_wait3A_53 = tpu.memref_slice %arg10[%add3A_15, %dma_wait3A] : memref<10240x128xf32, #tpu.memory_space<vmem_shared>> -> memref<128x128xf32, #tpu.memory_space<vmem_shared>>
      %dma_wait3A_54 = arith.constant 0 : i32
      %dma_wait3A_55 = tpu.memref_slice %arg10[%add3A_15, %dma_wait3A_54] : memref<10240x128xf32, #tpu.memory_space<vmem_shared>> -> memref<128x128xf32, #tpu.memory_space<vmem_shared>>
      tpu.wait_dma2 semaphore(%run_scoped3A : memref<!tpu.dma_semaphore, #tpu.memory_space<semaphore_mem>>) src(%arg9 : memref<128x128xf32, #tpu.memory_space<vmem>>) dst(%dma_wait3A_55 : memref<128x128xf32, #tpu.memory_space<vmem_shared>>)
      tpu.yield
    }) : () -> ()
    %add3A_16 = arith.constant 512 : i32
    %add3A_17 = arith.addi %mul3A_7, %add3A_16 : i32
    "tpu.region"() ({
      %run_scoped3A = tpu.sem_alloc : memref<!tpu.dma_semaphore, #tpu.memory_space<semaphore_mem>>
      %dma_start3A = arith.constant 0 : i32
      %dma_start3A_50 = tpu.memref_slice %arg10[%add3A_17, %dma_start3A] : memref<10240x128xf32, #tpu.memory_space<vmem_shared>> -> memref<128x128xf32, #tpu.memory_space<vmem_shared>>
      %dma_start3A_51 = arith.constant 0 : i32
      %dma_start3A_52 = tpu.memref_slice %arg10[%add3A_17, %dma_start3A_51] : memref<10240x128xf32, #tpu.memory_space<vmem_shared>> -> memref<128x128xf32, #tpu.memory_space<vmem_shared>>
      tpu.enqueue_dma source(%arg8 : memref<128x128xf32, #tpu.memory_space<vmem>>) target(%dma_start3A_52 : memref<128x128xf32, #tpu.memory_space<vmem_shared>>) target_semaphore(%run_scoped3A : memref<!tpu.dma_semaphore, #tpu.memory_space<semaphore_mem>>)
      %dma_wait3A = arith.constant 0 : i32
      %dma_wait3A_53 = tpu.memref_slice %arg10[%add3A_17, %dma_wait3A] : memref<10240x128xf32, #tpu.memory_space<vmem_shared>> -> memref<128x128xf32, #tpu.memory_space<vmem_shared>>
      %dma_wait3A_54 = arith.constant 0 : i32
      %dma_wait3A_55 = tpu.memref_slice %arg10[%add3A_17, %dma_wait3A_54] : memref<10240x128xf32, #tpu.memory_space<vmem_shared>> -> memref<128x128xf32, #tpu.memory_space<vmem_shared>>
      tpu.wait_dma2 semaphore(%run_scoped3A : memref<!tpu.dma_semaphore, #tpu.memory_space<semaphore_mem>>) src(%arg8 : memref<128x128xf32, #tpu.memory_space<vmem>>) dst(%dma_wait3A_55 : memref<128x128xf32, #tpu.memory_space<vmem_shared>>)
      tpu.yield
    }) : () -> ()
    %barrier3A = arith.constant 0 : index
    tpu.barrier barrier_id(%barrier3A)
    %mul3A_18 = arith.constant 2 : i32
    %mul3A_19 = arith.muli %add3A, %mul3A_18 : i32
    %add3A_20 = arith.constant 0 : i32
    %add3A_21 = arith.addi %mul3A_19, %add3A_20 : i32
    "tpu.region"() ({
      %run_scoped3A = tpu.sem_alloc : memref<!tpu.dma_semaphore, #tpu.memory_space<semaphore_mem>>
      %dma_start3A = arith.constant 0 : i32
      %dma_start3A_50 = tpu.memref_slice %arg3[%add3A_21, %dma_start3A] : memref<64x5120xi32, #tpu.memory_space<hbm>> -> memref<1x5120xi32, #tpu.memory_space<hbm>>
      %dma_start3A_51 = tpu.memref_squeeze %dma_start3A_50 : memref<1x5120xi32, #tpu.memory_space<hbm>> -> memref<5120xi32, #tpu.memory_space<hbm>>
      %dma_start3A_52 = arith.constant 0 : i32
      %dma_start3A_53 = tpu.memref_slice %arg3[%add3A_21, %dma_start3A_52] : memref<64x5120xi32, #tpu.memory_space<hbm>> -> memref<1x5120xi32, #tpu.memory_space<hbm>>
      %dma_start3A_54 = tpu.memref_squeeze %dma_start3A_53 : memref<1x5120xi32, #tpu.memory_space<hbm>> -> memref<5120xi32, #tpu.memory_space<hbm>>
      tpu.enqueue_dma source(%dma_start3A_54 : memref<5120xi32, #tpu.memory_space<hbm>>) target(%arg6 : memref<5120xi32, #tpu.memory_space<vmem>>) target_semaphore(%run_scoped3A : memref<!tpu.dma_semaphore, #tpu.memory_space<semaphore_mem>>)
      %dma_wait3A = arith.constant 0 : i32
      %dma_wait3A_55 = tpu.memref_slice %arg3[%add3A_21, %dma_wait3A] : memref<64x5120xi32, #tpu.memory_space<hbm>> -> memref<1x5120xi32, #tpu.memory_space<hbm>>
      %dma_wait3A_56 = tpu.memref_squeeze %dma_wait3A_55 : memref<1x5120xi32, #tpu.memory_space<hbm>> -> memref<5120xi32, #tpu.memory_space<hbm>>
      %dma_wait3A_57 = arith.constant 0 : i32
      %dma_wait3A_58 = tpu.memref_slice %arg3[%add3A_21, %dma_wait3A_57] : memref<64x5120xi32, #tpu.memory_space<hbm>> -> memref<1x5120xi32, #tpu.memory_space<hbm>>
      %dma_wait3A_59 = tpu.memref_squeeze %dma_wait3A_58 : memref<1x5120xi32, #tpu.memory_space<hbm>> -> memref<5120xi32, #tpu.memory_space<hbm>>
      tpu.wait_dma2 semaphore(%run_scoped3A : memref<!tpu.dma_semaphore, #tpu.memory_space<semaphore_mem>>) src(%dma_wait3A_59 : memref<5120xi32, #tpu.memory_space<hbm>>) dst(%arg6 : memref<5120xi32, #tpu.memory_space<vmem>>)
      tpu.yield
    }) : () -> ()
    %mul3A_22 = arith.constant 2 : i32
    %mul3A_23 = arith.muli %add3A, %mul3A_22 : i32
    %add3A_24 = arith.constant 0 : i32
    %add3A_25 = arith.addi %mul3A_23, %add3A_24 : i32
    "tpu.region"() ({
      %run_scoped3A = tpu.sem_alloc : memref<!tpu.dma_semaphore, #tpu.memory_space<semaphore_mem>>
      %dma_start3A = arith.constant 0 : i32
      %dma_start3A_50 = arith.constant 0 : i32
      %dma_start3A_51 = tpu.memref_slice %arg4[%add3A_25, %dma_start3A, %dma_start3A_50] : memref<64x40x128xi32, #tpu.memory_space<hbm>> -> memref<1x40x128xi32, #tpu.memory_space<hbm>>
      %dma_start3A_52 = tpu.memref_squeeze %dma_start3A_51 : memref<1x40x128xi32, #tpu.memory_space<hbm>> -> memref<40x128xi32, #tpu.memory_space<hbm>>
      %dma_start3A_53 = arith.constant 0 : i32
      %dma_start3A_54 = arith.constant 0 : i32
      %dma_start3A_55 = tpu.memref_slice %arg4[%add3A_25, %dma_start3A_53, %dma_start3A_54] : memref<64x40x128xi32, #tpu.memory_space<hbm>> -> memref<1x40x128xi32, #tpu.memory_space<hbm>>
      %dma_start3A_56 = tpu.memref_squeeze %dma_start3A_55 : memref<1x40x128xi32, #tpu.memory_space<hbm>> -> memref<40x128xi32, #tpu.memory_space<hbm>>
      tpu.enqueue_dma source(%dma_start3A_56 : memref<40x128xi32, #tpu.memory_space<hbm>>) target(%arg7 : memref<40x128xi32, #tpu.memory_space<vmem>>) target_semaphore(%run_scoped3A : memref<!tpu.dma_semaphore, #tpu.memory_space<semaphore_mem>>)
      %dma_wait3A = arith.constant 0 : i32
      %dma_wait3A_57 = arith.constant 0 : i32
      %dma_wait3A_58 = tpu.memref_slice %arg4[%add3A_25, %dma_wait3A, %dma_wait3A_57] : memref<64x40x128xi32, #tpu.memory_space<hbm>> -> memref<1x40x128xi32, #tpu.memory_space<hbm>>
      %dma_wait3A_59 = tpu.memref_squeeze %dma_wait3A_58 : memref<1x40x128xi32, #tpu.memory_space<hbm>> -> memref<40x128xi32, #tpu.memory_space<hbm>>
      %dma_wait3A_60 = arith.constant 0 : i32
      %dma_wait3A_61 = arith.constant 0 : i32
      %dma_wait3A_62 = tpu.memref_slice %arg4[%add3A_25, %dma_wait3A_60, %dma_wait3A_61] : memref<64x40x128xi32, #tpu.memory_space<hbm>> -> memref<1x40x128xi32, #tpu.memory_space<hbm>>
      %dma_wait3A_63 = tpu.memref_squeeze %dma_wait3A_62 : memref<1x40x128xi32, #tpu.memory_space<hbm>> -> memref<40x128xi32, #tpu.memory_space<hbm>>
      tpu.wait_dma2 semaphore(%run_scoped3A : memref<!tpu.dma_semaphore, #tpu.memory_space<semaphore_mem>>) src(%dma_wait3A_63 : memref<40x128xi32, #tpu.memory_space<hbm>>) dst(%arg7 : memref<40x128xi32, #tpu.memory_space<vmem>>)
      tpu.yield
    }) : () -> ()
    %scan3A_26 = arith.constant 0 : i32
    %scan3A_27 = arith.constant 0 : i32
    %scan3A_28 = arith.constant 20 : i32
    %scan3A_29 = arith.addi %scan3A_27, %scan3A_28 : i32
    %scan3A_30 = arith.constant 1 : i32
    scf.for %scan3A_50 = %scan3A_27 to %scan3A_29 step %scan3A_30  : i32 {
      %mul3A_51 = arith.constant 2 : i32
      %mul3A_52 = arith.muli %mul3A_51, %scan3A_50 : i32
      %add3A_53 = arith.constant 0 : i32
      %add3A_54 = arith.addi %mul3A_52, %add3A_53 : i32
      %mul3A_55 = arith.constant 128 : i32
      %mul3A_56 = arith.muli %add3A_54, %mul3A_55 : i32
      %dma_start3A = tpu.memref_slice %arg6[%mul3A_56] : memref<5120xi32, #tpu.memory_space<vmem>> -> memref<128xi32, #tpu.memory_space<vmem>>
      %dma_start3A_57 = arith.constant 0 : i32
      %dma_start3A_58 = arith.constant 0 : i32
      %dma_start3A_59 = tpu.memref_slice %arg2[%dma_start3A_57, %dma_start3A_58] : memref<10000x128xf32, #tpu.memory_space<hbm>> -> memref<10000x128xf32, #tpu.memory_space<hbm>>
      tpu.enqueue_indirect_dma source(%dma_start3A_59 : memref<10000x128xf32, #tpu.memory_space<hbm>>) target(%arg8 : memref<128x128xf32, #tpu.memory_space<vmem>>) offsets(%dma_start3A : memref<128xi32, #tpu.memory_space<vmem>>) semaphore(%arg11 : memref<!tpu.dma_semaphore, #tpu.memory_space<semaphore_mem>>)
      %mul3A_60 = arith.constant 2 : i32
      %mul3A_61 = arith.muli %mul3A_60, %scan3A_50 : i32
      %add3A_62 = arith.constant 1 : i32
      %add3A_63 = arith.addi %mul3A_61, %add3A_62 : i32
      %mul3A_64 = arith.constant 128 : i32
      %mul3A_65 = arith.muli %add3A_63, %mul3A_64 : i32
      %dma_start3A_66 = tpu.memref_slice %arg6[%mul3A_65] : memref<5120xi32, #tpu.memory_space<vmem>> -> memref<128xi32, #tpu.memory_space<vmem>>
      %dma_start3A_67 = arith.constant 0 : i32
      %dma_start3A_68 = arith.constant 0 : i32
      %dma_start3A_69 = tpu.memref_slice %arg2[%dma_start3A_67, %dma_start3A_68] : memref<10000x128xf32, #tpu.memory_space<hbm>> -> memref<10000x128xf32, #tpu.memory_space<hbm>>
      tpu.enqueue_indirect_dma source(%dma_start3A_69 : memref<10000x128xf32, #tpu.memory_space<hbm>>) target(%arg9 : memref<128x128xf32, #tpu.memory_space<vmem>>) offsets(%dma_start3A_66 : memref<128xi32, #tpu.memory_space<vmem>>) semaphore(%arg11 : memref<!tpu.dma_semaphore, #tpu.memory_space<semaphore_mem>>)
      %dma_wait3A = tpu.memref_slice %arg6[%mul3A_56] : memref<5120xi32, #tpu.memory_space<vmem>> -> memref<128xi32, #tpu.memory_space<vmem>>
      %dma_wait3A_70 = arith.constant 0 : i32
      %dma_wait3A_71 = arith.constant 0 : i32
      %dma_wait3A_72 = tpu.memref_slice %arg2[%dma_wait3A_70, %dma_wait3A_71] : memref<10000x128xf32, #tpu.memory_space<hbm>> -> memref<10000x128xf32, #tpu.memory_space<hbm>>
      tpu.wait_indirect_dma semaphore(%arg11 : memref<!tpu.dma_semaphore, #tpu.memory_space<semaphore_mem>>) src(%dma_wait3A_72 : memref<10000x128xf32, #tpu.memory_space<hbm>>) dst(%arg8 : memref<128x128xf32, #tpu.memory_space<vmem>>)
      %dma_wait3A_73 = tpu.memref_slice %arg6[%mul3A_65] : memref<5120xi32, #tpu.memory_space<vmem>> -> memref<128xi32, #tpu.memory_space<vmem>>
      %dma_wait3A_74 = arith.constant 0 : i32
      %dma_wait3A_75 = arith.constant 0 : i32
      %dma_wait3A_76 = tpu.memref_slice %arg2[%dma_wait3A_74, %dma_wait3A_75] : memref<10000x128xf32, #tpu.memory_space<hbm>> -> memref<10000x128xf32, #tpu.memory_space<hbm>>
      tpu.wait_indirect_dma semaphore(%arg11 : memref<!tpu.dma_semaphore, #tpu.memory_space<semaphore_mem>>) src(%dma_wait3A_76 : memref<10000x128xf32, #tpu.memory_space<hbm>>) dst(%arg9 : memref<128x128xf32, #tpu.memory_space<vmem>>)
      %mul3A_77 = arith.constant 2 : i32
      %mul3A_78 = arith.muli %mul3A_77, %scan3A_50 : i32
      %add3A_79 = arith.constant 0 : i32
      %add3A_80 = arith.addi %mul3A_78, %add3A_79 : i32
      %dma_start3A_81 = arith.constant 0 : i32
      %dma_start3A_82 = tpu.memref_slice %arg7[%add3A_80, %dma_start3A_81] : memref<40x128xi32, #tpu.memory_space<vmem>> -> memref<1x128xi32, #tpu.memory_space<vmem>>
      %dma_start3A_83 = tpu.memref_squeeze %dma_start3A_82 : memref<1x128xi32, #tpu.memory_space<vmem>> -> memref<128xi32, #tpu.memory_space<vmem>>
      %dma_start3A_84 = arith.constant 0 : i32
      %dma_start3A_85 = arith.constant 0 : i32
      %dma_start3A_86 = tpu.memref_slice %arg10[%dma_start3A_84, %dma_start3A_85] : memref<10240x128xf32, #tpu.memory_space<vmem_shared>> -> memref<10240x128xf32, #tpu.memory_space<vmem_shared>>
      tpu.enqueue_indirect_dma source(%arg8 : memref<128x128xf32, #tpu.memory_space<vmem>>) target(%dma_start3A_86 : memref<10240x128xf32, #tpu.memory_space<vmem_shared>>) offsets(%dma_start3A_83 : memref<128xi32, #tpu.memory_space<vmem>>) semaphore(%arg12 : memref<!tpu.dma_semaphore, #tpu.memory_space<semaphore_mem>>) {add = true}
      %mul3A_87 = arith.constant 2 : i32
      %mul3A_88 = arith.muli %mul3A_87, %scan3A_50 : i32
      %add3A_89 = arith.constant 1 : i32
      %add3A_90 = arith.addi %mul3A_88, %add3A_89 : i32
      %dma_start3A_91 = arith.constant 0 : i32
      %dma_start3A_92 = tpu.memref_slice %arg7[%add3A_90, %dma_start3A_91] : memref<40x128xi32, #tpu.memory_space<vmem>> -> memref<1x128xi32, #tpu.memory_space<vmem>>
      %dma_start3A_93 = tpu.memref_squeeze %dma_start3A_92 : memref<1x128xi32, #tpu.memory_space<vmem>> -> memref<128xi32, #tpu.memory_space<vmem>>
      %dma_start3A_94 = arith.constant 0 : i32
      %dma_start3A_95 = arith.constant 0 : i32
      %dma_start3A_96 = tpu.memref_slice %arg10[%dma_start3A_94, %dma_start3A_95] : memref<10240x128xf32, #tpu.memory_space<vmem_shared>> -> memref<10240x128xf32, #tpu.memory_space<vmem_shared>>
      tpu.enqueue_indirect_dma source(%arg9 : memref<128x128xf32, #tpu.memory_space<vmem>>) target(%dma_start3A_96 : memref<10240x128xf32, #tpu.memory_space<vmem_shared>>) offsets(%dma_start3A_93 : memref<128xi32, #tpu.memory_space<vmem>>) semaphore(%arg12 : memref<!tpu.dma_semaphore, #tpu.memory_space<semaphore_mem>>) {add = true}
      %dma_wait3A_97 = arith.constant 0 : i32
      %dma_wait3A_98 = tpu.memref_slice %arg7[%add3A_80, %dma_wait3A_97] : memref<40x128xi32, #tpu.memory_space<vmem>> -> memref<1x128xi32, #tpu.memory_space<vmem>>
      %dma_wait3A_99 = tpu.memref_squeeze %dma_wait3A_98 : memref<1x128xi32, #tpu.memory_space<vmem>> -> memref<128xi32, #tpu.memory_space<vmem>>
      %dma_wait3A_100 = arith.constant 0 : i32
      %dma_wait3A_101 = arith.constant 0 : i32
      %dma_wait3A_102 = tpu.memref_slice %arg10[%dma_wait3A_100, %dma_wait3A_101] : memref<10240x128xf32, #tpu.memory_space<vmem_shared>> -> memref<10240x128xf32, #tpu.memory_space<vmem_shared>>
      tpu.wait_indirect_dma semaphore(%arg12 : memref<!tpu.dma_semaphore, #tpu.memory_space<semaphore_mem>>) src(%arg8 : memref<128x128xf32, #tpu.memory_space<vmem>>) dst(%dma_wait3A_102 : memref<10240x128xf32, #tpu.memory_space<vmem_shared>>)
      %dma_wait3A_103 = arith.constant 0 : i32
      %dma_wait3A_104 = tpu.memref_slice %arg7[%add3A_90, %dma_wait3A_103] : memref<40x128xi32, #tpu.memory_space<vmem>> -> memref<1x128xi32, #tpu.memory_space<vmem>>
      %dma_wait3A_105 = tpu.memref_squeeze %dma_wait3A_104 : memref<1x128xi32, #tpu.memory_space<vmem>> -> memref<128xi32, #tpu.memory_space<vmem>>
      %dma_wait3A_106 = arith.constant 0 : i32
      %dma_wait3A_107 = arith.constant 0 : i32
      %dma_wait3A_108 = tpu.memref_slice %arg10[%dma_wait3A_106, %dma_wait3A_107] : memref<10240x128xf32, #tpu.memory_space<vmem_shared>> -> memref<10240x128xf32, #tpu.memory_space<vmem_shared>>
      tpu.wait_indirect_dma semaphore(%arg12 : memref<!tpu.dma_semaphore, #tpu.memory_space<semaphore_mem>>) src(%arg9 : memref<128x128xf32, #tpu.memory_space<vmem>>) dst(%dma_wait3A_108 : memref<10240x128xf32, #tpu.memory_space<vmem_shared>>)
    }
    %scan3A_31 = arith.constant 20 : i32
    %mul3A_32 = arith.constant 2 : i32
    %mul3A_33 = arith.muli %add3A, %mul3A_32 : i32
    %add3A_34 = arith.constant 1 : i32
    %add3A_35 = arith.addi %mul3A_33, %add3A_34 : i32
    "tpu.region"() ({
      %run_scoped3A = tpu.sem_alloc : memref<!tpu.dma_semaphore, #tpu.memory_space<semaphore_mem>>
      %dma_start3A = arith.constant 0 : i32
      %dma_start3A_50 = tpu.memref_slice %arg3[%add3A_35, %dma_start3A] : memref<64x5120xi32, #tpu.memory_space<hbm>> -> memref<1x5120xi32, #tpu.memory_space<hbm>>
      %dma_start3A_51 = tpu.memref_squeeze %dma_start3A_50 : memref<1x5120xi32, #tpu.memory_space<hbm>> -> memref<5120xi32, #tpu.memory_space<hbm>>
      %dma_start3A_52 = arith.constant 0 : i32
      %dma_start3A_53 = tpu.memref_slice %arg3[%add3A_35, %dma_start3A_52] : memref<64x5120xi32, #tpu.memory_space<hbm>> -> memref<1x5120xi32, #tpu.memory_space<hbm>>
      %dma_start3A_54 = tpu.memref_squeeze %dma_start3A_53 : memref<1x5120xi32, #tpu.memory_space<hbm>> -> memref<5120xi32, #tpu.memory_space<hbm>>
      tpu.enqueue_dma source(%dma_start3A_54 : memref<5120xi32, #tpu.memory_space<hbm>>) target(%arg6 : memref<5120xi32, #tpu.memory_space<vmem>>) target_semaphore(%run_scoped3A : memref<!tpu.dma_semaphore, #tpu.memory_space<semaphore_mem>>)
      %dma_wait3A = arith.constant 0 : i32
      %dma_wait3A_55 = tpu.memref_slice %arg3[%add3A_35, %dma_wait3A] : memref<64x5120xi32, #tpu.memory_space<hbm>> -> memref<1x5120xi32, #tpu.memory_space<hbm>>
      %dma_wait3A_56 = tpu.memref_squeeze %dma_wait3A_55 : memref<1x5120xi32, #tpu.memory_space<hbm>> -> memref<5120xi32, #tpu.memory_space<hbm>>
      %dma_wait3A_57 = arith.constant 0 : i32
      %dma_wait3A_58 = tpu.memref_slice %arg3[%add3A_35, %dma_wait3A_57] : memref<64x5120xi32, #tpu.memory_space<hbm>> -> memref<1x5120xi32, #tpu.memory_space<hbm>>
      %dma_wait3A_59 = tpu.memref_squeeze %dma_wait3A_58 : memref<1x5120xi32, #tpu.memory_space<hbm>> -> memref<5120xi32, #tpu.memory_space<hbm>>
      tpu.wait_dma2 semaphore(%run_scoped3A : memref<!tpu.dma_semaphore, #tpu.memory_space<semaphore_mem>>) src(%dma_wait3A_59 : memref<5120xi32, #tpu.memory_space<hbm>>) dst(%arg6 : memref<5120xi32, #tpu.memory_space<vmem>>)
      tpu.yield
    }) : () -> ()
    %mul3A_36 = arith.constant 2 : i32
    %mul3A_37 = arith.muli %add3A, %mul3A_36 : i32
    %add3A_38 = arith.constant 1 : i32
    %add3A_39 = arith.addi %mul3A_37, %add3A_38 : i32
    "tpu.region"() ({
      %run_scoped3A = tpu.sem_alloc : memref<!tpu.dma_semaphore, #tpu.memory_space<semaphore_mem>>
      %dma_start3A = arith.constant 0 : i32
      %dma_start3A_50 = arith.constant 0 : i32
      %dma_start3A_51 = tpu.memref_slice %arg4[%add3A_39, %dma_start3A, %dma_start3A_50] : memref<64x40x128xi32, #tpu.memory_space<hbm>> -> memref<1x40x128xi32, #tpu.memory_space<hbm>>
      %dma_start3A_52 = tpu.memref_squeeze %dma_start3A_51 : memref<1x40x128xi32, #tpu.memory_space<hbm>> -> memref<40x128xi32, #tpu.memory_space<hbm>>
      %dma_start3A_53 = arith.constant 0 : i32
      %dma_start3A_54 = arith.constant 0 : i32
      %dma_start3A_55 = tpu.memref_slice %arg4[%add3A_39, %dma_start3A_53, %dma_start3A_54] : memref<64x40x128xi32, #tpu.memory_space<hbm>> -> memref<1x40x128xi32, #tpu.memory_space<hbm>>
      %dma_start3A_56 = tpu.memref_squeeze %dma_start3A_55 : memref<1x40x128xi32, #tpu.memory_space<hbm>> -> memref<40x128xi32, #tpu.memory_space<hbm>>
      tpu.enqueue_dma source(%dma_start3A_56 : memref<40x128xi32, #tpu.memory_space<hbm>>) target(%arg7 : memref<40x128xi32, #tpu.memory_space<vmem>>) target_semaphore(%run_scoped3A : memref<!tpu.dma_semaphore, #tpu.memory_space<semaphore_mem>>)
      %dma_wait3A = arith.constant 0 : i32
      %dma_wait3A_57 = arith.constant 0 : i32
      %dma_wait3A_58 = tpu.memref_slice %arg4[%add3A_39, %dma_wait3A, %dma_wait3A_57] : memref<64x40x128xi32, #tpu.memory_space<hbm>> -> memref<1x40x128xi32, #tpu.memory_space<hbm>>
      %dma_wait3A_59 = tpu.memref_squeeze %dma_wait3A_58 : memref<1x40x128xi32, #tpu.memory_space<hbm>> -> memref<40x128xi32, #tpu.memory_space<hbm>>
      %dma_wait3A_60 = arith.constant 0 : i32
      %dma_wait3A_61 = arith.constant 0 : i32
      %dma_wait3A_62 = tpu.memref_slice %arg4[%add3A_39, %dma_wait3A_60, %dma_wait3A_61] : memref<64x40x128xi32, #tpu.memory_space<hbm>> -> memref<1x40x128xi32, #tpu.memory_space<hbm>>
      %dma_wait3A_63 = tpu.memref_squeeze %dma_wait3A_62 : memref<1x40x128xi32, #tpu.memory_space<hbm>> -> memref<40x128xi32, #tpu.memory_space<hbm>>
      tpu.wait_dma2 semaphore(%run_scoped3A : memref<!tpu.dma_semaphore, #tpu.memory_space<semaphore_mem>>) src(%dma_wait3A_63 : memref<40x128xi32, #tpu.memory_space<hbm>>) dst(%arg7 : memref<40x128xi32, #tpu.memory_space<vmem>>)
      tpu.yield
    }) : () -> ()
    %scan3A_40 = arith.constant 0 : i32
    %scan3A_41 = arith.constant 0 : i32
    %scan3A_42 = arith.constant 20 : i32
    %scan3A_43 = arith.addi %scan3A_41, %scan3A_42 : i32
    %scan3A_44 = arith.constant 1 : i32
    scf.for %scan3A_50 = %scan3A_41 to %scan3A_43 step %scan3A_44  : i32 {
      %mul3A_51 = arith.constant 2 : i32
      %mul3A_52 = arith.muli %mul3A_51, %scan3A_50 : i32
      %add3A_53 = arith.constant 0 : i32
      %add3A_54 = arith.addi %mul3A_52, %add3A_53 : i32
      %mul3A_55 = arith.constant 128 : i32
      %mul3A_56 = arith.muli %add3A_54, %mul3A_55 : i32
      %dma_start3A = tpu.memref_slice %arg6[%mul3A_56] : memref<5120xi32, #tpu.memory_space<vmem>> -> memref<128xi32, #tpu.memory_space<vmem>>
      %dma_start3A_57 = arith.constant 0 : i32
      %dma_start3A_58 = arith.constant 0 : i32
      %dma_start3A_59 = tpu.memref_slice %arg2[%dma_start3A_57, %dma_start3A_58] : memref<10000x128xf32, #tpu.memory_space<hbm>> -> memref<10000x128xf32, #tpu.memory_space<hbm>>
      tpu.enqueue_indirect_dma source(%dma_start3A_59 : memref<10000x128xf32, #tpu.memory_space<hbm>>) target(%arg8 : memref<128x128xf32, #tpu.memory_space<vmem>>) offsets(%dma_start3A : memref<128xi32, #tpu.memory_space<vmem>>) semaphore(%arg11 : memref<!tpu.dma_semaphore, #tpu.memory_space<semaphore_mem>>)
      %mul3A_60 = arith.constant 2 : i32
      %mul3A_61 = arith.muli %mul3A_60, %scan3A_50 : i32
      %add3A_62 = arith.constant 1 : i32
      %add3A_63 = arith.addi %mul3A_61, %add3A_62 : i32
      %mul3A_64 = arith.constant 128 : i32
      %mul3A_65 = arith.muli %add3A_63, %mul3A_64 : i32
      %dma_start3A_66 = tpu.memref_slice %arg6[%mul3A_65] : memref<5120xi32, #tpu.memory_space<vmem>> -> memref<128xi32, #tpu.memory_space<vmem>>
      %dma_start3A_67 = arith.constant 0 : i32
      %dma_start3A_68 = arith.constant 0 : i32
      %dma_start3A_69 = tpu.memref_slice %arg2[%dma_start3A_67, %dma_start3A_68] : memref<10000x128xf32, #tpu.memory_space<hbm>> -> memref<10000x128xf32, #tpu.memory_space<hbm>>
      tpu.enqueue_indirect_dma source(%dma_start3A_69 : memref<10000x128xf32, #tpu.memory_space<hbm>>) target(%arg9 : memref<128x128xf32, #tpu.memory_space<vmem>>) offsets(%dma_start3A_66 : memref<128xi32, #tpu.memory_space<vmem>>) semaphore(%arg11 : memref<!tpu.dma_semaphore, #tpu.memory_space<semaphore_mem>>)
      %dma_wait3A = tpu.memref_slice %arg6[%mul3A_56] : memref<5120xi32, #tpu.memory_space<vmem>> -> memref<128xi32, #tpu.memory_space<vmem>>
      %dma_wait3A_70 = arith.constant 0 : i32
      %dma_wait3A_71 = arith.constant 0 : i32
      %dma_wait3A_72 = tpu.memref_slice %arg2[%dma_wait3A_70, %dma_wait3A_71] : memref<10000x128xf32, #tpu.memory_space<hbm>> -> memref<10000x128xf32, #tpu.memory_space<hbm>>
      tpu.wait_indirect_dma semaphore(%arg11 : memref<!tpu.dma_semaphore, #tpu.memory_space<semaphore_mem>>) src(%dma_wait3A_72 : memref<10000x128xf32, #tpu.memory_space<hbm>>) dst(%arg8 : memref<128x128xf32, #tpu.memory_space<vmem>>)
      %dma_wait3A_73 = tpu.memref_slice %arg6[%mul3A_65] : memref<5120xi32, #tpu.memory_space<vmem>> -> memref<128xi32, #tpu.memory_space<vmem>>
      %dma_wait3A_74 = arith.constant 0 : i32
      %dma_wait3A_75 = arith.constant 0 : i32
      %dma_wait3A_76 = tpu.memref_slice %arg2[%dma_wait3A_74, %dma_wait3A_75] : memref<10000x128xf32, #tpu.memory_space<hbm>> -> memref<10000x128xf32, #tpu.memory_space<hbm>>
      tpu.wait_indirect_dma semaphore(%arg11 : memref<!tpu.dma_semaphore, #tpu.memory_space<semaphore_mem>>) src(%dma_wait3A_76 : memref<10000x128xf32, #tpu.memory_space<hbm>>) dst(%arg9 : memref<128x128xf32, #tpu.memory_space<vmem>>)
      %mul3A_77 = arith.constant 2 : i32
      %mul3A_78 = arith.muli %mul3A_77, %scan3A_50 : i32
      %add3A_79 = arith.constant 0 : i32
      %add3A_80 = arith.addi %mul3A_78, %add3A_79 : i32
      %dma_start3A_81 = arith.constant 0 : i32
      %dma_start3A_82 = tpu.memref_slice %arg7[%add3A_80, %dma_start3A_81] : memref<40x128xi32, #tpu.memory_space<vmem>> -> memref<1x128xi32, #tpu.memory_space<vmem>>
      %dma_start3A_83 = tpu.memref_squeeze %dma_start3A_82 : memref<1x128xi32, #tpu.memory_space<vmem>> -> memref<128xi32, #tpu.memory_space<vmem>>
      %dma_start3A_84 = arith.constant 0 : i32
      %dma_start3A_85 = arith.constant 0 : i32
      %dma_start3A_86 = tpu.memref_slice %arg10[%dma_start3A_84, %dma_start3A_85] : memref<10240x128xf32, #tpu.memory_space<vmem_shared>> -> memref<10240x128xf32, #tpu.memory_space<vmem_shared>>
      tpu.enqueue_indirect_dma source(%arg8 : memref<128x128xf32, #tpu.memory_space<vmem>>) target(%dma_start3A_86 : memref<10240x128xf32, #tpu.memory_space<vmem_shared>>) offsets(%dma_start3A_83 : memref<128xi32, #tpu.memory_space<vmem>>) semaphore(%arg12 : memref<!tpu.dma_semaphore, #tpu.memory_space<semaphore_mem>>) {add = true}
      %mul3A_87 = arith.constant 2 : i32
      %mul3A_88 = arith.muli %mul3A_87, %scan3A_50 : i32
      %add3A_89 = arith.constant 1 : i32
      %add3A_90 = arith.addi %mul3A_88, %add3A_89 : i32
      %dma_start3A_91 = arith.constant 0 : i32
      %dma_start3A_92 = tpu.memref_slice %arg7[%add3A_90, %dma_start3A_91] : memref<40x128xi32, #tpu.memory_space<vmem>> -> memref<1x128xi32, #tpu.memory_space<vmem>>
      %dma_start3A_93 = tpu.memref_squeeze %dma_start3A_92 : memref<1x128xi32, #tpu.memory_space<vmem>> -> memref<128xi32, #tpu.memory_space<vmem>>
      %dma_start3A_94 = arith.constant 0 : i32
      %dma_start3A_95 = arith.constant 0 : i32
      %dma_start3A_96 = tpu.memref_slice %arg10[%dma_start3A_94, %dma_start3A_95] : memref<10240x128xf32, #tpu.memory_space<vmem_shared>> -> memref<10240x128xf32, #tpu.memory_space<vmem_shared>>
      tpu.enqueue_indirect_dma source(%arg9 : memref<128x128xf32, #tpu.memory_space<vmem>>) target(%dma_start3A_96 : memref<10240x128xf32, #tpu.memory_space<vmem_shared>>) offsets(%dma_start3A_93 : memref<128xi32, #tpu.memory_space<vmem>>) semaphore(%arg12 : memref<!tpu.dma_semaphore, #tpu.memory_space<semaphore_mem>>) {add = true}
      %dma_wait3A_97 = arith.constant 0 : i32
      %dma_wait3A_98 = tpu.memref_slice %arg7[%add3A_80, %dma_wait3A_97] : memref<40x128xi32, #tpu.memory_space<vmem>> -> memref<1x128xi32, #tpu.memory_space<vmem>>
      %dma_wait3A_99 = tpu.memref_squeeze %dma_wait3A_98 : memref<1x128xi32, #tpu.memory_space<vmem>> -> memref<128xi32, #tpu.memory_space<vmem>>
      %dma_wait3A_100 = arith.constant 0 : i32
      %dma_wait3A_101 = arith.constant 0 : i32
      %dma_wait3A_102 = tpu.memref_slice %arg10[%dma_wait3A_100, %dma_wait3A_101] : memref<10240x128xf32, #tpu.memory_space<vmem_shared>> -> memref<10240x128xf32, #tpu.memory_space<vmem_shared>>
      tpu.wait_indirect_dma semaphore(%arg12 : memref<!tpu.dma_semaphore, #tpu.memory_space<semaphore_mem>>) src(%arg8 : memref<128x128xf32, #tpu.memory_space<vmem>>) dst(%dma_wait3A_102 : memref<10240x128xf32, #tpu.memory_space<vmem_shared>>)
      %dma_wait3A_103 = arith.constant 0 : i32
      %dma_wait3A_104 = tpu.memref_slice %arg7[%add3A_90, %dma_wait3A_103] : memref<40x128xi32, #tpu.memory_space<vmem>> -> memref<1x128xi32, #tpu.memory_space<vmem>>
      %dma_wait3A_105 = tpu.memref_squeeze %dma_wait3A_104 : memref<1x128xi32, #tpu.memory_space<vmem>> -> memref<128xi32, #tpu.memory_space<vmem>>
      %dma_wait3A_106 = arith.constant 0 : i32
      %dma_wait3A_107 = arith.constant 0 : i32
      %dma_wait3A_108 = tpu.memref_slice %arg10[%dma_wait3A_106, %dma_wait3A_107] : memref<10240x128xf32, #tpu.memory_space<vmem_shared>> -> memref<10240x128xf32, #tpu.memory_space<vmem_shared>>
      tpu.wait_indirect_dma semaphore(%arg12 : memref<!tpu.dma_semaphore, #tpu.memory_space<semaphore_mem>>) src(%arg9 : memref<128x128xf32, #tpu.memory_space<vmem>>) dst(%dma_wait3A_108 : memref<10240x128xf32, #tpu.memory_space<vmem_shared>>)
    }
    %scan3A_45 = arith.constant 20 : i32
    %barrier3A_46 = arith.constant 0 : index
    tpu.barrier barrier_id(%barrier3A_46)
    %mul3A_47 = arith.constant 10240 : i32
    %mul3A_48 = arith.muli %arg0, %mul3A_47 : i32
    %add3A_49 = arith.addi %mul3A_48, %mul3A_7 : i32
    "tpu.region"() ({
      %run_scoped3A = tpu.sem_alloc : memref<!tpu.dma_semaphore, #tpu.memory_space<semaphore_mem>>
      %dma_start3A = arith.constant 0 : i32
      %dma_start3A_50 = tpu.memref_slice %arg5[%add3A_49, %dma_start3A] : memref<20480x128xf32, #tpu.memory_space<hbm>> -> memref<640x128xf32, #tpu.memory_space<hbm>>
      %dma_start3A_51 = arith.constant 0 : i32
      %dma_start3A_52 = tpu.memref_slice %arg10[%mul3A_7, %dma_start3A_51] : memref<10240x128xf32, #tpu.memory_space<vmem_shared>> -> memref<640x128xf32, #tpu.memory_space<vmem_shared>>
      tpu.enqueue_dma source(%dma_start3A_52 : memref<640x128xf32, #tpu.memory_space<vmem_shared>>) target(%dma_start3A_50 : memref<640x128xf32, #tpu.memory_space<hbm>>) target_semaphore(%run_scoped3A : memref<!tpu.dma_semaphore, #tpu.memory_space<semaphore_mem>>)
      %dma_wait3A = arith.constant 0 : i32
      %dma_wait3A_53 = tpu.memref_slice %arg5[%add3A_49, %dma_wait3A] : memref<20480x128xf32, #tpu.memory_space<hbm>> -> memref<640x128xf32, #tpu.memory_space<hbm>>
      %dma_wait3A_54 = arith.constant 0 : i32
      %dma_wait3A_55 = tpu.memref_slice %arg10[%mul3A_7, %dma_wait3A_54] : memref<10240x128xf32, #tpu.memory_space<vmem_shared>> -> memref<640x128xf32, #tpu.memory_space<vmem_shared>>
      tpu.wait_dma2 semaphore(%run_scoped3A : memref<!tpu.dma_semaphore, #tpu.memory_space<semaphore_mem>>) src(%dma_wait3A_55 : memref<640x128xf32, #tpu.memory_space<vmem_shared>>) dst(%dma_wait3A_53 : memref<640x128xf32, #tpu.memory_space<hbm>>)
      tpu.yield
    }) : () -> ()
    return
  }
}

module attributes {stable_mosaic.version = 14 : i64} {
  func.func @_mlp1_body(%arg0: i32, %arg1: memref<2000x128xf32, #tpu.memory_space<vmem>>, %arg2: memref<2x2000x128xf32, #tpu.memory_space<vmem>>, %arg3: memref<128x256xf32, #tpu.memory_space<vmem>>, %arg4: memref<1x256xf32, #tpu.memory_space<vmem>>, %arg5: memref<2000x256xf32, #tpu.memory_space<vmem>>, %arg6: memref<2x256xf32, #tpu.memory_space<vmem>>) attributes {dimension_semantics = [#tpu.dimension_semantics<arbitrary>], iteration_bounds = array<i64: 5>, scalar_prefetch = 0 : i64, scratch_operands = 0 : i64, tpu.core_type = #tpu.core_type<tc>, window_params = [{transform_indices = @transform_0, window_bounds = array<i64: 2000, 128>}, {transform_indices = @transform_1, window_bounds = array<i64: 2, 2000, 128>}, {pipeline_mode = #tpu.pipeline_mode<synchronous>, transform_indices = @transform_2, window_bounds = array<i64: 128, 256>}, {pipeline_mode = #tpu.pipeline_mode<synchronous>, transform_indices = @transform_3, window_bounds = array<i64: 1, 256>}, {transform_indices = @transform_4, window_bounds = array<i64: 2000, 256>}, {pipeline_mode = #tpu.pipeline_mode<synchronous>, transform_indices = @transform_5, window_bounds = array<i64: 2, 256>}]} {
    %get3A = arith.constant 0 : index
    %get3A_0 = arith.constant 0 : index
    %get3A_1 = vector.load %arg1[%get3A, %get3A_0] : memref<2000x128xf32, #tpu.memory_space<vmem>>, vector<2000x128xf32>
    %get3A_2 = arith.constant 0 : index
    %get3A_3 = arith.constant 0 : index
    %get3A_4 = arith.constant 0 : index
    %get3A_5 = vector.load %arg2[%get3A_2, %get3A_3, %get3A_4] : memref<2x2000x128xf32, #tpu.memory_space<vmem>>, vector<1x2000x128xf32>
    %get3A_6 = vector.shape_cast %get3A_5 : vector<1x2000x128xf32> to vector<2000x128xf32>
    %add3A = arith.addf %get3A_1, %get3A_6 : vector<2000x128xf32>
    %get3A_7 = arith.constant 1 : index
    %get3A_8 = arith.constant 0 : index
    %get3A_9 = arith.constant 0 : index
    %get3A_10 = vector.load %arg2[%get3A_7, %get3A_8, %get3A_9] : memref<2x2000x128xf32, #tpu.memory_space<vmem>>, vector<1x2000x128xf32>
    %get3A_11 = vector.shape_cast %get3A_10 : vector<1x2000x128xf32> to vector<2000x128xf32>
    %add3A_12 = arith.addf %add3A, %get3A_11 : vector<2000x128xf32>
    %get3A_13 = arith.constant 0 : index
    %get3A_14 = arith.constant 0 : index
    %get3A_15 = vector.load %arg3[%get3A_13, %get3A_14] : memref<128x256xf32, #tpu.memory_space<vmem>>, vector<128x256xf32>
    %dot_general3A = arith.constant dense<0.000000e+00> : vector<2000x256xf32>
    %dot_general3A_16 = tpu.matmul %add3A_12, %get3A_15, %dot_general3A {dimension_numbers = #tpu.dot_dimension_numbers<[1], [0], [0], [1], [0, 0, 1, 1], [], []>, transpose_lhs_hint = false} : vector<2000x128xf32>, vector<128x256xf32>, vector<2000x256xf32> -> vector<2000x256xf32>
    %get3A_17 = arith.constant 0 : index
    %get3A_18 = arith.constant 0 : index
    %get3A_19 = vector.load %arg4[%get3A_17, %get3A_18] : memref<1x256xf32, #tpu.memory_space<vmem>>, vector<1x256xf32>
    %add3A_20 = vector.broadcast %get3A_19 : vector<1x256xf32> to vector<2000x256xf32>
    %add3A_21 = arith.addf %dot_general3A_16, %add3A_20 : vector<2000x256xf32>
    %swap3A = arith.constant 0 : index
    %swap3A_22 = arith.constant 0 : index
    %swap3A_23 = vector.load %arg5[%swap3A, %swap3A_22] : memref<2000x256xf32, #tpu.memory_space<vmem>>, vector<2000x256xf32>
    tpu.vector_store %arg5[%swap3A, %swap3A_22], %add3A_21 {strides = array<i32>} : memref<2000x256xf32, #tpu.memory_space<vmem>>, vector<2000x256xf32>,
    %reduce_sum3A = arith.constant dense<0.000000e+00> : vector<256xf32>
    %reduce_sum3A_24 = vector.multi_reduction <add>, %add3A_21, %reduce_sum3A [0] : vector<2000x256xf32> to vector<256xf32>
    %broadcast_in_dim3A = vector.shape_cast %reduce_sum3A_24 : vector<256xf32> to vector<1x256xf32>
    %mul3A = arith.mulf %add3A_21, %add3A_21 : vector<2000x256xf32>
    %reduce_sum3A_25 = arith.constant dense<0.000000e+00> : vector<256xf32>
    %reduce_sum3A_26 = vector.multi_reduction <add>, %mul3A, %reduce_sum3A_25 [0] : vector<2000x256xf32> to vector<256xf32>
    %broadcast_in_dim3A_27 = vector.shape_cast %reduce_sum3A_26 : vector<256xf32> to vector<1x256xf32>
    %concatenate3A = tpu.concatenate %broadcast_in_dim3A, %broadcast_in_dim3A_27 in 0 : vector<1x256xf32>, vector<1x256xf32> -> vector<2x256xf32>
    %eq3A = arith.constant 0 : i32
    %eq3A_28 = arith.cmpi eq, %arg0, %eq3A : i32
    %convert_element_type3A = arith.extui %eq3A_28 : i1 to i32
    %cond3A = arith.constant 0 : i32
    %cond3A_29 = arith.cmpi ne, %convert_element_type3A, %cond3A : i32
    scf.if %cond3A_29 {
      %swap3A_34 = arith.constant 0 : index
      %swap3A_35 = arith.constant 0 : index
      %swap3A_36 = vector.load %arg6[%swap3A_34, %swap3A_35] : memref<2x256xf32, #tpu.memory_space<vmem>>, vector<2x256xf32>
      tpu.vector_store %arg6[%swap3A_34, %swap3A_35], %concatenate3A {strides = array<i32>} : memref<2x256xf32, #tpu.memory_space<vmem>>, vector<2x256xf32>,
    } else {
    }
    %gt3A = arith.constant 0 : i32
    %gt3A_30 = arith.cmpi sgt, %arg0, %gt3A : i32
    %convert_element_type3A_31 = arith.extui %gt3A_30 : i1 to i32
    %cond3A_32 = arith.constant 0 : i32
    %cond3A_33 = arith.cmpi ne, %convert_element_type3A_31, %cond3A_32 : i32
    scf.if %cond3A_33 {
      %get3A_34 = arith.constant 0 : index
      %get3A_35 = arith.constant 0 : index
      %get3A_36 = vector.load %arg6[%get3A_34, %get3A_35] : memref<2x256xf32, #tpu.memory_space<vmem>>, vector<2x256xf32>
      %add3A_37 = arith.addf %get3A_36, %concatenate3A : vector<2x256xf32>
      %swap3A_38 = arith.constant 0 : index
      %swap3A_39 = arith.constant 0 : index
      %swap3A_40 = vector.load %arg6[%swap3A_38, %swap3A_39] : memref<2x256xf32, #tpu.memory_space<vmem>>, vector<2x256xf32>
      tpu.vector_store %arg6[%swap3A_38, %swap3A_39], %add3A_37 {strides = array<i32>} : memref<2x256xf32, #tpu.memory_space<vmem>>, vector<2x256xf32>,
    } else {
    }
    return
  }
  func.func @transform_0(%arg0: i32) -> (i32, i32) {
    %c0_i32 = arith.constant 0 : i32
    %c0_i32_0 = arith.constant 0 : i32
    return %arg0, %c0_i32 : i32, i32
  }
  func.func @transform_1(%arg0: i32) -> (i32, i32, i32) {
    %c0_i32 = arith.constant 0 : i32
    %c0_i32_0 = arith.constant 0 : i32
    %c0_i32_1 = arith.constant 0 : i32
    return %c0_i32, %arg0, %c0_i32_0 : i32, i32, i32
  }
  func.func @transform_2(%arg0: i32) -> (i32, i32) {
    %c0_i32 = arith.constant 0 : i32
    %c0_i32_0 = arith.constant 0 : i32
    %c0_i32_1 = arith.constant 0 : i32
    return %c0_i32, %c0_i32_0 : i32, i32
  }
  func.func @transform_3(%arg0: i32) -> (i32, i32) {
    %c0_i32 = arith.constant 0 : i32
    %c0_i32_0 = arith.constant 0 : i32
    %c0_i32_1 = arith.constant 0 : i32
    return %c0_i32, %c0_i32_0 : i32, i32
  }
  func.func @transform_4(%arg0: i32) -> (i32, i32) {
    %c0_i32 = arith.constant 0 : i32
    %c0_i32_0 = arith.constant 0 : i32
    return %arg0, %c0_i32 : i32, i32
  }
  func.func @transform_5(%arg0: i32) -> (i32, i32) {
    %c0_i32 = arith.constant 0 : i32
    %c0_i32_0 = arith.constant 0 : i32
    %c0_i32_1 = arith.constant 0 : i32
    return %c0_i32, %c0_i32_0 : i32, i32
  }
}

module attributes {stable_mosaic.version = 14 : i64} {
  func.func @_mlp2_body(%arg0: i32, %arg1: memref<2000x256xf32, #tpu.memory_space<vmem>>, %arg2: memref<2x256xf32, #tpu.memory_space<vmem>>, %arg3: memref<1x256xf32, #tpu.memory_space<vmem>>, %arg4: memref<1x256xf32, #tpu.memory_space<vmem>>, %arg5: memref<256x128xf32, #tpu.memory_space<vmem>>, %arg6: memref<1x128xf32, #tpu.memory_space<vmem>>, %arg7: memref<2000x128xf32, #tpu.memory_space<vmem>>, %arg8: memref<2x128xf32, #tpu.memory_space<vmem>>) attributes {dimension_semantics = [#tpu.dimension_semantics<arbitrary>], iteration_bounds = array<i64: 5>, scalar_prefetch = 0 : i64, scratch_operands = 0 : i64, tpu.core_type = #tpu.core_type<tc>, window_params = [{transform_indices = @transform_0, window_bounds = array<i64: 2000, 256>}, {pipeline_mode = #tpu.pipeline_mode<synchronous>, transform_indices = @transform_1, window_bounds = array<i64: 2, 256>}, {pipeline_mode = #tpu.pipeline_mode<synchronous>, transform_indices = @transform_2, window_bounds = array<i64: 1, 256>}, {pipeline_mode = #tpu.pipeline_mode<synchronous>, transform_indices = @transform_3, window_bounds = array<i64: 1, 256>}, {pipeline_mode = #tpu.pipeline_mode<synchronous>, transform_indices = @transform_4, window_bounds = array<i64: 256, 128>}, {pipeline_mode = #tpu.pipeline_mode<synchronous>, transform_indices = @transform_5, window_bounds = array<i64: 1, 128>}, {transform_indices = @transform_6, window_bounds = array<i64: 2000, 128>}, {pipeline_mode = #tpu.pipeline_mode<synchronous>, transform_indices = @transform_7, window_bounds = array<i64: 2, 128>}]} {
    %get3A = arith.constant 0 : index
    %get3A_0 = arith.constant 0 : index
    %get3A_1 = vector.load %arg2[%get3A, %get3A_0] : memref<2x256xf32, #tpu.memory_space<vmem>>, vector<2x256xf32>
    %slice3A = vector.extract_strided_slice %get3A_1 {offsets = [0, 0], sizes = [1, 256], strides = [1, 1]} : vector<2x256xf32> to vector<1x256xf32>
    %div3A = arith.constant 1.000000e+04 : f32
    %div3A_2 = vector.broadcast %div3A : f32 to vector<1x256xf32>
    %div3A_3 = arith.divf %slice3A, %div3A_2 : vector<1x256xf32>
    %slice3A_4 = vector.extract_strided_slice %get3A_1 {offsets = [1, 0], sizes = [1, 256], strides = [1, 1]} : vector<2x256xf32> to vector<1x256xf32>
    %div3A_5 = arith.constant 1.000000e+04 : f32
    %div3A_6 = vector.broadcast %div3A_5 : f32 to vector<1x256xf32>
    %div3A_7 = arith.divf %slice3A_4, %div3A_6 : vector<1x256xf32>
    %mul3A = arith.mulf %div3A_3, %div3A_3 : vector<1x256xf32>
    %sub3A = arith.subf %div3A_7, %mul3A : vector<1x256xf32>
    %add3A = arith.constant 9.99999974E-6 : f32
    %add3A_8 = vector.broadcast %add3A : f32 to vector<1x256xf32>
    %add3A_9 = arith.addf %sub3A, %add3A_8 : vector<1x256xf32>
    %rsqrt3A = math.rsqrt %add3A_9 : vector<1x256xf32>
    %get3A_10 = arith.constant 0 : index
    %get3A_11 = arith.constant 0 : index
    %get3A_12 = vector.load %arg1[%get3A_10, %get3A_11] : memref<2000x256xf32, #tpu.memory_space<vmem>>, vector<2000x256xf32>
    %sub3A_13 = vector.broadcast %div3A_3 : vector<1x256xf32> to vector<2000x256xf32>
    %sub3A_14 = arith.subf %get3A_12, %sub3A_13 : vector<2000x256xf32>
    %get3A_15 = arith.constant 0 : index
    %get3A_16 = arith.constant 0 : index
    %get3A_17 = vector.load %arg3[%get3A_15, %get3A_16] : memref<1x256xf32, #tpu.memory_space<vmem>>, vector<1x256xf32>
    %mul3A_18 = arith.mulf %rsqrt3A, %get3A_17 : vector<1x256xf32>
    %mul3A_19 = vector.broadcast %mul3A_18 : vector<1x256xf32> to vector<2000x256xf32>
    %mul3A_20 = arith.mulf %sub3A_14, %mul3A_19 : vector<2000x256xf32>
    %get3A_21 = arith.constant 0 : index
    %get3A_22 = arith.constant 0 : index
    %get3A_23 = vector.load %arg4[%get3A_21, %get3A_22] : memref<1x256xf32, #tpu.memory_space<vmem>>, vector<1x256xf32>
    %add3A_24 = vector.broadcast %get3A_23 : vector<1x256xf32> to vector<2000x256xf32>
    %add3A_25 = arith.addf %mul3A_20, %add3A_24 : vector<2000x256xf32>
    %max3A = arith.constant 0.000000e+00 : f32
    %max3A_26 = vector.broadcast %max3A : f32 to vector<2000x256xf32>
    %max3A_27 = arith.maximumf %add3A_25, %max3A_26 : vector<2000x256xf32>
    %get3A_28 = arith.constant 0 : index
    %get3A_29 = arith.constant 0 : index
    %get3A_30 = vector.load %arg5[%get3A_28, %get3A_29] : memref<256x128xf32, #tpu.memory_space<vmem>>, vector<256x128xf32>
    %dot_general3A = arith.constant dense<0.000000e+00> : vector<2000x128xf32>
    %dot_general3A_31 = tpu.matmul %max3A_27, %get3A_30, %dot_general3A {dimension_numbers = #tpu.dot_dimension_numbers<[1], [0], [0], [1], [0, 0, 1, 1], [], []>, transpose_lhs_hint = false} : vector<2000x256xf32>, vector<256x128xf32>, vector<2000x128xf32> -> vector<2000x128xf32>
    %get3A_32 = arith.constant 0 : index
    %get3A_33 = arith.constant 0 : index
    %get3A_34 = vector.load %arg6[%get3A_32, %get3A_33] : memref<1x128xf32, #tpu.memory_space<vmem>>, vector<1x128xf32>
    %add3A_35 = vector.broadcast %get3A_34 : vector<1x128xf32> to vector<2000x128xf32>
    %add3A_36 = arith.addf %dot_general3A_31, %add3A_35 : vector<2000x128xf32>
    %swap3A = arith.constant 0 : index
    %swap3A_37 = arith.constant 0 : index
    %swap3A_38 = vector.load %arg7[%swap3A, %swap3A_37] : memref<2000x128xf32, #tpu.memory_space<vmem>>, vector<2000x128xf32>
    tpu.vector_store %arg7[%swap3A, %swap3A_37], %add3A_36 {strides = array<i32>} : memref<2000x128xf32, #tpu.memory_space<vmem>>, vector<2000x128xf32>,
    %reduce_sum3A = arith.constant dense<0.000000e+00> : vector<128xf32>
    %reduce_sum3A_39 = vector.multi_reduction <add>, %add3A_36, %reduce_sum3A [0] : vector<2000x128xf32> to vector<128xf32>
    %broadcast_in_dim3A = vector.shape_cast %reduce_sum3A_39 : vector<128xf32> to vector<1x128xf32>
    %mul3A_40 = arith.mulf %add3A_36, %add3A_36 : vector<2000x128xf32>
    %reduce_sum3A_41 = arith.constant dense<0.000000e+00> : vector<128xf32>
    %reduce_sum3A_42 = vector.multi_reduction <add>, %mul3A_40, %reduce_sum3A_41 [0] : vector<2000x128xf32> to vector<128xf32>
    %broadcast_in_dim3A_43 = vector.shape_cast %reduce_sum3A_42 : vector<128xf32> to vector<1x128xf32>
    %concatenate3A = tpu.concatenate %broadcast_in_dim3A, %broadcast_in_dim3A_43 in 0 : vector<1x128xf32>, vector<1x128xf32> -> vector<2x128xf32>
    %eq3A = arith.constant 0 : i32
    %eq3A_44 = arith.cmpi eq, %arg0, %eq3A : i32
    %convert_element_type3A = arith.extui %eq3A_44 : i1 to i32
    %cond3A = arith.constant 0 : i32
    %cond3A_45 = arith.cmpi ne, %convert_element_type3A, %cond3A : i32
    scf.if %cond3A_45 {
      %swap3A_50 = arith.constant 0 : index
      %swap3A_51 = arith.constant 0 : index
      %swap3A_52 = vector.load %arg8[%swap3A_50, %swap3A_51] : memref<2x128xf32, #tpu.memory_space<vmem>>, vector<2x128xf32>
      tpu.vector_store %arg8[%swap3A_50, %swap3A_51], %concatenate3A {strides = array<i32>} : memref<2x128xf32, #tpu.memory_space<vmem>>, vector<2x128xf32>,
    } else {
    }
    %gt3A = arith.constant 0 : i32
    %gt3A_46 = arith.cmpi sgt, %arg0, %gt3A : i32
    %convert_element_type3A_47 = arith.extui %gt3A_46 : i1 to i32
    %cond3A_48 = arith.constant 0 : i32
    %cond3A_49 = arith.cmpi ne, %convert_element_type3A_47, %cond3A_48 : i32
    scf.if %cond3A_49 {
      %get3A_50 = arith.constant 0 : index
      %get3A_51 = arith.constant 0 : index
      %get3A_52 = vector.load %arg8[%get3A_50, %get3A_51] : memref<2x128xf32, #tpu.memory_space<vmem>>, vector<2x128xf32>
      %add3A_53 = arith.addf %get3A_52, %concatenate3A : vector<2x128xf32>
      %swap3A_54 = arith.constant 0 : index
      %swap3A_55 = arith.constant 0 : index
      %swap3A_56 = vector.load %arg8[%swap3A_54, %swap3A_55] : memref<2x128xf32, #tpu.memory_space<vmem>>, vector<2x128xf32>
      tpu.vector_store %arg8[%swap3A_54, %swap3A_55], %add3A_53 {strides = array<i32>} : memref<2x128xf32, #tpu.memory_space<vmem>>, vector<2x128xf32>,
    } else {
    }
    return
  }
  func.func @transform_0(%arg0: i32) -> (i32, i32) {
    %c0_i32 = arith.constant 0 : i32
    %c0_i32_0 = arith.constant 0 : i32
    return %arg0, %c0_i32 : i32, i32
  }
  func.func @transform_1(%arg0: i32) -> (i32, i32) {
    %c0_i32 = arith.constant 0 : i32
    %c0_i32_0 = arith.constant 0 : i32
    %c0_i32_1 = arith.constant 0 : i32
    return %c0_i32, %c0_i32_0 : i32, i32
  }
  func.func @transform_2(%arg0: i32) -> (i32, i32) {
    %c0_i32 = arith.constant 0 : i32
    %c0_i32_0 = arith.constant 0 : i32
    %c0_i32_1 = arith.constant 0 : i32
    return %c0_i32, %c0_i32_0 : i32, i32
  }
  func.func @transform_3(%arg0: i32) -> (i32, i32) {
    %c0_i32 = arith.constant 0 : i32
    %c0_i32_0 = arith.constant 0 : i32
    %c0_i32_1 = arith.constant 0 : i32
    return %c0_i32, %c0_i32_0 : i32, i32
  }
  func.func @transform_4(%arg0: i32) -> (i32, i32) {
    %c0_i32 = arith.constant 0 : i32
    %c0_i32_0 = arith.constant 0 : i32
    %c0_i32_1 = arith.constant 0 : i32
    return %c0_i32, %c0_i32_0 : i32, i32
  }
  func.func @transform_5(%arg0: i32) -> (i32, i32) {
    %c0_i32 = arith.constant 0 : i32
    %c0_i32_0 = arith.constant 0 : i32
    %c0_i32_1 = arith.constant 0 : i32
    return %c0_i32, %c0_i32_0 : i32, i32
  }
  func.func @transform_6(%arg0: i32) -> (i32, i32) {
    %c0_i32 = arith.constant 0 : i32
    %c0_i32_0 = arith.constant 0 : i32
    return %arg0, %c0_i32 : i32, i32
  }
  func.func @transform_7(%arg0: i32) -> (i32, i32) {
    %c0_i32 = arith.constant 0 : i32
    %c0_i32_0 = arith.constant 0 : i32
    %c0_i32_1 = arith.constant 0 : i32
    return %c0_i32, %c0_i32_0 : i32, i32
  }
}

module attributes {stable_mosaic.version = 14 : i64} {
  func.func @_bn_body(%arg0: i32, %arg1: memref<2000x128xf32, #tpu.memory_space<vmem>>, %arg2: memref<2x128xf32, #tpu.memory_space<vmem>>, %arg3: memref<1x128xf32, #tpu.memory_space<vmem>>, %arg4: memref<1x128xf32, #tpu.memory_space<vmem>>, %arg5: memref<2000x128xf32, #tpu.memory_space<vmem>>) attributes {dimension_semantics = [#tpu.dimension_semantics<arbitrary>], iteration_bounds = array<i64: 5>, scalar_prefetch = 0 : i64, scratch_operands = 0 : i64, tpu.core_type = #tpu.core_type<tc>, window_params = [{transform_indices = @transform_0, window_bounds = array<i64: 2000, 128>}, {pipeline_mode = #tpu.pipeline_mode<synchronous>, transform_indices = @transform_1, window_bounds = array<i64: 2, 128>}, {pipeline_mode = #tpu.pipeline_mode<synchronous>, transform_indices = @transform_2, window_bounds = array<i64: 1, 128>}, {pipeline_mode = #tpu.pipeline_mode<synchronous>, transform_indices = @transform_3, window_bounds = array<i64: 1, 128>}, {transform_indices = @transform_4, window_bounds = array<i64: 2000, 128>}]} {
    %get3A = arith.constant 0 : index
    %get3A_0 = arith.constant 0 : index
    %get3A_1 = vector.load %arg2[%get3A, %get3A_0] : memref<2x128xf32, #tpu.memory_space<vmem>>, vector<2x128xf32>
    %slice3A = vector.extract_strided_slice %get3A_1 {offsets = [0, 0], sizes = [1, 128], strides = [1, 1]} : vector<2x128xf32> to vector<1x128xf32>
    %div3A = arith.constant 1.000000e+04 : f32
    %div3A_2 = vector.broadcast %div3A : f32 to vector<1x128xf32>
    %div3A_3 = arith.divf %slice3A, %div3A_2 : vector<1x128xf32>
    %slice3A_4 = vector.extract_strided_slice %get3A_1 {offsets = [1, 0], sizes = [1, 128], strides = [1, 1]} : vector<2x128xf32> to vector<1x128xf32>
    %div3A_5 = arith.constant 1.000000e+04 : f32
    %div3A_6 = vector.broadcast %div3A_5 : f32 to vector<1x128xf32>
    %div3A_7 = arith.divf %slice3A_4, %div3A_6 : vector<1x128xf32>
    %mul3A = arith.mulf %div3A_3, %div3A_3 : vector<1x128xf32>
    %sub3A = arith.subf %div3A_7, %mul3A : vector<1x128xf32>
    %add3A = arith.constant 9.99999974E-6 : f32
    %add3A_8 = vector.broadcast %add3A : f32 to vector<1x128xf32>
    %add3A_9 = arith.addf %sub3A, %add3A_8 : vector<1x128xf32>
    %rsqrt3A = math.rsqrt %add3A_9 : vector<1x128xf32>
    %get3A_10 = arith.constant 0 : index
    %get3A_11 = arith.constant 0 : index
    %get3A_12 = vector.load %arg1[%get3A_10, %get3A_11] : memref<2000x128xf32, #tpu.memory_space<vmem>>, vector<2000x128xf32>
    %sub3A_13 = vector.broadcast %div3A_3 : vector<1x128xf32> to vector<2000x128xf32>
    %sub3A_14 = arith.subf %get3A_12, %sub3A_13 : vector<2000x128xf32>
    %get3A_15 = arith.constant 0 : index
    %get3A_16 = arith.constant 0 : index
    %get3A_17 = vector.load %arg3[%get3A_15, %get3A_16] : memref<1x128xf32, #tpu.memory_space<vmem>>, vector<1x128xf32>
    %mul3A_18 = arith.mulf %rsqrt3A, %get3A_17 : vector<1x128xf32>
    %mul3A_19 = vector.broadcast %mul3A_18 : vector<1x128xf32> to vector<2000x128xf32>
    %mul3A_20 = arith.mulf %sub3A_14, %mul3A_19 : vector<2000x128xf32>
    %get3A_21 = arith.constant 0 : index
    %get3A_22 = arith.constant 0 : index
    %get3A_23 = vector.load %arg4[%get3A_21, %get3A_22] : memref<1x128xf32, #tpu.memory_space<vmem>>, vector<1x128xf32>
    %add3A_24 = vector.broadcast %get3A_23 : vector<1x128xf32> to vector<2000x128xf32>
    %add3A_25 = arith.addf %mul3A_20, %add3A_24 : vector<2000x128xf32>
    %max3A = arith.constant 0.000000e+00 : f32
    %max3A_26 = vector.broadcast %max3A : f32 to vector<2000x128xf32>
    %max3A_27 = arith.maximumf %add3A_25, %max3A_26 : vector<2000x128xf32>
    %swap3A = arith.constant 0 : index
    %swap3A_28 = arith.constant 0 : index
    %swap3A_29 = vector.load %arg5[%swap3A, %swap3A_28] : memref<2000x128xf32, #tpu.memory_space<vmem>>, vector<2000x128xf32>
    tpu.vector_store %arg5[%swap3A, %swap3A_28], %max3A_27 {strides = array<i32>} : memref<2000x128xf32, #tpu.memory_space<vmem>>, vector<2000x128xf32>,
    return
  }
  func.func @transform_0(%arg0: i32) -> (i32, i32) {
    %c0_i32 = arith.constant 0 : i32
    %c0_i32_0 = arith.constant 0 : i32
    return %arg0, %c0_i32 : i32, i32
  }
  func.func @transform_1(%arg0: i32) -> (i32, i32) {
    %c0_i32 = arith.constant 0 : i32
    %c0_i32_0 = arith.constant 0 : i32
    %c0_i32_1 = arith.constant 0 : i32
    return %c0_i32, %c0_i32_0 : i32, i32
  }
  func.func @transform_2(%arg0: i32) -> (i32, i32) {
    %c0_i32 = arith.constant 0 : i32
    %c0_i32_0 = arith.constant 0 : i32
    %c0_i32_1 = arith.constant 0 : i32
    return %c0_i32, %c0_i32_0 : i32, i32
  }
  func.func @transform_3(%arg0: i32) -> (i32, i32) {
    %c0_i32 = arith.constant 0 : i32
    %c0_i32_0 = arith.constant 0 : i32
    %c0_i32_1 = arith.constant 0 : i32
    return %c0_i32, %c0_i32_0 : i32, i32
  }
  func.func @transform_4(%arg0: i32) -> (i32, i32) {
    %c0_i32 = arith.constant 0 : i32
    %c0_i32_0 = arith.constant 0 : i32
    return %arg0, %c0_i32 : i32, i32
  }
}

module attributes {stable_mosaic.version = 14 : i64} {
  func.func @_bn_readout_body(%arg0: i32, %arg1: memref<2000x128xf32, #tpu.memory_space<vmem>>, %arg2: memref<2x128xf32, #tpu.memory_space<vmem>>, %arg3: memref<1x128xf32, #tpu.memory_space<vmem>>, %arg4: memref<1x128xf32, #tpu.memory_space<vmem>>, %arg5: memref<1x1x2000xi32, #tpu.memory_space<vmem>>, %arg6: memref<128x16xf32, #tpu.memory_space<vmem>>, %arg7: memref<1x16xf32, #tpu.memory_space<vmem>>, %arg8: memref<64x16xf32, #tpu.memory_space<vmem>>, %arg9: memref<64x128xf32, #tpu.memory_space<vmem>>, %arg10: memref<64x128xf32, #tpu.memory_space<vmem>>) attributes {dimension_semantics = [#tpu.dimension_semantics<arbitrary>], iteration_bounds = array<i64: 5>, scalar_prefetch = 0 : i64, scratch_operands = 2 : i64, tpu.core_type = #tpu.core_type<tc>, window_params = [{transform_indices = @transform_0, window_bounds = array<i64: 2000, 128>}, {pipeline_mode = #tpu.pipeline_mode<synchronous>, transform_indices = @transform_1, window_bounds = array<i64: 2, 128>}, {pipeline_mode = #tpu.pipeline_mode<synchronous>, transform_indices = @transform_2, window_bounds = array<i64: 1, 128>}, {pipeline_mode = #tpu.pipeline_mode<synchronous>, transform_indices = @transform_3, window_bounds = array<i64: 1, 128>}, {transform_indices = @transform_4, window_bounds = array<i64: 1, 1, 2000>}, {pipeline_mode = #tpu.pipeline_mode<synchronous>, transform_indices = @transform_5, window_bounds = array<i64: 128, 16>}, {pipeline_mode = #tpu.pipeline_mode<synchronous>, transform_indices = @transform_6, window_bounds = array<i64: 1, 16>}, {pipeline_mode = #tpu.pipeline_mode<synchronous>, transform_indices = @transform_7, window_bounds = array<i64: 64, 16>}]} {
    %eq3A = arith.constant 0 : i32
    %eq3A_0 = arith.cmpi eq, %arg0, %eq3A : i32
    %convert_element_type3A = arith.extui %eq3A_0 : i1 to i32
    %cond3A = arith.constant 0 : i32
    %cond3A_1 = arith.cmpi ne, %convert_element_type3A, %cond3A : i32
    scf.if %cond3A_1 {
      %broadcast_in_dim3A_60 = arith.constant 0.000000e+00 : f32
      %broadcast_in_dim3A_61 = vector.broadcast %broadcast_in_dim3A_60 : f32 to vector<64x128xf32>
      %swap3A_62 = arith.constant 0 : index
      %swap3A_63 = arith.constant 0 : index
      %swap3A_64 = vector.load %arg9[%swap3A_62, %swap3A_63] : memref<64x128xf32, #tpu.memory_space<vmem>>, vector<64x128xf32>
      tpu.vector_store %arg9[%swap3A_62, %swap3A_63], %broadcast_in_dim3A_61 {strides = array<i32>} : memref<64x128xf32, #tpu.memory_space<vmem>>, vector<64x128xf32>,
      %broadcast_in_dim3A_65 = arith.constant 0.000000e+00 : f32
      %broadcast_in_dim3A_66 = vector.broadcast %broadcast_in_dim3A_65 : f32 to vector<64x128xf32>
      %swap3A_67 = arith.constant 0 : index
      %swap3A_68 = arith.constant 0 : index
      %swap3A_69 = vector.load %arg10[%swap3A_67, %swap3A_68] : memref<64x128xf32, #tpu.memory_space<vmem>>, vector<64x128xf32>
      tpu.vector_store %arg10[%swap3A_67, %swap3A_68], %broadcast_in_dim3A_66 {strides = array<i32>} : memref<64x128xf32, #tpu.memory_space<vmem>>, vector<64x128xf32>,
    } else {
    }
    %get3A = arith.constant 0 : index
    %get3A_2 = arith.constant 0 : index
    %get3A_3 = vector.load %arg2[%get3A, %get3A_2] : memref<2x128xf32, #tpu.memory_space<vmem>>, vector<2x128xf32>
    %slice3A = vector.extract_strided_slice %get3A_3 {offsets = [0, 0], sizes = [1, 128], strides = [1, 1]} : vector<2x128xf32> to vector<1x128xf32>
    %div3A = arith.constant 1.000000e+04 : f32
    %div3A_4 = vector.broadcast %div3A : f32 to vector<1x128xf32>
    %div3A_5 = arith.divf %slice3A, %div3A_4 : vector<1x128xf32>
    %slice3A_6 = vector.extract_strided_slice %get3A_3 {offsets = [1, 0], sizes = [1, 128], strides = [1, 1]} : vector<2x128xf32> to vector<1x128xf32>
    %div3A_7 = arith.constant 1.000000e+04 : f32
    %div3A_8 = vector.broadcast %div3A_7 : f32 to vector<1x128xf32>
    %div3A_9 = arith.divf %slice3A_6, %div3A_8 : vector<1x128xf32>
    %mul3A = arith.mulf %div3A_5, %div3A_5 : vector<1x128xf32>
    %sub3A = arith.subf %div3A_9, %mul3A : vector<1x128xf32>
    %add3A = arith.constant 9.99999974E-6 : f32
    %add3A_10 = vector.broadcast %add3A : f32 to vector<1x128xf32>
    %add3A_11 = arith.addf %sub3A, %add3A_10 : vector<1x128xf32>
    %rsqrt3A = math.rsqrt %add3A_11 : vector<1x128xf32>
    %get3A_12 = arith.constant 0 : index
    %get3A_13 = arith.constant 0 : index
    %get3A_14 = vector.load %arg1[%get3A_12, %get3A_13] : memref<2000x128xf32, #tpu.memory_space<vmem>>, vector<2000x128xf32>
    %sub3A_15 = vector.broadcast %div3A_5 : vector<1x128xf32> to vector<2000x128xf32>
    %sub3A_16 = arith.subf %get3A_14, %sub3A_15 : vector<2000x128xf32>
    %get3A_17 = arith.constant 0 : index
    %get3A_18 = arith.constant 0 : index
    %get3A_19 = vector.load %arg3[%get3A_17, %get3A_18] : memref<1x128xf32, #tpu.memory_space<vmem>>, vector<1x128xf32>
    %mul3A_20 = arith.mulf %rsqrt3A, %get3A_19 : vector<1x128xf32>
    %mul3A_21 = vector.broadcast %mul3A_20 : vector<1x128xf32> to vector<2000x128xf32>
    %mul3A_22 = arith.mulf %sub3A_16, %mul3A_21 : vector<2000x128xf32>
    %get3A_23 = arith.constant 0 : index
    %get3A_24 = arith.constant 0 : index
    %get3A_25 = vector.load %arg4[%get3A_23, %get3A_24] : memref<1x128xf32, #tpu.memory_space<vmem>>, vector<1x128xf32>
    %add3A_26 = vector.broadcast %get3A_25 : vector<1x128xf32> to vector<2000x128xf32>
    %add3A_27 = arith.addf %mul3A_22, %add3A_26 : vector<2000x128xf32>
    %get3A_28 = arith.constant 0 : index
    %get3A_29 = arith.constant 0 : index
    %get3A_30 = arith.constant 0 : index
    %get3A_31 = vector.load %arg5[%get3A_28, %get3A_29, %get3A_30] : memref<1x1x2000xi32, #tpu.memory_space<vmem>>, vector<1x1x2000xi32>
    %get3A_32 = vector.shape_cast %get3A_31 : vector<1x1x2000xi32> to vector<2000xi32>
    %iota3A = tpu.iota {dimensions = array<i32: 0>} : vector<64x2000xi32>
    %broadcast_in_dim3A = vector.shape_cast %get3A_32 : vector<2000xi32> to vector<1x2000xi32>
    %eq3A_33 = vector.broadcast %broadcast_in_dim3A : vector<1x2000xi32> to vector<64x2000xi32>
    %eq3A_34 = arith.cmpi eq, %iota3A, %eq3A_33 : vector<64x2000xi32>
    %convert_element_type3A_35 = arith.extui %eq3A_34 : vector<64x2000xi1> to vector<64x2000xi32>
    %convert_element_type3A_36 = arith.sitofp %convert_element_type3A_35 : vector<64x2000xi32> to vector<64x2000xf32>
    %get3A_37 = arith.constant 0 : index
    %get3A_38 = arith.constant 0 : index
    %get3A_39 = vector.load %arg9[%get3A_37, %get3A_38] : memref<64x128xf32, #tpu.memory_space<vmem>>, vector<64x128xf32>
    %dot_general3A = arith.constant dense<0.000000e+00> : vector<64x128xf32>
    %dot_general3A_40 = tpu.matmul %convert_element_type3A_36, %add3A_27, %dot_general3A {dimension_numbers = #tpu.dot_dimension_numbers<[1], [0], [0], [1], [0, 0, 1, 1], [], []>, transpose_lhs_hint = false} : vector<64x2000xf32>, vector<2000x128xf32>, vector<64x128xf32> -> vector<64x128xf32>
    %add3A_41 = arith.addf %get3A_39, %dot_general3A_40 : vector<64x128xf32>
    %swap3A = arith.constant 0 : index
    %swap3A_42 = arith.constant 0 : index
    %swap3A_43 = vector.load %arg9[%swap3A, %swap3A_42] : memref<64x128xf32, #tpu.memory_space<vmem>>, vector<64x128xf32>
    tpu.vector_store %arg9[%swap3A, %swap3A_42], %add3A_41 {strides = array<i32>} : memref<64x128xf32, #tpu.memory_space<vmem>>, vector<64x128xf32>,
    %get3A_44 = arith.constant 0 : index
    %get3A_45 = arith.constant 0 : index
    %get3A_46 = vector.load %arg10[%get3A_44, %get3A_45] : memref<64x128xf32, #tpu.memory_space<vmem>>, vector<64x128xf32>
    %reduce_sum3A = arith.constant dense<0.000000e+00> : vector<64xf32>
    %reduce_sum3A_47 = vector.multi_reduction <add>, %convert_element_type3A_36, %reduce_sum3A [1] : vector<64x2000xf32> to vector<64xf32>
    %broadcast_in_dim3A_48 = vector.shape_cast %reduce_sum3A_47 : vector<64xf32> to vector<64x1xf32>
    %broadcast_in_dim3A_49 = vector.shape_cast %broadcast_in_dim3A_48 : vector<64x1xf32> to vector<64x1xf32>
    %broadcast_in_dim3A_50 = vector.broadcast %broadcast_in_dim3A_49 : vector<64x1xf32> to vector<64x128xf32>
    %add3A_51 = arith.addf %get3A_46, %broadcast_in_dim3A_50 : vector<64x128xf32>
    %swap3A_52 = arith.constant 0 : index
    %swap3A_53 = arith.constant 0 : index
    %swap3A_54 = vector.load %arg10[%swap3A_52, %swap3A_53] : memref<64x128xf32, #tpu.memory_space<vmem>>, vector<64x128xf32>
    tpu.vector_store %arg10[%swap3A_52, %swap3A_53], %add3A_51 {strides = array<i32>} : memref<64x128xf32, #tpu.memory_space<vmem>>, vector<64x128xf32>,
    %eq3A_55 = arith.constant 4 : i32
    %eq3A_56 = arith.cmpi eq, %arg0, %eq3A_55 : i32
    %convert_element_type3A_57 = arith.extui %eq3A_56 : i1 to i32
    %cond3A_58 = arith.constant 0 : i32
    %cond3A_59 = arith.cmpi ne, %convert_element_type3A_57, %cond3A_58 : i32
    scf.if %cond3A_59 {
      %get3A_60 = arith.constant 0 : index
      %get3A_61 = arith.constant 0 : index
      %get3A_62 = vector.load %arg9[%get3A_60, %get3A_61] : memref<64x128xf32, #tpu.memory_space<vmem>>, vector<64x128xf32>
      %get3A_63 = arith.constant 0 : index
      %get3A_64 = arith.constant 0 : index
      %get3A_65 = vector.load %arg10[%get3A_63, %get3A_64] : memref<64x128xf32, #tpu.memory_space<vmem>>, vector<64x128xf32>
      %slice3A_66 = vector.extract_strided_slice %get3A_65 {offsets = [0, 0], sizes = [64, 1], strides = [1, 1]} : vector<64x128xf32> to vector<64x1xf32>
      %max3A = arith.constant 1.000000e+00 : f32
      %max3A_67 = vector.broadcast %max3A : f32 to vector<64x1xf32>
      %max3A_68 = arith.maximumf %slice3A_66, %max3A_67 : vector<64x1xf32>
      %div3A_69 = vector.broadcast %max3A_68 : vector<64x1xf32> to vector<64x128xf32>
      %div3A_70 = arith.divf %get3A_62, %div3A_69 : vector<64x128xf32>
      %get3A_71 = arith.constant 0 : index
      %get3A_72 = arith.constant 0 : index
      %get3A_73 = vector.load %arg6[%get3A_71, %get3A_72] : memref<128x16xf32, #tpu.memory_space<vmem>>, vector<128x16xf32>
      %dot_general3A_74 = arith.constant dense<0.000000e+00> : vector<64x16xf32>
      %dot_general3A_75 = tpu.matmul %div3A_70, %get3A_73, %dot_general3A_74 {dimension_numbers = #tpu.dot_dimension_numbers<[1], [0], [0], [1], [0, 0, 1, 1], [], []>, transpose_lhs_hint = false} : vector<64x128xf32>, vector<128x16xf32>, vector<64x16xf32> -> vector<64x16xf32>
      %get3A_76 = arith.constant 0 : index
      %get3A_77 = arith.constant 0 : index
      %get3A_78 = vector.load %arg7[%get3A_76, %get3A_77] : memref<1x16xf32, #tpu.memory_space<vmem>>, vector<1x16xf32>
      %add3A_79 = vector.broadcast %get3A_78 : vector<1x16xf32> to vector<64x16xf32>
      %add3A_80 = arith.addf %dot_general3A_75, %add3A_79 : vector<64x16xf32>
      %swap3A_81 = arith.constant 0 : index
      %swap3A_82 = arith.constant 0 : index
      %swap3A_83 = vector.load %arg8[%swap3A_81, %swap3A_82] : memref<64x16xf32, #tpu.memory_space<vmem>>, vector<64x16xf32>
      tpu.vector_store %arg8[%swap3A_81, %swap3A_82], %add3A_80 {strides = array<i32>} : memref<64x16xf32, #tpu.memory_space<vmem>>, vector<64x16xf32>,
    } else {
    }
    return
  }
  func.func @transform_0(%arg0: i32) -> (i32, i32) {
    %c0_i32 = arith.constant 0 : i32
    %c0_i32_0 = arith.constant 0 : i32
    return %arg0, %c0_i32 : i32, i32
  }
  func.func @transform_1(%arg0: i32) -> (i32, i32) {
    %c0_i32 = arith.constant 0 : i32
    %c0_i32_0 = arith.constant 0 : i32
    %c0_i32_1 = arith.constant 0 : i32
    return %c0_i32, %c0_i32_0 : i32, i32
  }
  func.func @transform_2(%arg0: i32) -> (i32, i32) {
    %c0_i32 = arith.constant 0 : i32
    %c0_i32_0 = arith.constant 0 : i32
    %c0_i32_1 = arith.constant 0 : i32
    return %c0_i32, %c0_i32_0 : i32, i32
  }
  func.func @transform_3(%arg0: i32) -> (i32, i32) {
    %c0_i32 = arith.constant 0 : i32
    %c0_i32_0 = arith.constant 0 : i32
    %c0_i32_1 = arith.constant 0 : i32
    return %c0_i32, %c0_i32_0 : i32, i32
  }
  func.func @transform_4(%arg0: i32) -> (i32, i32, i32) {
    %c0_i32 = arith.constant 0 : i32
    %c0_i32_0 = arith.constant 0 : i32
    %c0_i32_1 = arith.constant 0 : i32
    return %arg0, %c0_i32, %c0_i32_0 : i32, i32, i32
  }
  func.func @transform_5(%arg0: i32) -> (i32, i32) {
    %c0_i32 = arith.constant 0 : i32
    %c0_i32_0 = arith.constant 0 : i32
    %c0_i32_1 = arith.constant 0 : i32
    return %c0_i32, %c0_i32_0 : i32, i32
  }
  func.func @transform_6(%arg0: i32) -> (i32, i32) {
    %c0_i32 = arith.constant 0 : i32
    %c0_i32_0 = arith.constant 0 : i32
    %c0_i32_1 = arith.constant 0 : i32
    return %c0_i32, %c0_i32_0 : i32, i32
  }
  func.func @transform_7(%arg0: i32) -> (i32, i32) {
    %c0_i32 = arith.constant 0 : i32
    %c0_i32_0 = arith.constant 0 : i32
    %c0_i32_1 = arith.constant 0 : i32
    return %c0_i32, %c0_i32_0 : i32, i32
  }
}

</mosaic_0001>

<sc_bundles>
// kernel: kernel.14.cloned.1.call-start
scs
__scs_entry_jumppad:
0x0: {  	(pc) =	sbr.rel $0x88, $3  }
0x1: {  	(tag) =	ssettag $0x0;
	lr =	simm.s32 $0x1  }
0x2: {  	[smem:$0x3F84] =	sst lr;
	_ =	strace $0xD0000000  }
0x3: {  	_ = 	snop  }
0x4: {  	_ = 	snop  }
0x5: {  	_ = 	snop  }
0x6: {  	_ = 	snop  }
0x7: {  	_ = 	snop  }
__scs_overlays_trampoline_lowered:
0x8: {  	[smem:$0x3F93] =	sst s0  }
0x9: {  	[smem:$0x3F94] =	sst s1  }
0xa: {  	[smem:$0x3F95] =	sst s2  }
0xb: {  	[smem:$0x3F96] =	sst s3  }
0xc: {  	[smem:$0x3F97] =	sst s4  }
0xd: {  	[smem:$0x3F98] =	sst s5  }
0xe: {  	[smem:$0x3F99] =	sst s6  }
0xf: {  	[smem:$0x3F9A] =	sst s7  }
0x10: {  	[smem:$0x3F9B] =	sst s8  }
0x11: {  	[smem:$0x3F9C] =	sst s9;
	s0 =	simm.s32 @!p0 $0x0  }
0x12: {  	s1 =	sld [smem:$0x3F82];
	s0 =	simm.s32 @p0 $0x1  }
0x13: {  	[smem:$0x3F9D] =	sst s0;
	s0 =	simm.s32 @!p1 $0x0  }
0x14: {  	s2 =	sld [smem:$0x3F81];
	s0 =	simm.s32 @p1 $0x1  }
0x15: {  	[smem:$0x3F9E] =	sst s0;
	s0 =	simm.s32 @!p2 $0x0  }
0x16: {  	s3 =	sld [smem:$0x3FDB];
	s0 =	simm.s32 @p2 $0x1  }
0x17: {  	s4 =	simm.s32 $0x1BF5;
	[smem:$0x3FA0] =	sst s0  }
0x18: {  	s0 =	sld [smem:$0x3F83];
	_ =	swait.ge [sflag:s4], $0x0  }
0x19: {  	s7 =	sld [smem:$0x3F84]  }
0x1a: {  	s8 =	sadd.s32 $0xFFFFE003, lr  }
0x1b: {  	s9 =	sadd.s32 $0xFFFFFEF7, lr;
	s5 =	simm.s32 $0xFFFFFFFF;
	p2 =	slt.u32 s8, $0xFFFFF086  }
0x1c: {  	p1 =	slt.u32 s9, $0xF7A;
	s5 =	simm.s32 @!p2 $0x0  }
0x1d: {  	s5 =	simm.s32 @p1 $0x1;
	p0 =	seq.s32 s7, s2  }
0x1e: {  	s7 =	smul.u32 @!p0 $0xF7A, s2;
	p2 =	seq.s32 @!p0 s5, $0x0  }
0x1f: {  	s9 =	smul.u32 $0xF7A, s1;
	s8 =	simm.s32 @!p0 $0x1BF5;
	p2 =	por !p2, p0  }
0x20: {  	[sflag:s8] =	ssyncset.s32 @!p0 $0xFFFFF086;
	s6 =	sadd.s32 @!p0 s3, s7;
	s7 =	simm.s32 @!p0 $0x108  }
0x21: {  	s3 =	sadd.s32 s3, s9;
	s6 =	sadd.s32 @!p0 $0x88, s6;
	s7 =	simm.s32 @p2 $0x1082  }
0x22: {  	[simem:s7], [sflag:s8] =	dma.local @!p0 [hbm:s6], $0xF7A  }
0x23: {  	s9 =	sor.u32 $0xD0000000, s2;
	s6 =	simm.s32 $0x108;
	_ =	swait.ge @!p0 [sflag:s8], $0x0  }
0x24: {  	s3 =	sadd.s32 $0x88, s3;
	s6 =	simm.s32 @!p1 $0x1082;
	[sflag:s4] =	ssyncset.s32 $0xFFFFF086  }
0x25: {  	[simem:s6], [sflag:s4] =	dma.local [hbm:s3], $0xF7A  }
0x26: {  	[smem:$0x3F84] =	sst s1;
	(tag) =	ssettag s2;
	_ =	strace s9  }
0x27: {  	s1 =	sld [smem:$0x3F94]  }
0x28: {  	s2 =	sld [smem:$0x3F95]  }
0x29: {  	s4 =	sld [smem:$0x3F97]  }
0x2a: {  	p0 =	seq.s32 s5, $0x0;
	s5 =	sld [smem:$0x3F98]  }
0x2b: {  	s6 =	sld [smem:$0x3F99]  }
0x2c: {  	s7 =	sld [smem:$0x3F9A]  }
0x2d: {  	s3 =	simm.s32 $0x108;
	s8 =	sld [smem:$0x3F9B]  }
0x2e: {  	s3 =	simm.s32 @!p0 $0x1082;
	s9 =	sld [smem:$0x3F9C]  }
0x2f: {  	lr =	sadd.s32 s0, s3;
	s0 =	sld [smem:$0x3F93]  }
0x30: {  	s3 =	sld [smem:$0x3F96]  }
0x31: {  	[smem:$0x3F9F] =	sst s10  }
0x32: {  	s10 =	sld [smem:$0x3F9D];
	_ =	sdelay $0x3  }
0x33: {  	p0 =	seq.s32 s10, $0x1;
	s10 =	sld [smem:$0x3F9F];
	_ =	sdelay $0x3  }
0x34: {  	[smem:$0x3F9F] =	sst s10  }
0x35: {  	s10 =	sld [smem:$0x3F9E];
	_ =	sdelay $0x3  }
0x36: {  	p1 =	seq.s32 s10, $0x1;
	s10 =	sld [smem:$0x3F9F];
	_ =	sdelay $0x3  }
0x37: {  	[smem:$0x3F9F] =	sst s10  }
0x38: {  	s10 =	sld [smem:$0x3FA0]  }
0x39: {  	_ = 	snop;
	(pc) =	sbr.ind lr, $3  }
0x3a: {  	_ = 	snop  }
0x3b: {  	_ = 	snop  }
0x3c: {  	p2 =	seq.s32 s10, $0x1;
	s10 =	sld [smem:$0x3F9F]  }
0x3d: {  	_ =	shalt  }
0x3e: {  	_ =	shalt  }
0x3f: {  	_ =	shalt  }
0x40: {  	_ =	shalt  }
0x41: {  	_ =	shalt  }
0x42: {  	_ =	shalt  }
0x43: {  	_ =	shalt  }
0x44: {  	_ =	shalt  }
0x45: {  	_ =	shalt  }
0x46: {  	_ =	shalt  }
0x47: {  	_ =	shalt  }
0x48: {  	_ =	shalt  }
0x49: {  	_ =	shalt  }
0x4a: {  	_ =	shalt  }
0x4b: {  	_ =	shalt  }
0x4c: {  	_ =	shalt  }
0x4d: {  	_ =	shalt  }
0x4e: {  	_ =	shalt  }
0x4f: {  	_ =	shalt  }
0x50: {  	_ =	shalt  }
0x51: {  	_ =	shalt  }
0x52: {  	_ =	shalt  }
0x53: {  	_ =	shalt  }
0x54: {  	_ =	shalt  }
0x55: {  	_ =	shalt  }
0x56: {  	_ =	shalt  }
0x57: {  	_ =	shalt  }
0x58: {  	_ =	shalt  }
0x59: {  	_ =	shalt  }
0x5a: {  	_ =	shalt  }
0x5b: {  	_ =	shalt  }
0x5c: {  	_ =	shalt  }
0x5d: {  	_ =	shalt  }
0x5e: {  	_ =	shalt  }
0x5f: {  	_ =	shalt  }
0x60: {  	_ =	shalt  }
0x61: {  	_ =	shalt  }
0x62: {  	_ =	shalt  }
0x63: {  	_ =	shalt  }
0x64: {  	_ =	shalt  }
0x65: {  	_ =	shalt  }
0x66: {  	_ =	shalt  }
0x67: {  	_ =	shalt  }
0x68: {  	_ =	shalt  }
0x69: {  	_ =	shalt  }
0x6a: {  	_ =	shalt  }
0x6b: {  	_ =	shalt  }
0x6c: {  	_ =	shalt  }
0x6d: {  	_ =	shalt  }
0x6e: {  	_ =	shalt  }
0x6f: {  	_ =	shalt  }
0x70: {  	_ =	shalt  }
0x71: {  	_ =	shalt  }
0x72: {  	_ =	shalt  }
0x73: {  	_ =	shalt  }
0x74: {  	_ =	shalt  }
0x75: {  	_ =	shalt  }
0x76: {  	_ =	shalt  }
0x77: {  	_ =	shalt  }
0x78: {  	_ =	shalt  }
0x79: {  	_ =	shalt  }
0x7a: {  	_ =	shalt  }
0x7b: {  	_ =	shalt  }
0x7c: {  	_ =	shalt  }
0x7d: {  	_ =	shalt  }
0x7e: {  	_ =	shalt  }
0x7f: {  	_ =	shalt  }
0x80: {  	_ =	shalt  }
0x81: {  	_ =	shalt  }
0x82: {  	_ =	shalt  }
0x83: {  	_ =	shalt  }
0x84: {  	_ =	shalt  }
0x85: {  	_ =	shalt  }
0x86: {  	_ =	shalt  }
0x87: {  	_ =	shalt  }
.Lfunc_end0:
.L_simem_size_0:
called_computation_lowered:
.L_overlay_start_0:
0x88: {  	s2 =	sld [smem:$0x3FD9]  }
0x89: {  	s3 =	sld [smem:$0x3FFE];
	_ =	sdelay $0x1  }
0x8a: {  	s1 =	srdreg.scid  }
0x8b: {  	s0 =	sand.u32 $0x1, s1  }
0x8c: {  	s17 =	sshll.u32 s0, $0xA;
	s2 =	sadd.s32 s3, s2  }
0x8d: {  	s2 =	sadd.s32 s2, s17  }
0x8e: {  	[smem:$0x3FAB] =	sst s2  }
0x8f: {  	_ = 	snop  }
0x90: {  	s2 =	sld [smem:$0x3FC9];
	(tm) =	ssettm $0x1  }
0x91: {  	s18 =	sld [smem:$0x3FFB];
	_ =	sdelay $0x3  }
0x92: {  	_ =	strace s18  }
0x93: {  	s3 =	sld [smem:$0x3FFC];
	_ =	sdelay $0x3  }
0x94: {  	_ =	strace s3  }
0x95: {  	s3 =	sld [smem:$0x3FFD];
	_ =	sdelay $0x3  }
0x96: {  	_ =	strace s3  }
0x97: {  	_ =	strace $0x8FFFFFFF  }
0x98: {  	s19 =	sld [smem:$0x3FDB];
	_ =	sdelay $0x1  }
0x99: {  	s4 =	simm.s32 $_scs_section_size  }
0x9a: {  	s5 =	simm.s32 $_size__tile_overlayer_lowered;
	s6 =	simm.s32 $_tile_overlayer_lowered  }
0x9b: {  	s22 =	simm.s32 $0x1BFF;
	s21 =	sshll.u32 s6, $0x1;
	s3 =	sadd.s32 s4, s19  }
0x9c: {  	s7 =	simm.s32 $0x0;
	s20 =	sshll.u32 s5, $0x1;
	s5 =	sadd.s32 s21, s3  }
0x9d: {  	[timem:s7], [sflag:s22] =	dma.local [hbm:s5], s20  }
0x9e: {  	_ =	swait.ge [sflag:s22], s20  }
0x9f: {  	s4 =	ssub.s32 $0x0, s20;
	[sflag:s22] =	ssyncset.done $0x0  }
0xa0: {  	[sflag:s22] =	ssyncadd.s32 s4;
	_ =	sdelay $0x1  }
0xa1: {  	s23 =	simm.s32 $0x1B8B  }
0xa2: {  	_ =	swait.ge [sflag:s23], $0x1  }
0xa3: {  	[sflag:s23] =	ssyncset.done $0x0  }
0xa4: {  	s25 =	simm.s32 $0x1B8E;
	s24 =	sld [smem:$0x3FFE];
	[sflag:s23] =	ssyncadd.s32 $0xFFFFFFFF  }
0xa5: {  	s26 =	simm.s32 $execute0_lowered;
	[smem:$0x3FD2] =	sst s25  }
0xa6: {  	s5 =	sshll.u32 s26, $0x1;
	_ =	strace $0x80000046;
	[dreg:$0x1] =	wrdreg $0xFFFFFFFF  }
0xa7: {  	s28 =	simm.s32 $_size_execute0_lowered;
	s3 =	sadd.s32 s3, s5;
	[dreg:$0x0] =	wrdreg $0x0  }
0xa8: {  	s5 =	sshll.u32 s28, $0x1;
	[dreg:$0x2] =	wrdreg s3  }
0xa9: {  	[dreg:$0x3] =	wrdreg s5  }
0xaa: {  	[dreg:$0x4] =	wrdreg $0xC0  }
0xab: {  	_ =	task [dreg:s7], $0x5FFFF  }
0xac: {  	[dreg:$0x1] =	wrdreg $0xFFFFFFFF  }
0xad: {  	[dreg:$0x0] =	wrdreg $0x60  }
0xae: {  	[dreg:$0x2] =	wrdreg s2  }
0xaf: {  	[dreg:$0x3] =	wrdreg s24  }
0xb0: {  	[dreg:$0x4] =	wrdreg $0xA8000  }
0xb1: {  	[dreg:$0x5] =	wrdreg $0x9  }
0xb2: {  	_ =	task.clear_ibuf [dreg:s7], $0x6FFFF;
	_ =	strace $0x90000046  }
0xb3: {  	s29 =	simm.s32 $0x9;
	_ =	strace $0x80000048  }
0xb4: {  	_ =	swait.ge [sflag:s29], $0x1  }
0xb5: {  	[sflag:s29] =	ssyncadd.s32 $0xFFFFFFFF  }
0xb6: {  	_ =	strace $0x90000048  }
0xb7: {  	_ =	sfence  }
0xb8: {  	s30 =	sld [smem:$0x0];
	_ =	sdelay $0x2  }
0xb9: {  	s31 =	sshll.u32 s1, $0xD;
	s1 =	sshrl.u32 s1, $0x2  }
0xba: {  	s3 =	sand.u32 $0x4000, s31;
	s1 =	sadd.s32 s1, s30  }
0xbb: {  	s0 =	sor.u32 s3, s0;
	s1 =	sshll.u32 s1, $0x11  }
0xbc: {  	s0 =	sor.u32 s1, s0  }
0xbd: {  	s0 =	sadd.s32 $0x8F2B, s0  }
0xbe: {  	[sflag:s0] =	ssyncadd.remote.s32 $0x1  }
0xbf: {  	_ =	sfence.sel $0xFFFF  }
0xc0: {  	[dreg:$0x0] =	wrdreg $0xFFFFFFFF;
	(pc) =	sbr.abs _section_cstart, $3  }
0xc1: {  	[dreg:$0x1] =	wrdreg $0xFFFFFFFF  }
0xc2: {  	_ =	task.clear_ibuf [dreg:s7], $0x2FFFF;
	_ =	strace $0x9FFFFFFF  }
0xc3: {  	(tm) =	ssettm $0x7FFFFFFF  }
tec
execute0_lowered:
.L_overlay_start_1:
0x0: {  	(tag) =	ssettag $0x1  }
0x1: {  	s2 =	rddreg [dreg:$0x0]  }
0x2: {  	s6 =	rddreg [dreg:$0x1]  }
0x3: {  	s3 =	rddreg [dreg:$0x2]  }
0x4: {  	s0 =	rddreg [dreg:$0x3];
	s1 =	stileid.u32  }
0x5: {  	s4 =	simm.s32 $0x0;
	s5 =	srdreg.scid;
	s20 =	simm.s32 $0x400  }
0x6: {  	s21 =	simm.s32 $0x1400;
	s22 =	simm.s32 $0x1;
	s23 =	simm.s32 $0x2  }
0x7: {  	s7 =	smul.u32 $0x2800, s1;
	[smem:$0x7FF] =	sst s4;
	s8 =	sand.u32 $0x1, s5  }
0x8: {  	s24 =	smul.u32 $0x50000, s1;
	s12 =	sadd.s32 $0xF800, s6;
	s13 =	sadd.s32 $0x5800, s6  }
0x9: {  	s26 =	sshll.u32 s1, $0x2;
	s29 =	sshrl.u32 s1, $0x1;
	_ =	strace $0x80000047  }
0xa: {  	s9 =	smul.u32 $0x28000, s8;
	s10 =	ssub.s32 $0x2, s8;
	s28 =	sshll.u32 s8, $0x1  }
0xb: {  	s11 =	smul.u32 $0xA000, s29;
	s5 =	sshrl.u32 s24, $0x2;
	s25 =	sshrl.u32 s10, $0x1  }
0xc: {  	s7 =	sadd.s32 s7, s9;
	s5 =	sadd.s32 s5, s3;
	s15 =	ssub.s32 s10, s25  }
0xd: {  	s10 =	sor.u32 s28, s26;
	s14 =	sadd.s32 s7, s6;
	s6 =	sadd.s32 $0x4000, s5  }
0xe: {  	s7 =	sadd.s32 $0x8000, s5;
	s8 =	sadd.s32 $0xC000, s5;
	s16 =	sshll.u32 s10, $0x7  }
0xf: {  	s17 =	sor.u32 $0x1, s10;
	s9 =	sadd.s32 $0x10000, s5;
	s19 =	smul.u32 $0x280, s10  }
0x10: {  	s15 =	smax.u32 s15, $0x1;
	s16 =	sand.u32 $0x300, s16;
	s18 =	sshll.u32 s17, $0x7  }
0x11: {  	s17 =	smul.u32 $0x280, s17;
	s16 =	sor.u32 s11, s16;
	s30 =	sand.u32 $0x380, s18  }
0x12: {  	s14 =	sadd.s32 $0x19800, s14;
	s16 =	sshrl.u32 s16, $0x3;
	s18 =	sor.u32 s11, s30  }
0x13: {  	s11 =	sadd.s32 s13, s19;
	s13 =	sadd.s32 s13, s17;
	s17 =	simm.s32 $0x3  }
0x14: {  	s19 =	simm.s32 $0x80;
	s10 =	sadd.s32 s12, s16;
	s31 =	sshrl.u32 s18, $0x3  }
0x15: {  	v0 =	vimm.f32 $0.0e+00;
	s16 =	simm.s32 $0x2800;
	s18 =	simm.s32 $0x6800;
	s12 =	sadd.s32 s12, s31  }
.LBB2_1:
0x16: {  	s24 =	simm.s32 $0x0;
	s25 =	simm.s32 $0x200  }
.LBB2_2:
0x17: {  	p0 =	sne.s32 s25, $0xFE00;
	[tilespmem:s24+$0x6870] =	vst v0  }
0x18: {  	[tilespmem:s24+$0x2800] =	vst v0  }
0x19: {  	[tilespmem:s24+$0x2810] =	vst v0  }
0x1a: {  	[tilespmem:s24+$0x2820] =	vst v0  }
0x1b: {  	[tilespmem:s24+$0x2830] =	vst v0  }
0x1c: {  	[tilespmem:s24+$0x2840] =	vst v0  }
0x1d: {  	[tilespmem:s24+$0x2850] =	vst v0  }
0x1e: {  	[tilespmem:s24+$0x2860] =	vst v0  }
0x1f: {  	[tilespmem:s24+$0x2870] =	vst v0  }
0x20: {  	[tilespmem:s24+$0x6800] =	vst v0  }
0x21: {  	[tilespmem:s24+$0x6810] =	vst v0  }
.Ltmp0:
0x22: {  	[tilespmem:s24+$0x6820] =	vst v0;
	(pc) =	sbr.rel @p0 .LBB2_2-.Ltmp0, $4  }
0x23: {  	[tilespmem:s24+$0x6830] =	vst v0  }
0x24: {  	[tilespmem:s24+$0x6840] =	vst v0  }
0x25: {  	[tilespmem:s24+$0x6850] =	vst v0  }
0x26: {  	[tilespmem:s24+$0x6860] =	vst v0;
	s24 =	sshra.s32 s25, $0x2;
	s25 =	sadd.s32 $0x200, s25  }
0x27: {  	[tilespmem:s24+$0x6870] =	vst v0  }
0x28: {  	[tilespmem:s24+$0x2800] =	vst v0  }
0x29: {  	[tilespmem:s24+$0x2810] =	vst v0  }
0x2a: {  	[tilespmem:s24+$0x2820] =	vst v0  }
0x2b: {  	[tilespmem:s24+$0x2830] =	vst v0  }
0x2c: {  	[tilespmem:s24+$0x2840] =	vst v0  }
0x2d: {  	[tilespmem:s24+$0x2850] =	vst v0  }
0x2e: {  	[tilespmem:s24+$0x2860] =	vst v0  }
0x2f: {  	[tilespmem:s24+$0x2870] =	vst v0  }
0x30: {  	[tilespmem:s24+$0x6800] =	vst v0  }
0x31: {  	[tilespmem:s24+$0x6810] =	vst v0  }
0x32: {  	[tilespmem:s24+$0x6820] =	vst v0  }
0x33: {  	[tilespmem:s24+$0x6830] =	vst v0  }
0x34: {  	[tilespmem:s24+$0x6840] =	vst v0  }
0x35: {  	[tilespmem:s24+$0x6850] =	vst v0  }
0x36: {  	[tilespmem:s24+$0x6860] =	vst v0  }
0x37: {  	[spmem:s5] =	stream.linear.scatter [tilespmem:s16], [sflag:$0x3], $0x4000, $0x38;
	[tilespmem:$0x1E800] =	vst v63  }
0x38: {  	_ =	swait.ge [sflag:s17], $0x4000  }
0x39: {  	[sflag:s17] =	ssyncset.done $0x0  }
0x3a: {  	[sflag:s17] =	ssyncadd.s32 $0xFFFFC000  }
0x3b: {  	[spmem:s6] =	stream.linear.scatter [tilespmem:s18], [sflag:$0x3], $0x4000, $0x38;
	[tilespmem:$0x1E800] =	vst v63  }
0x3c: {  	_ =	swait.ge [sflag:s17], $0x4000  }
0x3d: {  	[sflag:s17] =	ssyncset.done $0x0  }
0x3e: {  	[sflag:s17] =	ssyncadd.s32 $0xFFFFC000  }
0x3f: {  	[spmem:s7] =	stream.linear.scatter [tilespmem:s16], [sflag:$0x3], $0x4000, $0x38;
	[tilespmem:$0x1E800] =	vst v63  }
0x40: {  	_ =	swait.ge [sflag:s17], $0x4000  }
0x41: {  	[sflag:s17] =	ssyncset.done $0x0  }
0x42: {  	[sflag:s17] =	ssyncadd.s32 $0xFFFFC000  }
0x43: {  	[spmem:s8] =	stream.linear.scatter [tilespmem:s18], [sflag:$0x3], $0x4000, $0x38;
	[tilespmem:$0x1E800] =	vst v63  }
0x44: {  	_ =	swait.ge [sflag:s17], $0x4000  }
0x45: {  	[sflag:s17] =	ssyncset.done $0x0  }
0x46: {  	[sflag:s17] =	ssyncadd.s32 $0xFFFFC000  }
0x47: {  	[spmem:s9] =	stream.linear.scatter [tilespmem:s16], [sflag:$0x3], $0x4000, $0x38;
	[tilespmem:$0x1E800] =	vst v63  }
0x48: {  	_ =	swait.ge [sflag:s17], $0x4000  }
0x49: {  	[sflag:s17] =	ssyncset.done $0x0  }
0x4a: {  	[sflag:s17] =	ssyncadd.s32 $0xFFFFC000  }
0x4b: {  	s26 =	simm.s32 $0x0;
	[bflag:$0x0] =	sbarrier.arrive $0xFFFF  }
0x4c: {  	[tilespmem:s26], [sflag:$0x3] =	stream.strided.gather [hbm4b:s10+s19], $0x1400, s20, s19, $0x38;
	[tilespmem:$0x1E800] =	vst v63  }
0x4d: {  	_ =	swait.ge [sflag:s17], $0x1400  }
0x4e: {  	[sflag:s17] =	ssyncset.done $0x0  }
0x4f: {  	[sflag:s17] =	ssyncadd.s32 $0xFFFFEC00  }
0x50: {  	[tilespmem:s21], [sflag:$0x3] =	stream.linear.gather [hbm4b:s11+s26], $0x1400, $0x38;
	[tilespmem:$0x1E800] =	vst v63  }
0x51: {  	_ =	swait.ge [sflag:s17], $0x1400  }
0x52: {  	[sflag:s17] =	ssyncset.done $0x0  }
0x53: {  	s28 =	simm.s32 $0x0;
	[sflag:s17] =	ssyncadd.s32 $0xFFFFEC00  }
0x54: {  	[tilespmem:s16], [sflag:$0x1] =	stream.indirect.gather [hbm4b:s2+s19], $0x80, s28, s19, $0xb8;
	[tilespmem:$0x1E800] =	vst v63  }
0x55: {  	s29 =	simm.s32 $0x80  }
0x56: {  	[tilespmem:s18], [sflag:$0x1] =	stream.indirect.gather [hbm4b:s2+s19], $0x80, s29, s19, $0xb8;
	[tilespmem:$0x1E800] =	vst v63  }
0x57: {  	_ =	swait.ge [sflag:s22], $0x4000  }
0x58: {  	[sflag:s22] =	ssyncset.done $0x0  }
0x59: {  	[sflag:s22] =	ssyncadd.s32 $0xFFFFC000  }
0x5a: {  	_ =	swait.ge [sflag:s22], $0x4000  }
0x5b: {  	[sflag:s22] =	ssyncset.done $0x0  }
0x5c: {  	s30 =	simm.s32 $0x1400;
	[sflag:s22] =	ssyncadd.s32 $0xFFFFC000  }
0x5d: {  	[spmem:s3] =	stream.indirect.scatter.add.f32 [tilespmem:s16], [sflag:$0x2], $0x80, s30, s19, $0xb8;
	[tilespmem:$0x1E800] =	vst v63  }
0x5e: {  	s31 =	simm.s32 $0x1480  }
0x5f: {  	[spmem:s3] =	stream.indirect.scatter.add.f32 [tilespmem:s18], [sflag:$0x2], $0x80, s31, s19, $0xb8;
	[tilespmem:$0x1E800] =	vst v63  }
0x60: {  	_ =	swait.ge [sflag:s23], $0x4000  }
0x61: {  	[sflag:s23] =	ssyncset.done $0x0  }
0x62: {  	[sflag:s23] =	ssyncadd.s32 $0xFFFFC000  }
0x63: {  	_ =	swait.ge [sflag:s23], $0x4000  }
0x64: {  	s24 =	simm.s32 $0x400;
	s25 =	simm.s32 $0x800;
	[sflag:s23] =	ssyncset.done $0x0  }
.LBB2_4:
0x65: {  	s26 =	sshra.s32 s24, $0x2  }
0x66: {  	[sflag:s23] =	ssyncadd.s32 $0xFFFFC000;
	s24 =	smov.u32 s25;
	s28 =	sadd.s32 $0x400, s25  }
0x67: {  	[tilespmem:s16], [sflag:$0x1] =	stream.indirect.gather [hbm4b:s2+s19], $0x80, s26, s19, $0xb8;
	[tilespmem:$0x1E800] =	vst v63  }
0x68: {  	p0 =	sne.s32 s25, $0x4C00;
	s25 =	sadd.s32 $0x80, s26  }
0x69: {  	[tilespmem:s18], [sflag:$0x1] =	stream.indirect.gather [hbm4b:s2+s19], $0x80, s25, s19, $0xb8;
	[tilespmem:$0x1E800] =	vst v63  }
0x6a: {  	_ =	swait.ge [sflag:s22], $0x4000  }
0x6b: {  	[sflag:s22] =	ssyncset.done $0x0  }
0x6c: {  	[sflag:s22] =	ssyncadd.s32 $0xFFFFC000  }
0x6d: {  	_ =	swait.ge [sflag:s22], $0x4000  }
0x6e: {  	[sflag:s22] =	ssyncset.done $0x0  }
0x6f: {  	s25 =	sadd.s32 $0x1400, s26;
	[sflag:s22] =	ssyncadd.s32 $0xFFFFC000  }
0x70: {  	[spmem:s3] =	stream.indirect.scatter.add.f32 [tilespmem:s16], [sflag:$0x2], $0x80, s25, s19, $0xb8;
	[tilespmem:$0x1E800] =	vst v63  }
0x71: {  	s25 =	sadd.s32 $0x1480, s26  }
0x72: {  	[spmem:s3] =	stream.indirect.scatter.add.f32 [tilespmem:s18], [sflag:$0x2], $0x80, s25, s19, $0xb8;
	[tilespmem:$0x1E800] =	vst v63  }
.Ltmp1:
0x73: {  	_ =	swait.ge [sflag:s23], $0x4000;
	(pc) =	sbr.rel @p0 .LBB2_4-.Ltmp1, $4  }
0x74: {  	[sflag:s23] =	ssyncset.done $0x0  }
0x75: {  	[sflag:s23] =	ssyncadd.s32 $0xFFFFC000  }
0x76: {  	_ =	swait.ge [sflag:s23], $0x4000  }
0x77: {  	s25 =	smov.u32 s28;
	[sflag:s23] =	ssyncset.done $0x0  }
0x78: {  	s24 =	sshra.s32 s24, $0x2;
	[sflag:s23] =	ssyncadd.s32 $0xFFFFC000  }
0x79: {  	[tilespmem:s16], [sflag:$0x1] =	stream.indirect.gather [hbm4b:s2+s19], $0x80, s24, s19, $0xb8;
	[tilespmem:$0x1E800] =	vst v63  }
0x7a: {  	s25 =	sadd.s32 $0x80, s24  }
0x7b: {  	[tilespmem:s18], [sflag:$0x1] =	stream.indirect.gather [hbm4b:s2+s19], $0x80, s25, s19, $0xb8;
	[tilespmem:$0x1E800] =	vst v63  }
0x7c: {  	_ =	swait.ge [sflag:s22], $0x4000  }
0x7d: {  	[sflag:s22] =	ssyncset.done $0x0  }
0x7e: {  	[sflag:s22] =	ssyncadd.s32 $0xFFFFC000  }
0x7f: {  	_ =	swait.ge [sflag:s22], $0x4000  }
0x80: {  	[sflag:s22] =	ssyncset.done $0x0  }
0x81: {  	s31 =	sadd.s32 $0x1400, s24;
	[sflag:s22] =	ssyncadd.s32 $0xFFFFC000  }
0x82: {  	[spmem:s3] =	stream.indirect.scatter.add.f32 [tilespmem:s16], [sflag:$0x2], $0x80, s31, s19, $0xb8;
	[tilespmem:$0x1E800] =	vst v63  }
0x83: {  	s24 =	sadd.s32 $0x1480, s24  }
0x84: {  	[spmem:s3] =	stream.indirect.scatter.add.f32 [tilespmem:s18], [sflag:$0x2], $0x80, s24, s19, $0xb8;
	[tilespmem:$0x1E800] =	vst v63  }
0x85: {  	_ =	swait.ge [sflag:s23], $0x4000  }
0x86: {  	[sflag:s23] =	ssyncset.done $0x0  }
0x87: {  	[sflag:s23] =	ssyncadd.s32 $0xFFFFC000  }
0x88: {  	_ =	swait.ge [sflag:s23], $0x4000  }
0x89: {  	[sflag:s23] =	ssyncset.done $0x0  }
0x8a: {  	s26 =	simm.s32 $0x0;
	[sflag:s23] =	ssyncadd.s32 $0xFFFFC000  }
0x8b: {  	[tilespmem:s26], [sflag:$0x3] =	stream.strided.gather [hbm4b:s12+s19], $0x1400, s20, s19, $0x38;
	[tilespmem:$0x1E800] =	vst v63  }
0x8c: {  	_ =	swait.ge [sflag:s17], $0x1400  }
0x8d: {  	[sflag:s17] =	ssyncset.done $0x0  }
0x8e: {  	[sflag:s17] =	ssyncadd.s32 $0xFFFFEC00  }
0x8f: {  	[tilespmem:s21], [sflag:$0x3] =	stream.linear.gather [hbm4b:s13+s26], $0x1400, $0x38;
	[tilespmem:$0x1E800] =	vst v63  }
0x90: {  	_ =	swait.ge [sflag:s17], $0x1400  }
0x91: {  	[sflag:s17] =	ssyncset.done $0x0  }
0x92: {  	s28 =	simm.s32 $0x0;
	[sflag:s17] =	ssyncadd.s32 $0xFFFFEC00  }
0x93: {  	[tilespmem:s16], [sflag:$0x1] =	stream.indirect.gather [hbm4b:s2+s19], $0x80, s28, s19, $0xb8;
	[tilespmem:$0x1E800] =	vst v63  }
0x94: {  	s29 =	simm.s32 $0x80  }
0x95: {  	[tilespmem:s18], [sflag:$0x1] =	stream.indirect.gather [hbm4b:s2+s19], $0x80, s29, s19, $0xb8;
	[tilespmem:$0x1E800] =	vst v63  }
0x96: {  	_ =	swait.ge [sflag:s22], $0x4000  }
0x97: {  	[sflag:s22] =	ssyncset.done $0x0  }
0x98: {  	[sflag:s22] =	ssyncadd.s32 $0xFFFFC000  }
0x99: {  	_ =	swait.ge [sflag:s22], $0x4000  }
0x9a: {  	[sflag:s22] =	ssyncset.done $0x0  }
0x9b: {  	s30 =	simm.s32 $0x1400;
	[sflag:s22] =	ssyncadd.s32 $0xFFFFC000  }
0x9c: {  	[spmem:s3] =	stream.indirect.scatter.add.f32 [tilespmem:s16], [sflag:$0x2], $0x80, s30, s19, $0xb8;
	[tilespmem:$0x1E800] =	vst v63  }
0x9d: {  	s31 =	simm.s32 $0x1480  }
0x9e: {  	[spmem:s3] =	stream.indirect.scatter.add.f32 [tilespmem:s18], [sflag:$0x2], $0x80, s31, s19, $0xb8;
	[tilespmem:$0x1E800] =	vst v63  }
0x9f: {  	_ =	swait.ge [sflag:s23], $0x4000  }
0xa0: {  	[sflag:s23] =	ssyncset.done $0x0  }
0xa1: {  	[sflag:s23] =	ssyncadd.s32 $0xFFFFC000  }
0xa2: {  	_ =	swait.ge [sflag:s23], $0x4000  }
0xa3: {  	s25 =	simm.s32 $0x800;
	s24 =	simm.s32 $0x400;
	[sflag:s23] =	ssyncset.done $0x0  }
.LBB2_6:
0xa4: {  	s26 =	sshra.s32 s24, $0x2  }
0xa5: {  	[sflag:s23] =	ssyncadd.s32 $0xFFFFC000;
	s24 =	smov.u32 s25;
	s28 =	sadd.s32 $0x400, s25  }
0xa6: {  	[tilespmem:s16], [sflag:$0x1] =	stream.indirect.gather [hbm4b:s2+s19], $0x80, s26, s19, $0xb8;
	[tilespmem:$0x1E800] =	vst v63  }
0xa7: {  	p0 =	sne.s32 s25, $0x4C00;
	s25 =	sadd.s32 $0x80, s26  }
0xa8: {  	[tilespmem:s18], [sflag:$0x1] =	stream.indirect.gather [hbm4b:s2+s19], $0x80, s25, s19, $0xb8;
	[tilespmem:$0x1E800] =	vst v63  }
0xa9: {  	_ =	swait.ge [sflag:s22], $0x4000  }
0xaa: {  	[sflag:s22] =	ssyncset.done $0x0  }
0xab: {  	[sflag:s22] =	ssyncadd.s32 $0xFFFFC000  }
0xac: {  	_ =	swait.ge [sflag:s22], $0x4000  }
0xad: {  	[sflag:s22] =	ssyncset.done $0x0  }
0xae: {  	s25 =	sadd.s32 $0x1400, s26;
	[sflag:s22] =	ssyncadd.s32 $0xFFFFC000  }
0xaf: {  	[spmem:s3] =	stream.indirect.scatter.add.f32 [tilespmem:s16], [sflag:$0x2], $0x80, s25, s19, $0xb8;
	[tilespmem:$0x1E800] =	vst v63  }
0xb0: {  	s25 =	sadd.s32 $0x1480, s26  }
0xb1: {  	[spmem:s3] =	stream.indirect.scatter.add.f32 [tilespmem:s18], [sflag:$0x2], $0x80, s25, s19, $0xb8;
	[tilespmem:$0x1E800] =	vst v63  }
.Ltmp2:
0xb2: {  	_ =	swait.ge [sflag:s23], $0x4000;
	(pc) =	sbr.rel @p0 .LBB2_6-.Ltmp2, $4  }
0xb3: {  	[sflag:s23] =	ssyncset.done $0x0  }
0xb4: {  	[sflag:s23] =	ssyncadd.s32 $0xFFFFC000  }
0xb5: {  	_ =	swait.ge [sflag:s23], $0x4000  }
0xb6: {  	s25 =	smov.u32 s28;
	[sflag:s23] =	ssyncset.done $0x0  }
0xb7: {  	s24 =	sshra.s32 s24, $0x2;
	[sflag:s23] =	ssyncadd.s32 $0xFFFFC000  }
0xb8: {  	[tilespmem:s16], [sflag:$0x1] =	stream.indirect.gather [hbm4b:s2+s19], $0x80, s24, s19, $0xb8;
	[tilespmem:$0x1E800] =	vst v63  }
0xb9: {  	s25 =	sadd.s32 $0x80, s24  }
0xba: {  	[tilespmem:s18], [sflag:$0x1] =	stream.indirect.gather [hbm4b:s2+s19], $0x80, s25, s19, $0xb8;
	[tilespmem:$0x1E800] =	vst v63  }
0xbb: {  	_ =	swait.ge [sflag:s22], $0x4000  }
0xbc: {  	[sflag:s22] =	ssyncset.done $0x0  }
0xbd: {  	[sflag:s22] =	ssyncadd.s32 $0xFFFFC000  }
0xbe: {  	_ =	swait.ge [sflag:s22], $0x4000  }
0xbf: {  	[sflag:s22] =	ssyncset.done $0x0  }
0xc0: {  	s29 =	sadd.s32 $0x1400, s24;
	[sflag:s22] =	ssyncadd.s32 $0xFFFFC000  }
0xc1: {  	[spmem:s3] =	stream.indirect.scatter.add.f32 [tilespmem:s16], [sflag:$0x2], $0x80, s29, s19, $0xb8;
	[tilespmem:$0x1E800] =	vst v63  }
0xc2: {  	s24 =	sadd.s32 $0x1480, s24  }
0xc3: {  	[spmem:s3] =	stream.indirect.scatter.add.f32 [tilespmem:s18], [sflag:$0x2], $0x80, s24, s19, $0xb8;
	[tilespmem:$0x1E800] =	vst v63  }
0xc4: {  	_ =	swait.ge [sflag:s23], $0x4000  }
0xc5: {  	[sflag:s23] =	ssyncset.done $0x0  }
0xc6: {  	[sflag:s23] =	ssyncadd.s32 $0xFFFFC000  }
0xc7: {  	_ =	swait.ge [sflag:s23], $0x4000  }
0xc8: {  	s30 =	sshll.u32 s1, $0x6;
	s4 =	sadd.s32 $0x1, s4;
	[sflag:s23] =	ssyncset.done $0x0  }
0xc9: {  	s31 =	sshrl.u32 s5, $0x3;
	p0 =	sne.s32 s4, s15;
	[sflag:s23] =	ssyncadd.s32 $0xFFFFC000  }
.Ltmp3:
0xca: {  	s24 =	sor.u32 $0x1C03, s30;
	[bflag:$0x0] =	sbarrier.arrive $0xFFFF;
	(pc) =	sbr.rel @p0 .LBB2_1-.Ltmp3, $4  }
0xcb: {  	[hbm:s14], [sflag:s24] =	dma.local [spmem:s31], $0x2800  }
0xcc: {  	_ =	swait.ge [sflag:s17], $0x2800  }
0xcd: {  	[sflag:s17] =	ssyncset.done $0x0  }
0xce: {  	[sflag:s17] =	ssyncadd.s32 $0xFFFFD800  }
0xcf: {  	_ =	sfence.sel $0x180000  }
0xd0: {  	[bflag:$0x0] =	sbarrier.arrive $0xFFFF  }
0xd1: {  	p0 =	sne.s32 s1, $0x0;
	_ =	strace $0x90000047  }
0xd2: {  	s0 =	sadd.s32 @!p0 $0x100000, s0;
	[bflag:$0x2] =	sbarrier.arrive $0xFFFF  }
0xd3: {  	[sflag:s0] =	ssyncadd.tile.s32 @!p0 $0x1;
	_ =	shalt  }
.Lfunc_end2:
_tile_overlayer_lowered:
.L_overlay_start_2:
0xd4: {  	(tag) =	ssettag $0x2  }
0xd5: {  	s0 =	rddreg [dreg:$0x0];
	s2 =	stileid.u32  }
0xd6: {  	s1 =	rddreg [dreg:$0x1];
	p0 =	sne.s32 s2, $0x0  }
0xd7: {  	s3 =	rddreg [dreg:$0x2];
	[bflag:$0x3] =	sbarrier.arrive $0xFFFF;
	s2 =	simm.s32 @!p0 $0x1C03  }
0xd8: {  	[timem:s3], [sflag:s2] =	dma.local @!p0 [hbm:s0], s1  }
0xd9: {  	s0 =	simm.s32 @!p0 $0x3  }
0xda: {  	_ =	swait.ge @!p0 [sflag:s0], s1  }
0xdb: {  	s1 =	ssub.s32 @!p0 $0x0, s1;
	[sflag:s0] =	ssyncset.done @!p0 $0x0  }
0xdc: {  	[sflag:s0] =	ssyncadd.s32 @!p0 s1  }
0xdd: {  	[bflag:$0x3] =	sbarrier.arrive $0xFFFF  }
0xde: {  	_ =	shalt  }

// kernel: kernel.17.cloned.1.call-start
scs
__scs_entry_jumppad:
0x0: {  	(pc) =	sbr.rel $0x88, $3  }
0x1: {  	(tag) =	ssettag $0x0;
	lr =	simm.s32 $0x1  }
0x2: {  	[smem:$0x3F84] =	sst lr;
	_ =	strace $0xD0000000  }
0x3: {  	_ = 	snop  }
0x4: {  	_ = 	snop  }
0x5: {  	_ = 	snop  }
0x6: {  	_ = 	snop  }
0x7: {  	_ = 	snop  }
__scs_overlays_trampoline_lowered:
0x8: {  	[smem:$0x3F93] =	sst s0  }
0x9: {  	[smem:$0x3F94] =	sst s1  }
0xa: {  	[smem:$0x3F95] =	sst s2  }
0xb: {  	[smem:$0x3F96] =	sst s3  }
0xc: {  	[smem:$0x3F97] =	sst s4  }
0xd: {  	[smem:$0x3F98] =	sst s5  }
0xe: {  	[smem:$0x3F99] =	sst s6  }
0xf: {  	[smem:$0x3F9A] =	sst s7  }
0x10: {  	[smem:$0x3F9B] =	sst s8  }
0x11: {  	[smem:$0x3F9C] =	sst s9;
	s0 =	simm.s32 @!p0 $0x0  }
0x12: {  	s1 =	sld [smem:$0x3F82];
	s0 =	simm.s32 @p0 $0x1  }
0x13: {  	[smem:$0x3F9D] =	sst s0;
	s0 =	simm.s32 @!p1 $0x0  }
0x14: {  	s2 =	sld [smem:$0x3F81];
	s0 =	simm.s32 @p1 $0x1  }
0x15: {  	[smem:$0x3F9E] =	sst s0;
	s0 =	simm.s32 @!p2 $0x0  }
0x16: {  	s3 =	sld [smem:$0x3FDB];
	s0 =	simm.s32 @p2 $0x1  }
0x17: {  	s4 =	simm.s32 $0x1BF5;
	[smem:$0x3FA0] =	sst s0  }
0x18: {  	s0 =	sld [smem:$0x3F83];
	_ =	swait.ge [sflag:s4], $0x0  }
0x19: {  	s7 =	sld [smem:$0x3F84]  }
0x1a: {  	s8 =	sadd.s32 $0xFFFFE003, lr  }
0x1b: {  	s9 =	sadd.s32 $0xFFFFFEF7, lr;
	s5 =	simm.s32 $0xFFFFFFFF;
	p2 =	slt.u32 s8, $0xFFFFF086  }
0x1c: {  	p1 =	slt.u32 s9, $0xF7A;
	s5 =	simm.s32 @!p2 $0x0  }
0x1d: {  	s5 =	simm.s32 @p1 $0x1;
	p0 =	seq.s32 s7, s2  }
0x1e: {  	s7 =	smul.u32 @!p0 $0xF7A, s2;
	p2 =	seq.s32 @!p0 s5, $0x0  }
0x1f: {  	s9 =	smul.u32 $0xF7A, s1;
	s8 =	simm.s32 @!p0 $0x1BF5;
	p2 =	por !p2, p0  }
0x20: {  	[sflag:s8] =	ssyncset.s32 @!p0 $0xFFFFF086;
	s6 =	sadd.s32 @!p0 s3, s7;
	s7 =	simm.s32 @!p0 $0x108  }
0x21: {  	s3 =	sadd.s32 s3, s9;
	s6 =	sadd.s32 @!p0 $0x88, s6;
	s7 =	simm.s32 @p2 $0x1082  }
0x22: {  	[simem:s7], [sflag:s8] =	dma.local @!p0 [hbm:s6], $0xF7A  }
0x23: {  	s9 =	sor.u32 $0xD0000000, s2;
	s6 =	simm.s32 $0x108;
	_ =	swait.ge @!p0 [sflag:s8], $0x0  }
0x24: {  	s3 =	sadd.s32 $0x88, s3;
	s6 =	simm.s32 @!p1 $0x1082;
	[sflag:s4] =	ssyncset.s32 $0xFFFFF086  }
0x25: {  	[simem:s6], [sflag:s4] =	dma.local [hbm:s3], $0xF7A  }
0x26: {  	[smem:$0x3F84] =	sst s1;
	(tag) =	ssettag s2;
	_ =	strace s9  }
0x27: {  	s1 =	sld [smem:$0x3F94]  }
0x28: {  	s2 =	sld [smem:$0x3F95]  }
0x29: {  	s4 =	sld [smem:$0x3F97]  }
0x2a: {  	p0 =	seq.s32 s5, $0x0;
	s5 =	sld [smem:$0x3F98]  }
0x2b: {  	s6 =	sld [smem:$0x3F99]  }
0x2c: {  	s7 =	sld [smem:$0x3F9A]  }
0x2d: {  	s3 =	simm.s32 $0x108;
	s8 =	sld [smem:$0x3F9B]  }
0x2e: {  	s3 =	simm.s32 @!p0 $0x1082;
	s9 =	sld [smem:$0x3F9C]  }
0x2f: {  	lr =	sadd.s32 s0, s3;
	s0 =	sld [smem:$0x3F93]  }
0x30: {  	s3 =	sld [smem:$0x3F96]  }
0x31: {  	[smem:$0x3F9F] =	sst s10  }
0x32: {  	s10 =	sld [smem:$0x3F9D];
	_ =	sdelay $0x3  }
0x33: {  	p0 =	seq.s32 s10, $0x1;
	s10 =	sld [smem:$0x3F9F];
	_ =	sdelay $0x3  }
0x34: {  	[smem:$0x3F9F] =	sst s10  }
0x35: {  	s10 =	sld [smem:$0x3F9E];
	_ =	sdelay $0x3  }
0x36: {  	p1 =	seq.s32 s10, $0x1;
	s10 =	sld [smem:$0x3F9F];
	_ =	sdelay $0x3  }
0x37: {  	[smem:$0x3F9F] =	sst s10  }
0x38: {  	s10 =	sld [smem:$0x3FA0]  }
0x39: {  	_ = 	snop;
	(pc) =	sbr.ind lr, $3  }
0x3a: {  	_ = 	snop  }
0x3b: {  	_ = 	snop  }
0x3c: {  	p2 =	seq.s32 s10, $0x1;
	s10 =	sld [smem:$0x3F9F]  }
0x3d: {  	_ =	shalt  }
0x3e: {  	_ =	shalt  }
0x3f: {  	_ =	shalt  }
0x40: {  	_ =	shalt  }
0x41: {  	_ =	shalt  }
0x42: {  	_ =	shalt  }
0x43: {  	_ =	shalt  }
0x44: {  	_ =	shalt  }
0x45: {  	_ =	shalt  }
0x46: {  	_ =	shalt  }
0x47: {  	_ =	shalt  }
0x48: {  	_ =	shalt  }
0x49: {  	_ =	shalt  }
0x4a: {  	_ =	shalt  }
0x4b: {  	_ =	shalt  }
0x4c: {  	_ =	shalt  }
0x4d: {  	_ =	shalt  }
0x4e: {  	_ =	shalt  }
0x4f: {  	_ =	shalt  }
0x50: {  	_ =	shalt  }
0x51: {  	_ =	shalt  }
0x52: {  	_ =	shalt  }
0x53: {  	_ =	shalt  }
0x54: {  	_ =	shalt  }
0x55: {  	_ =	shalt  }
0x56: {  	_ =	shalt  }
0x57: {  	_ =	shalt  }
0x58: {  	_ =	shalt  }
0x59: {  	_ =	shalt  }
0x5a: {  	_ =	shalt  }
0x5b: {  	_ =	shalt  }
0x5c: {  	_ =	shalt  }
0x5d: {  	_ =	shalt  }
0x5e: {  	_ =	shalt  }
0x5f: {  	_ =	shalt  }
0x60: {  	_ =	shalt  }
0x61: {  	_ =	shalt  }
0x62: {  	_ =	shalt  }
0x63: {  	_ =	shalt  }
0x64: {  	_ =	shalt  }
0x65: {  	_ =	shalt  }
0x66: {  	_ =	shalt  }
0x67: {  	_ =	shalt  }
0x68: {  	_ =	shalt  }
0x69: {  	_ =	shalt  }
0x6a: {  	_ =	shalt  }
0x6b: {  	_ =	shalt  }
0x6c: {  	_ =	shalt  }
0x6d: {  	_ =	shalt  }
0x6e: {  	_ =	shalt  }
0x6f: {  	_ =	shalt  }
0x70: {  	_ =	shalt  }
0x71: {  	_ =	shalt  }
0x72: {  	_ =	shalt  }
0x73: {  	_ =	shalt  }
0x74: {  	_ =	shalt  }
0x75: {  	_ =	shalt  }
0x76: {  	_ =	shalt  }
0x77: {  	_ =	shalt  }
0x78: {  	_ =	shalt  }
0x79: {  	_ =	shalt  }
0x7a: {  	_ =	shalt  }
0x7b: {  	_ =	shalt  }
0x7c: {  	_ =	shalt  }
0x7d: {  	_ =	shalt  }
0x7e: {  	_ =	shalt  }
0x7f: {  	_ =	shalt  }
0x80: {  	_ =	shalt  }
0x81: {  	_ =	shalt  }
0x82: {  	_ =	shalt  }
0x83: {  	_ =	shalt  }
0x84: {  	_ =	shalt  }
0x85: {  	_ =	shalt  }
0x86: {  	_ =	shalt  }
0x87: {  	_ =	shalt  }
.Lfunc_end0:
.L_simem_size_0:
called_computation.1_lowered:
.L_overlay_start_0:
0x88: {  	s2 =	sld [smem:$0x3FD9]  }
0x89: {  	s3 =	sld [smem:$0x3FFE];
	_ =	sdelay $0x1  }
0x8a: {  	s1 =	srdreg.scid  }
0x8b: {  	s0 =	sand.u32 $0x1, s1  }
0x8c: {  	s16 =	sshll.u32 s0, $0xA;
	s2 =	sadd.s32 s3, s2  }
0x8d: {  	s2 =	sadd.s32 s2, s16  }
0x8e: {  	[smem:$0x3FAB] =	sst s2  }
0x8f: {  	_ = 	snop  }
0x90: {  	(tm) =	ssettm $0x1  }
0x91: {  	s17 =	sld [smem:$0x3FFB];
	_ =	sdelay $0x3  }
0x92: {  	_ =	strace s17  }
0x93: {  	s2 =	sld [smem:$0x3FFC];
	_ =	sdelay $0x3  }
0x94: {  	_ =	strace s2  }
0x95: {  	s2 =	sld [smem:$0x3FFD];
	_ =	sdelay $0x3  }
0x96: {  	_ =	strace s2  }
0x97: {  	_ =	strace $0x8FFFFFFF  }
0x98: {  	s18 =	sld [smem:$0x3FDB];
	_ =	sdelay $0x1  }
0x99: {  	s19 =	simm.s32 $_scs_section_size  }
0x9a: {  	s4 =	simm.s32 $_size__tile_overlayer_lowered;
	s5 =	simm.s32 $_tile_overlayer_lowered  }
0x9b: {  	s22 =	simm.s32 $0x1BFF;
	s21 =	sshll.u32 s5, $0x1;
	s2 =	sadd.s32 s19, s18  }
0x9c: {  	s6 =	simm.s32 $0x0;
	s20 =	sshll.u32 s4, $0x1;
	s4 =	sadd.s32 s21, s2  }
0x9d: {  	[timem:s6], [sflag:s22] =	dma.local [hbm:s4], s20  }
0x9e: {  	_ =	swait.ge [sflag:s22], s20  }
0x9f: {  	s3 =	ssub.s32 $0x0, s20;
	[sflag:s22] =	ssyncset.done $0x0  }
0xa0: {  	[sflag:s22] =	ssyncadd.s32 s3;
	_ =	sdelay $0x1  }
0xa1: {  	s23 =	simm.s32 $0x1B8B  }
0xa2: {  	_ =	swait.ge [sflag:s23], $0x1  }
0xa3: {  	[sflag:s23] =	ssyncset.done $0x0  }
0xa4: {  	s25 =	simm.s32 $0x1B8E;
	s24 =	sld [smem:$0x3FFE];
	[sflag:s23] =	ssyncadd.s32 $0xFFFFFFFF  }
0xa5: {  	s26 =	simm.s32 $execute0_lowered;
	[smem:$0x3FD2] =	sst s25  }
0xa6: {  	s4 =	sshll.u32 s26, $0x1;
	_ =	strace $0x80000049;
	[dreg:$0x1] =	wrdreg $0xFFFFFFFF  }
0xa7: {  	s28 =	simm.s32 $_size_execute0_lowered;
	s2 =	sadd.s32 s2, s4;
	[dreg:$0x0] =	wrdreg $0x0  }
0xa8: {  	s4 =	sshll.u32 s28, $0x1;
	[dreg:$0x2] =	wrdreg s2  }
0xa9: {  	[dreg:$0x3] =	wrdreg s4  }
0xaa: {  	[dreg:$0x4] =	wrdreg $0xC0  }
0xab: {  	_ =	task [dreg:s6], $0x5FFFF  }
0xac: {  	[dreg:$0x1] =	wrdreg $0xFFFFFFFF  }
0xad: {  	[dreg:$0x0] =	wrdreg $0x60  }
0xae: {  	[dreg:$0x2] =	wrdreg s24  }
0xaf: {  	[dreg:$0x3] =	wrdreg $0xA8000  }
0xb0: {  	[dreg:$0x4] =	wrdreg $0x9  }
0xb1: {  	_ =	task.clear_ibuf [dreg:s6], $0x5FFFF;
	_ =	strace $0x90000049  }
0xb2: {  	s29 =	simm.s32 $0x9;
	_ =	strace $0x8000004B  }
0xb3: {  	_ =	swait.ge [sflag:s29], $0x1  }
0xb4: {  	[sflag:s29] =	ssyncadd.s32 $0xFFFFFFFF  }
0xb5: {  	_ =	strace $0x9000004B  }
0xb6: {  	_ =	sfence  }
0xb7: {  	s30 =	sld [smem:$0x0];
	_ =	sdelay $0x2  }
0xb8: {  	s31 =	sshll.u32 s1, $0xD;
	s1 =	sshrl.u32 s1, $0x2  }
0xb9: {  	s3 =	sand.u32 $0x4000, s31;
	s1 =	sadd.s32 s1, s30  }
0xba: {  	s0 =	sor.u32 s3, s0;
	s1 =	sshll.u32 s1, $0x11  }
0xbb: {  	s0 =	sor.u32 s1, s0  }
0xbc: {  	s0 =	sadd.s32 $0x8F2B, s0  }
0xbd: {  	[sflag:s0] =	ssyncadd.remote.s32 $0x1  }
0xbe: {  	_ =	sfence.sel $0xFFFF  }
0xbf: {  	[dreg:$0x0] =	wrdreg $0xFFFFFFFF;
	(pc) =	sbr.abs _section_cstart, $3  }
0xc0: {  	[dreg:$0x1] =	wrdreg $0xFFFFFFFF  }
0xc1: {  	_ =	task.clear_ibuf [dreg:s6], $0x2FFFF;
	_ =	strace $0x9FFFFFFF  }
0xc2: {  	(tm) =	ssettm $0x7FFFFFFF  }
0xc3: {  	_ =	shalt  }
tec
execute0_lowered:
.L_overlay_start_1:
0x0: {  	(tag) =	ssettag $0x1  }
0x1: {  	s6 =	rddreg [dreg:$0x0]  }
0x2: {  	s2 =	rddreg [dreg:$0x1]  }
0x3: {  	s0 =	rddreg [dreg:$0x2];
	s3 =	simm.s32 $0x0;
	s1 =	stileid.u32  }
0x4: {  	s4 =	srdreg.scid;
	s20 =	simm.s32 $0x400;
	s21 =	simm.s32 $0x1400  }
0x5: {  	s22 =	simm.s32 $0x1;
	s23 =	simm.s32 $0x2;
	s5 =	smul.u32 $0x2800, s1  }
0x6: {  	[smem:$0x7FF] =	sst s3;
	s8 =	sand.u32 $0x1, s4;
	s7 =	smul.u32 $0x50000, s1  }
0x7: {  	s4 =	sadd.s32 $0x19800, s6;
	s12 =	sadd.s32 $0xF800, s6;
	s13 =	sadd.s32 $0x5800, s6  }
0x8: {  	s25 =	sshll.u32 s1, $0x2;
	s28 =	sshrl.u32 s1, $0x1;
	_ =	strace $0x8000004A  }
0x9: {  	s9 =	smul.u32 $0x28000, s8;
	s10 =	ssub.s32 $0x2, s8;
	s26 =	sshll.u32 s8, $0x1  }
0xa: {  	s29 =	smul.u32 $0xA000, s28;
	s7 =	sshrl.u32 s7, $0x2;
	s11 =	sshrl.u32 s10, $0x1  }
0xb: {  	s9 =	sadd.s32 s5, s9;
	s5 =	sadd.s32 s7, s2;
	s15 =	ssub.s32 s10, s11  }
0xc: {  	s10 =	sor.u32 s26, s25;
	s14 =	sadd.s32 s9, s6;
	s6 =	sadd.s32 $0x4000, s5  }
0xd: {  	s7 =	sadd.s32 $0x8000, s5;
	s8 =	sadd.s32 $0xC000, s5;
	s16 =	sshll.u32 s10, $0x7  }
0xe: {  	s17 =	sor.u32 $0x1, s10;
	s9 =	sadd.s32 $0x10000, s5;
	s19 =	smul.u32 $0x280, s10  }
0xf: {  	s15 =	smax.u32 s15, $0x1;
	s16 =	sand.u32 $0x300, s16;
	s18 =	sshll.u32 s17, $0x7  }
0x10: {  	s17 =	smul.u32 $0x280, s17;
	s14 =	sadd.s32 $0x40A00, s14;
	s16 =	sor.u32 s29, s16  }
0x11: {  	s30 =	sand.u32 $0x380, s18;
	s11 =	sadd.s32 s13, s19;
	s19 =	simm.s32 $0x80  }
0x12: {  	s16 =	sshrl.u32 s16, $0x3;
	s18 =	sor.u32 s29, s30;
	s13 =	sadd.s32 s13, s17  }
0x13: {  	s17 =	simm.s32 $0x3;
	s10 =	sadd.s32 s12, s16;
	s31 =	sshrl.u32 s18, $0x3  }
0x14: {  	v0 =	vimm.f32 $0.0e+00;
	s16 =	simm.s32 $0x2800;
	s18 =	simm.s32 $0x6800;
	s12 =	sadd.s32 s12, s31  }
.LBB2_1:
0x15: {  	s24 =	simm.s32 $0x0;
	s25 =	simm.s32 $0x200  }
.LBB2_2:
0x16: {  	p0 =	sne.s32 s25, $0xFE00;
	[tilespmem:s24+$0x6870] =	vst v0  }
0x17: {  	[tilespmem:s24+$0x2800] =	vst v0  }
0x18: {  	[tilespmem:s24+$0x2810] =	vst v0  }
0x19: {  	[tilespmem:s24+$0x2820] =	vst v0  }
0x1a: {  	[tilespmem:s24+$0x2830] =	vst v0  }
0x1b: {  	[tilespmem:s24+$0x2840] =	vst v0  }
0x1c: {  	[tilespmem:s24+$0x2850] =	vst v0  }
0x1d: {  	[tilespmem:s24+$0x2860] =	vst v0  }
0x1e: {  	[tilespmem:s24+$0x2870] =	vst v0  }
0x1f: {  	[tilespmem:s24+$0x6800] =	vst v0  }
0x20: {  	[tilespmem:s24+$0x6810] =	vst v0  }
.Ltmp0:
0x21: {  	[tilespmem:s24+$0x6820] =	vst v0;
	(pc) =	sbr.rel @p0 .LBB2_2-.Ltmp0, $4  }
0x22: {  	[tilespmem:s24+$0x6830] =	vst v0  }
0x23: {  	[tilespmem:s24+$0x6840] =	vst v0  }
0x24: {  	[tilespmem:s24+$0x6850] =	vst v0  }
0x25: {  	[tilespmem:s24+$0x6860] =	vst v0;
	s24 =	sshra.s32 s25, $0x2;
	s25 =	sadd.s32 $0x200, s25  }
0x26: {  	[tilespmem:s24+$0x6870] =	vst v0  }
0x27: {  	[tilespmem:s24+$0x2800] =	vst v0  }
0x28: {  	[tilespmem:s24+$0x2810] =	vst v0  }
0x29: {  	[tilespmem:s24+$0x2820] =	vst v0  }
0x2a: {  	[tilespmem:s24+$0x2830] =	vst v0  }
0x2b: {  	[tilespmem:s24+$0x2840] =	vst v0  }
0x2c: {  	[tilespmem:s24+$0x2850] =	vst v0  }
0x2d: {  	[tilespmem:s24+$0x2860] =	vst v0  }
0x2e: {  	[tilespmem:s24+$0x2870] =	vst v0  }
0x2f: {  	[tilespmem:s24+$0x6800] =	vst v0  }
0x30: {  	[tilespmem:s24+$0x6810] =	vst v0  }
0x31: {  	[tilespmem:s24+$0x6820] =	vst v0  }
0x32: {  	[tilespmem:s24+$0x6830] =	vst v0  }
0x33: {  	[tilespmem:s24+$0x6840] =	vst v0  }
0x34: {  	[tilespmem:s24+$0x6850] =	vst v0  }
0x35: {  	[tilespmem:s24+$0x6860] =	vst v0  }
0x36: {  	[spmem:s5] =	stream.linear.scatter [tilespmem:s16], [sflag:$0x3], $0x4000, $0x38;
	[tilespmem:$0x1E800] =	vst v63  }
0x37: {  	_ =	swait.ge [sflag:s17], $0x4000  }
0x38: {  	[sflag:s17] =	ssyncset.done $0x0  }
0x39: {  	[sflag:s17] =	ssyncadd.s32 $0xFFFFC000  }
0x3a: {  	[spmem:s6] =	stream.linear.scatter [tilespmem:s18], [sflag:$0x3], $0x4000, $0x38;
	[tilespmem:$0x1E800] =	vst v63  }
0x3b: {  	_ =	swait.ge [sflag:s17], $0x4000  }
0x3c: {  	[sflag:s17] =	ssyncset.done $0x0  }
0x3d: {  	[sflag:s17] =	ssyncadd.s32 $0xFFFFC000  }
0x3e: {  	[spmem:s7] =	stream.linear.scatter [tilespmem:s16], [sflag:$0x3], $0x4000, $0x38;
	[tilespmem:$0x1E800] =	vst v63  }
0x3f: {  	_ =	swait.ge [sflag:s17], $0x4000  }
0x40: {  	[sflag:s17] =	ssyncset.done $0x0  }
0x41: {  	[sflag:s17] =	ssyncadd.s32 $0xFFFFC000  }
0x42: {  	[spmem:s8] =	stream.linear.scatter [tilespmem:s18], [sflag:$0x3], $0x4000, $0x38;
	[tilespmem:$0x1E800] =	vst v63  }
0x43: {  	_ =	swait.ge [sflag:s17], $0x4000  }
0x44: {  	[sflag:s17] =	ssyncset.done $0x0  }
0x45: {  	[sflag:s17] =	ssyncadd.s32 $0xFFFFC000  }
0x46: {  	[spmem:s9] =	stream.linear.scatter [tilespmem:s16], [sflag:$0x3], $0x4000, $0x38;
	[tilespmem:$0x1E800] =	vst v63  }
0x47: {  	_ =	swait.ge [sflag:s17], $0x4000  }
0x48: {  	[sflag:s17] =	ssyncset.done $0x0  }
0x49: {  	[sflag:s17] =	ssyncadd.s32 $0xFFFFC000  }
0x4a: {  	s26 =	simm.s32 $0x0;
	[bflag:$0x0] =	sbarrier.arrive $0xFFFF  }
0x4b: {  	[tilespmem:s26], [sflag:$0x3] =	stream.strided.gather [hbm4b:s10+s19], $0x1400, s20, s19, $0x38;
	[tilespmem:$0x1E800] =	vst v63  }
0x4c: {  	_ =	swait.ge [sflag:s17], $0x1400  }
0x4d: {  	[sflag:s17] =	ssyncset.done $0x0  }
0x4e: {  	[sflag:s17] =	ssyncadd.s32 $0xFFFFEC00  }
0x4f: {  	[tilespmem:s21], [sflag:$0x3] =	stream.linear.gather [hbm4b:s11+s26], $0x1400, $0x38;
	[tilespmem:$0x1E800] =	vst v63  }
0x50: {  	_ =	swait.ge [sflag:s17], $0x1400  }
0x51: {  	[sflag:s17] =	ssyncset.done $0x0  }
0x52: {  	s28 =	simm.s32 $0x0;
	[sflag:s17] =	ssyncadd.s32 $0xFFFFEC00  }
0x53: {  	[tilespmem:s16], [sflag:$0x1] =	stream.indirect.gather [hbm4b:s4+s19], $0x80, s28, s19, $0xb8;
	[tilespmem:$0x1E800] =	vst v63  }
0x54: {  	s29 =	simm.s32 $0x80  }
0x55: {  	[tilespmem:s18], [sflag:$0x1] =	stream.indirect.gather [hbm4b:s4+s19], $0x80, s29, s19, $0xb8;
	[tilespmem:$0x1E800] =	vst v63  }
0x56: {  	_ =	swait.ge [sflag:s22], $0x4000  }
0x57: {  	[sflag:s22] =	ssyncset.done $0x0  }
0x58: {  	[sflag:s22] =	ssyncadd.s32 $0xFFFFC000  }
0x59: {  	_ =	swait.ge [sflag:s22], $0x4000  }
0x5a: {  	[sflag:s22] =	ssyncset.done $0x0  }
0x5b: {  	s30 =	simm.s32 $0x1400;
	[sflag:s22] =	ssyncadd.s32 $0xFFFFC000  }
0x5c: {  	[spmem:s2] =	stream.indirect.scatter.add.f32 [tilespmem:s16], [sflag:$0x2], $0x80, s30, s19, $0xb8;
	[tilespmem:$0x1E800] =	vst v63  }
0x5d: {  	s31 =	simm.s32 $0x1480  }
0x5e: {  	[spmem:s2] =	stream.indirect.scatter.add.f32 [tilespmem:s18], [sflag:$0x2], $0x80, s31, s19, $0xb8;
	[tilespmem:$0x1E800] =	vst v63  }
0x5f: {  	_ =	swait.ge [sflag:s23], $0x4000  }
0x60: {  	[sflag:s23] =	ssyncset.done $0x0  }
0x61: {  	[sflag:s23] =	ssyncadd.s32 $0xFFFFC000  }
0x62: {  	_ =	swait.ge [sflag:s23], $0x4000  }
0x63: {  	s24 =	simm.s32 $0x400;
	s25 =	simm.s32 $0x800;
	[sflag:s23] =	ssyncset.done $0x0  }
.LBB2_4:
0x64: {  	s26 =	sshra.s32 s24, $0x2  }
0x65: {  	[sflag:s23] =	ssyncadd.s32 $0xFFFFC000;
	s24 =	smov.u32 s25;
	s28 =	sadd.s32 $0x400, s25  }
0x66: {  	[tilespmem:s16], [sflag:$0x1] =	stream.indirect.gather [hbm4b:s4+s19], $0x80, s26, s19, $0xb8;
	[tilespmem:$0x1E800] =	vst v63  }
0x67: {  	p0 =	sne.s32 s25, $0x4C00;
	s25 =	sadd.s32 $0x80, s26  }
0x68: {  	[tilespmem:s18], [sflag:$0x1] =	stream.indirect.gather [hbm4b:s4+s19], $0x80, s25, s19, $0xb8;
	[tilespmem:$0x1E800] =	vst v63  }
0x69: {  	_ =	swait.ge [sflag:s22], $0x4000  }
0x6a: {  	[sflag:s22] =	ssyncset.done $0x0  }
0x6b: {  	[sflag:s22] =	ssyncadd.s32 $0xFFFFC000  }
0x6c: {  	_ =	swait.ge [sflag:s22], $0x4000  }
0x6d: {  	[sflag:s22] =	ssyncset.done $0x0  }
0x6e: {  	s25 =	sadd.s32 $0x1400, s26;
	[sflag:s22] =	ssyncadd.s32 $0xFFFFC000  }
0x6f: {  	[spmem:s2] =	stream.indirect.scatter.add.f32 [tilespmem:s16], [sflag:$0x2], $0x80, s25, s19, $0xb8;
	[tilespmem:$0x1E800] =	vst v63  }
0x70: {  	s25 =	sadd.s32 $0x1480, s26  }
0x71: {  	[spmem:s2] =	stream.indirect.scatter.add.f32 [tilespmem:s18], [sflag:$0x2], $0x80, s25, s19, $0xb8;
	[tilespmem:$0x1E800] =	vst v63  }
.Ltmp1:
0x72: {  	_ =	swait.ge [sflag:s23], $0x4000;
	(pc) =	sbr.rel @p0 .LBB2_4-.Ltmp1, $4  }
0x73: {  	[sflag:s23] =	ssyncset.done $0x0  }
0x74: {  	[sflag:s23] =	ssyncadd.s32 $0xFFFFC000  }
0x75: {  	_ =	swait.ge [sflag:s23], $0x4000  }
0x76: {  	s25 =	smov.u32 s28;
	[sflag:s23] =	ssyncset.done $0x0  }
0x77: {  	s24 =	sshra.s32 s24, $0x2;
	[sflag:s23] =	ssyncadd.s32 $0xFFFFC000  }
0x78: {  	[tilespmem:s16], [sflag:$0x1] =	stream.indirect.gather [hbm4b:s4+s19], $0x80, s24, s19, $0xb8;
	[tilespmem:$0x1E800] =	vst v63  }
0x79: {  	s25 =	sadd.s32 $0x80, s24  }
0x7a: {  	[tilespmem:s18], [sflag:$0x1] =	stream.indirect.gather [hbm4b:s4+s19], $0x80, s25, s19, $0xb8;
	[tilespmem:$0x1E800] =	vst v63  }
0x7b: {  	_ =	swait.ge [sflag:s22], $0x4000  }
0x7c: {  	[sflag:s22] =	ssyncset.done $0x0  }
0x7d: {  	[sflag:s22] =	ssyncadd.s32 $0xFFFFC000  }
0x7e: {  	_ =	swait.ge [sflag:s22], $0x4000  }
0x7f: {  	[sflag:s22] =	ssyncset.done $0x0  }
0x80: {  	s31 =	sadd.s32 $0x1400, s24;
	[sflag:s22] =	ssyncadd.s32 $0xFFFFC000  }
0x81: {  	[spmem:s2] =	stream.indirect.scatter.add.f32 [tilespmem:s16], [sflag:$0x2], $0x80, s31, s19, $0xb8;
	[tilespmem:$0x1E800] =	vst v63  }
0x82: {  	s24 =	sadd.s32 $0x1480, s24  }
0x83: {  	[spmem:s2] =	stream.indirect.scatter.add.f32 [tilespmem:s18], [sflag:$0x2], $0x80, s24, s19, $0xb8;
	[tilespmem:$0x1E800] =	vst v63  }
0x84: {  	_ =	swait.ge [sflag:s23], $0x4000  }
0x85: {  	[sflag:s23] =	ssyncset.done $0x0  }
0x86: {  	[sflag:s23] =	ssyncadd.s32 $0xFFFFC000  }
0x87: {  	_ =	swait.ge [sflag:s23], $0x4000  }
0x88: {  	[sflag:s23] =	ssyncset.done $0x0  }
0x89: {  	s26 =	simm.s32 $0x0;
	[sflag:s23] =	ssyncadd.s32 $0xFFFFC000  }
0x8a: {  	[tilespmem:s26], [sflag:$0x3] =	stream.strided.gather [hbm4b:s12+s19], $0x1400, s20, s19, $0x38;
	[tilespmem:$0x1E800] =	vst v63  }
0x8b: {  	_ =	swait.ge [sflag:s17], $0x1400  }
0x8c: {  	[sflag:s17] =	ssyncset.done $0x0  }
0x8d: {  	[sflag:s17] =	ssyncadd.s32 $0xFFFFEC00  }
0x8e: {  	[tilespmem:s21], [sflag:$0x3] =	stream.linear.gather [hbm4b:s13+s26], $0x1400, $0x38;
	[tilespmem:$0x1E800] =	vst v63  }
0x8f: {  	_ =	swait.ge [sflag:s17], $0x1400  }
0x90: {  	[sflag:s17] =	ssyncset.done $0x0  }
0x91: {  	s28 =	simm.s32 $0x0;
	[sflag:s17] =	ssyncadd.s32 $0xFFFFEC00  }
0x92: {  	[tilespmem:s16], [sflag:$0x1] =	stream.indirect.gather [hbm4b:s4+s19], $0x80, s28, s19, $0xb8;
	[tilespmem:$0x1E800] =	vst v63  }
0x93: {  	s29 =	simm.s32 $0x80  }
0x94: {  	[tilespmem:s18], [sflag:$0x1] =	stream.indirect.gather [hbm4b:s4+s19], $0x80, s29, s19, $0xb8;
	[tilespmem:$0x1E800] =	vst v63  }
0x95: {  	_ =	swait.ge [sflag:s22], $0x4000  }
0x96: {  	[sflag:s22] =	ssyncset.done $0x0  }
0x97: {  	[sflag:s22] =	ssyncadd.s32 $0xFFFFC000  }
0x98: {  	_ =	swait.ge [sflag:s22], $0x4000  }
0x99: {  	[sflag:s22] =	ssyncset.done $0x0  }
0x9a: {  	s30 =	simm.s32 $0x1400;
	[sflag:s22] =	ssyncadd.s32 $0xFFFFC000  }
0x9b: {  	[spmem:s2] =	stream.indirect.scatter.add.f32 [tilespmem:s16], [sflag:$0x2], $0x80, s30, s19, $0xb8;
	[tilespmem:$0x1E800] =	vst v63  }
0x9c: {  	s31 =	simm.s32 $0x1480  }
0x9d: {  	[spmem:s2] =	stream.indirect.scatter.add.f32 [tilespmem:s18], [sflag:$0x2], $0x80, s31, s19, $0xb8;
	[tilespmem:$0x1E800] =	vst v63  }
0x9e: {  	_ =	swait.ge [sflag:s23], $0x4000  }
0x9f: {  	[sflag:s23] =	ssyncset.done $0x0  }
0xa0: {  	[sflag:s23] =	ssyncadd.s32 $0xFFFFC000  }
0xa1: {  	_ =	swait.ge [sflag:s23], $0x4000  }
0xa2: {  	s25 =	simm.s32 $0x800;
	s24 =	simm.s32 $0x400;
	[sflag:s23] =	ssyncset.done $0x0  }
.LBB2_6:
0xa3: {  	s26 =	sshra.s32 s24, $0x2  }
0xa4: {  	[sflag:s23] =	ssyncadd.s32 $0xFFFFC000;
	s24 =	smov.u32 s25;
	s28 =	sadd.s32 $0x400, s25  }
0xa5: {  	[tilespmem:s16], [sflag:$0x1] =	stream.indirect.gather [hbm4b:s4+s19], $0x80, s26, s19, $0xb8;
	[tilespmem:$0x1E800] =	vst v63  }
0xa6: {  	p0 =	sne.s32 s25, $0x4C00;
	s25 =	sadd.s32 $0x80, s26  }
0xa7: {  	[tilespmem:s18], [sflag:$0x1] =	stream.indirect.gather [hbm4b:s4+s19], $0x80, s25, s19, $0xb8;
	[tilespmem:$0x1E800] =	vst v63  }
0xa8: {  	_ =	swait.ge [sflag:s22], $0x4000  }
0xa9: {  	[sflag:s22] =	ssyncset.done $0x0  }
0xaa: {  	[sflag:s22] =	ssyncadd.s32 $0xFFFFC000  }
0xab: {  	_ =	swait.ge [sflag:s22], $0x4000  }
0xac: {  	[sflag:s22] =	ssyncset.done $0x0  }
0xad: {  	s25 =	sadd.s32 $0x1400, s26;
	[sflag:s22] =	ssyncadd.s32 $0xFFFFC000  }
0xae: {  	[spmem:s2] =	stream.indirect.scatter.add.f32 [tilespmem:s16], [sflag:$0x2], $0x80, s25, s19, $0xb8;
	[tilespmem:$0x1E800] =	vst v63  }
0xaf: {  	s25 =	sadd.s32 $0x1480, s26  }
0xb0: {  	[spmem:s2] =	stream.indirect.scatter.add.f32 [tilespmem:s18], [sflag:$0x2], $0x80, s25, s19, $0xb8;
	[tilespmem:$0x1E800] =	vst v63  }
.Ltmp2:
0xb1: {  	_ =	swait.ge [sflag:s23], $0x4000;
	(pc) =	sbr.rel @p0 .LBB2_6-.Ltmp2, $4  }
0xb2: {  	[sflag:s23] =	ssyncset.done $0x0  }
0xb3: {  	[sflag:s23] =	ssyncadd.s32 $0xFFFFC000  }
0xb4: {  	_ =	swait.ge [sflag:s23], $0x4000  }
0xb5: {  	s25 =	smov.u32 s28;
	[sflag:s23] =	ssyncset.done $0x0  }
0xb6: {  	s24 =	sshra.s32 s24, $0x2;
	[sflag:s23] =	ssyncadd.s32 $0xFFFFC000  }
0xb7: {  	[tilespmem:s16], [sflag:$0x1] =	stream.indirect.gather [hbm4b:s4+s19], $0x80, s24, s19, $0xb8;
	[tilespmem:$0x1E800] =	vst v63  }
0xb8: {  	s25 =	sadd.s32 $0x80, s24  }
0xb9: {  	[tilespmem:s18], [sflag:$0x1] =	stream.indirect.gather [hbm4b:s4+s19], $0x80, s25, s19, $0xb8;
	[tilespmem:$0x1E800] =	vst v63  }
0xba: {  	_ =	swait.ge [sflag:s22], $0x4000  }
0xbb: {  	[sflag:s22] =	ssyncset.done $0x0  }
0xbc: {  	[sflag:s22] =	ssyncadd.s32 $0xFFFFC000  }
0xbd: {  	_ =	swait.ge [sflag:s22], $0x4000  }
0xbe: {  	[sflag:s22] =	ssyncset.done $0x0  }
0xbf: {  	s29 =	sadd.s32 $0x1400, s24;
	[sflag:s22] =	ssyncadd.s32 $0xFFFFC000  }
0xc0: {  	[spmem:s2] =	stream.indirect.scatter.add.f32 [tilespmem:s16], [sflag:$0x2], $0x80, s29, s19, $0xb8;
	[tilespmem:$0x1E800] =	vst v63  }
0xc1: {  	s24 =	sadd.s32 $0x1480, s24  }
0xc2: {  	[spmem:s2] =	stream.indirect.scatter.add.f32 [tilespmem:s18], [sflag:$0x2], $0x80, s24, s19, $0xb8;
	[tilespmem:$0x1E800] =	vst v63  }
0xc3: {  	_ =	swait.ge [sflag:s23], $0x4000  }
0xc4: {  	[sflag:s23] =	ssyncset.done $0x0  }
0xc5: {  	[sflag:s23] =	ssyncadd.s32 $0xFFFFC000  }
0xc6: {  	_ =	swait.ge [sflag:s23], $0x4000  }
0xc7: {  	s30 =	sshll.u32 s1, $0x6;
	s3 =	sadd.s32 $0x1, s3;
	[sflag:s23] =	ssyncset.done $0x0  }
0xc8: {  	s31 =	sshrl.u32 s5, $0x3;
	p0 =	sne.s32 s3, s15;
	[sflag:s23] =	ssyncadd.s32 $0xFFFFC000  }
.Ltmp3:
0xc9: {  	s24 =	sor.u32 $0x1C03, s30;
	[bflag:$0x0] =	sbarrier.arrive $0xFFFF;
	(pc) =	sbr.rel @p0 .LBB2_1-.Ltmp3, $4  }
0xca: {  	[hbm:s14], [sflag:s24] =	dma.local [spmem:s31], $0x2800  }
0xcb: {  	_ =	swait.ge [sflag:s17], $0x2800  }
0xcc: {  	[sflag:s17] =	ssyncset.done $0x0  }
0xcd: {  	[sflag:s17] =	ssyncadd.s32 $0xFFFFD800  }
0xce: {  	_ =	sfence.sel $0x180000  }
0xcf: {  	[bflag:$0x0] =	sbarrier.arrive $0xFFFF  }
0xd0: {  	p0 =	sne.s32 s1, $0x0;
	_ =	strace $0x9000004A  }
0xd1: {  	s0 =	sadd.s32 @!p0 $0x100000, s0;
	[bflag:$0x2] =	sbarrier.arrive $0xFFFF  }
0xd2: {  	[sflag:s0] =	ssyncadd.tile.s32 @!p0 $0x1;
	_ =	shalt  }
.Lfunc_end2:
_tile_overlayer_lowered:
.L_overlay_start_2:
0xd3: {  	(tag) =	ssettag $0x2  }
0xd4: {  	s0 =	rddreg [dreg:$0x0];
	s2 =	stileid.u32  }
0xd5: {  	s1 =	rddreg [dreg:$0x1];
	p0 =	sne.s32 s2, $0x0  }
0xd6: {  	s3 =	rddreg [dreg:$0x2];
	[bflag:$0x3] =	sbarrier.arrive $0xFFFF;
	s2 =	simm.s32 @!p0 $0x1C03  }
0xd7: {  	[timem:s3], [sflag:s2] =	dma.local @!p0 [hbm:s0], s1  }
0xd8: {  	s0 =	simm.s32 @!p0 $0x3  }
0xd9: {  	_ =	swait.ge @!p0 [sflag:s0], s1  }
0xda: {  	s1 =	ssub.s32 @!p0 $0x0, s1;
	[sflag:s0] =	ssyncset.done @!p0 $0x0  }
0xdb: {  	[sflag:s0] =	ssyncadd.s32 @!p0 s1  }
0xdc: {  	[bflag:$0x3] =	sbarrier.arrive $0xFFFF  }
0xdd: {  	_ =	shalt  }

// kernel: kernel.20.cloned.1.call-start
scs
__scs_entry_jumppad:
0x0: {  	(pc) =	sbr.rel $0x88, $3  }
0x1: {  	(tag) =	ssettag $0x0;
	lr =	simm.s32 $0x1  }
0x2: {  	[smem:$0x3F84] =	sst lr;
	_ =	strace $0xD0000000  }
0x3: {  	_ = 	snop  }
0x4: {  	_ = 	snop  }
0x5: {  	_ = 	snop  }
0x6: {  	_ = 	snop  }
0x7: {  	_ = 	snop  }
__scs_overlays_trampoline_lowered:
0x8: {  	[smem:$0x3F93] =	sst s0  }
0x9: {  	[smem:$0x3F94] =	sst s1  }
0xa: {  	[smem:$0x3F95] =	sst s2  }
0xb: {  	[smem:$0x3F96] =	sst s3  }
0xc: {  	[smem:$0x3F97] =	sst s4  }
0xd: {  	[smem:$0x3F98] =	sst s5  }
0xe: {  	[smem:$0x3F99] =	sst s6  }
0xf: {  	[smem:$0x3F9A] =	sst s7  }
0x10: {  	[smem:$0x3F9B] =	sst s8  }
0x11: {  	[smem:$0x3F9C] =	sst s9;
	s0 =	simm.s32 @!p0 $0x0  }
0x12: {  	s1 =	sld [smem:$0x3F82];
	s0 =	simm.s32 @p0 $0x1  }
0x13: {  	[smem:$0x3F9D] =	sst s0;
	s0 =	simm.s32 @!p1 $0x0  }
0x14: {  	s2 =	sld [smem:$0x3F81];
	s0 =	simm.s32 @p1 $0x1  }
0x15: {  	[smem:$0x3F9E] =	sst s0;
	s0 =	simm.s32 @!p2 $0x0  }
0x16: {  	s3 =	sld [smem:$0x3FDB];
	s0 =	simm.s32 @p2 $0x1  }
0x17: {  	s4 =	simm.s32 $0x1BF5;
	[smem:$0x3FA0] =	sst s0  }
0x18: {  	s0 =	sld [smem:$0x3F83];
	_ =	swait.ge [sflag:s4], $0x0  }
0x19: {  	s7 =	sld [smem:$0x3F84]  }
0x1a: {  	s8 =	sadd.s32 $0xFFFFE003, lr  }
0x1b: {  	s9 =	sadd.s32 $0xFFFFFEF7, lr;
	s5 =	simm.s32 $0xFFFFFFFF;
	p2 =	slt.u32 s8, $0xFFFFF086  }
0x1c: {  	p1 =	slt.u32 s9, $0xF7A;
	s5 =	simm.s32 @!p2 $0x0  }
0x1d: {  	s5 =	simm.s32 @p1 $0x1;
	p0 =	seq.s32 s7, s2  }
0x1e: {  	s7 =	smul.u32 @!p0 $0xF7A, s2;
	p2 =	seq.s32 @!p0 s5, $0x0  }
0x1f: {  	s9 =	smul.u32 $0xF7A, s1;
	s8 =	simm.s32 @!p0 $0x1BF5;
	p2 =	por !p2, p0  }
0x20: {  	[sflag:s8] =	ssyncset.s32 @!p0 $0xFFFFF086;
	s6 =	sadd.s32 @!p0 s3, s7;
	s7 =	simm.s32 @!p0 $0x108  }
0x21: {  	s3 =	sadd.s32 s3, s9;
	s6 =	sadd.s32 @!p0 $0x88, s6;
	s7 =	simm.s32 @p2 $0x1082  }
0x22: {  	[simem:s7], [sflag:s8] =	dma.local @!p0 [hbm:s6], $0xF7A  }
0x23: {  	s9 =	sor.u32 $0xD0000000, s2;
	s6 =	simm.s32 $0x108;
	_ =	swait.ge @!p0 [sflag:s8], $0x0  }
0x24: {  	s3 =	sadd.s32 $0x88, s3;
	s6 =	simm.s32 @!p1 $0x1082;
	[sflag:s4] =	ssyncset.s32 $0xFFFFF086  }
0x25: {  	[simem:s6], [sflag:s4] =	dma.local [hbm:s3], $0xF7A  }
0x26: {  	[smem:$0x3F84] =	sst s1;
	(tag) =	ssettag s2;
	_ =	strace s9  }
0x27: {  	s1 =	sld [smem:$0x3F94]  }
0x28: {  	s2 =	sld [smem:$0x3F95]  }
0x29: {  	s4 =	sld [smem:$0x3F97]  }
0x2a: {  	p0 =	seq.s32 s5, $0x0;
	s5 =	sld [smem:$0x3F98]  }
0x2b: {  	s6 =	sld [smem:$0x3F99]  }
0x2c: {  	s7 =	sld [smem:$0x3F9A]  }
0x2d: {  	s3 =	simm.s32 $0x108;
	s8 =	sld [smem:$0x3F9B]  }
0x2e: {  	s3 =	simm.s32 @!p0 $0x1082;
	s9 =	sld [smem:$0x3F9C]  }
0x2f: {  	lr =	sadd.s32 s0, s3;
	s0 =	sld [smem:$0x3F93]  }
0x30: {  	s3 =	sld [smem:$0x3F96]  }
0x31: {  	[smem:$0x3F9F] =	sst s10  }
0x32: {  	s10 =	sld [smem:$0x3F9D];
	_ =	sdelay $0x3  }
0x33: {  	p0 =	seq.s32 s10, $0x1;
	s10 =	sld [smem:$0x3F9F];
	_ =	sdelay $0x3  }
0x34: {  	[smem:$0x3F9F] =	sst s10  }
0x35: {  	s10 =	sld [smem:$0x3F9E];
	_ =	sdelay $0x3  }
0x36: {  	p1 =	seq.s32 s10, $0x1;
	s10 =	sld [smem:$0x3F9F];
	_ =	sdelay $0x3  }
0x37: {  	[smem:$0x3F9F] =	sst s10  }
0x38: {  	s10 =	sld [smem:$0x3FA0]  }
0x39: {  	_ = 	snop;
	(pc) =	sbr.ind lr, $3  }
0x3a: {  	_ = 	snop  }
0x3b: {  	_ = 	snop  }
0x3c: {  	p2 =	seq.s32 s10, $0x1;
	s10 =	sld [smem:$0x3F9F]  }
0x3d: {  	_ =	shalt  }
0x3e: {  	_ =	shalt  }
0x3f: {  	_ =	shalt  }
0x40: {  	_ =	shalt  }
0x41: {  	_ =	shalt  }
0x42: {  	_ =	shalt  }
0x43: {  	_ =	shalt  }
0x44: {  	_ =	shalt  }
0x45: {  	_ =	shalt  }
0x46: {  	_ =	shalt  }
0x47: {  	_ =	shalt  }
0x48: {  	_ =	shalt  }
0x49: {  	_ =	shalt  }
0x4a: {  	_ =	shalt  }
0x4b: {  	_ =	shalt  }
0x4c: {  	_ =	shalt  }
0x4d: {  	_ =	shalt  }
0x4e: {  	_ =	shalt  }
0x4f: {  	_ =	shalt  }
0x50: {  	_ =	shalt  }
0x51: {  	_ =	shalt  }
0x52: {  	_ =	shalt  }
0x53: {  	_ =	shalt  }
0x54: {  	_ =	shalt  }
0x55: {  	_ =	shalt  }
0x56: {  	_ =	shalt  }
0x57: {  	_ =	shalt  }
0x58: {  	_ =	shalt  }
0x59: {  	_ =	shalt  }
0x5a: {  	_ =	shalt  }
0x5b: {  	_ =	shalt  }
0x5c: {  	_ =	shalt  }
0x5d: {  	_ =	shalt  }
0x5e: {  	_ =	shalt  }
0x5f: {  	_ =	shalt  }
0x60: {  	_ =	shalt  }
0x61: {  	_ =	shalt  }
0x62: {  	_ =	shalt  }
0x63: {  	_ =	shalt  }
0x64: {  	_ =	shalt  }
0x65: {  	_ =	shalt  }
0x66: {  	_ =	shalt  }
0x67: {  	_ =	shalt  }
0x68: {  	_ =	shalt  }
0x69: {  	_ =	shalt  }
0x6a: {  	_ =	shalt  }
0x6b: {  	_ =	shalt  }
0x6c: {  	_ =	shalt  }
0x6d: {  	_ =	shalt  }
0x6e: {  	_ =	shalt  }
0x6f: {  	_ =	shalt  }
0x70: {  	_ =	shalt  }
0x71: {  	_ =	shalt  }
0x72: {  	_ =	shalt  }
0x73: {  	_ =	shalt  }
0x74: {  	_ =	shalt  }
0x75: {  	_ =	shalt  }
0x76: {  	_ =	shalt  }
0x77: {  	_ =	shalt  }
0x78: {  	_ =	shalt  }
0x79: {  	_ =	shalt  }
0x7a: {  	_ =	shalt  }
0x7b: {  	_ =	shalt  }
0x7c: {  	_ =	shalt  }
0x7d: {  	_ =	shalt  }
0x7e: {  	_ =	shalt  }
0x7f: {  	_ =	shalt  }
0x80: {  	_ =	shalt  }
0x81: {  	_ =	shalt  }
0x82: {  	_ =	shalt  }
0x83: {  	_ =	shalt  }
0x84: {  	_ =	shalt  }
0x85: {  	_ =	shalt  }
0x86: {  	_ =	shalt  }
0x87: {  	_ =	shalt  }
.Lfunc_end0:
.L_simem_size_0:
called_computation.2_lowered:
.L_overlay_start_0:
0x88: {  	s2 =	sld [smem:$0x3FD9]  }
0x89: {  	s3 =	sld [smem:$0x3FFE];
	_ =	sdelay $0x1  }
0x8a: {  	s1 =	srdreg.scid  }
0x8b: {  	s0 =	sand.u32 $0x1, s1  }
0x8c: {  	s16 =	sshll.u32 s0, $0xA;
	s2 =	sadd.s32 s3, s2  }
0x8d: {  	s2 =	sadd.s32 s2, s16  }
0x8e: {  	[smem:$0x3FAB] =	sst s2  }
0x8f: {  	_ = 	snop  }
0x90: {  	(tm) =	ssettm $0x1  }
0x91: {  	s17 =	sld [smem:$0x3FFB];
	_ =	sdelay $0x3  }
0x92: {  	_ =	strace s17  }
0x93: {  	s2 =	sld [smem:$0x3FFC];
	_ =	sdelay $0x3  }
0x94: {  	_ =	strace s2  }
0x95: {  	s2 =	sld [smem:$0x3FFD];
	_ =	sdelay $0x3  }
0x96: {  	_ =	strace s2  }
0x97: {  	_ =	strace $0x8FFFFFFF  }
0x98: {  	s18 =	sld [smem:$0x3FDB];
	_ =	sdelay $0x1  }
0x99: {  	s19 =	simm.s32 $_scs_section_size  }
0x9a: {  	s4 =	simm.s32 $_size__tile_overlayer_lowered;
	s5 =	simm.s32 $_tile_overlayer_lowered  }
0x9b: {  	s22 =	simm.s32 $0x1BFF;
	s21 =	sshll.u32 s5, $0x1;
	s2 =	sadd.s32 s19, s18  }
0x9c: {  	s6 =	simm.s32 $0x0;
	s20 =	sshll.u32 s4, $0x1;
	s4 =	sadd.s32 s21, s2  }
0x9d: {  	[timem:s6], [sflag:s22] =	dma.local [hbm:s4], s20  }
0x9e: {  	_ =	swait.ge [sflag:s22], s20  }
0x9f: {  	s3 =	ssub.s32 $0x0, s20;
	[sflag:s22] =	ssyncset.done $0x0  }
0xa0: {  	[sflag:s22] =	ssyncadd.s32 s3;
	_ =	sdelay $0x1  }
0xa1: {  	s23 =	simm.s32 $0x1B8B  }
0xa2: {  	_ =	swait.ge [sflag:s23], $0x1  }
0xa3: {  	[sflag:s23] =	ssyncset.done $0x0  }
0xa4: {  	s25 =	simm.s32 $0x1B8E;
	s24 =	sld [smem:$0x3FFE];
	[sflag:s23] =	ssyncadd.s32 $0xFFFFFFFF  }
0xa5: {  	s26 =	simm.s32 $execute0_lowered;
	[smem:$0x3FD2] =	sst s25  }
0xa6: {  	s4 =	sshll.u32 s26, $0x1;
	_ =	strace $0x8000004C;
	[dreg:$0x1] =	wrdreg $0xFFFFFFFF  }
0xa7: {  	s28 =	simm.s32 $_size_execute0_lowered;
	s2 =	sadd.s32 s2, s4;
	[dreg:$0x0] =	wrdreg $0x0  }
0xa8: {  	s4 =	sshll.u32 s28, $0x1;
	[dreg:$0x2] =	wrdreg s2  }
0xa9: {  	[dreg:$0x3] =	wrdreg s4  }
0xaa: {  	[dreg:$0x4] =	wrdreg $0xC0  }
0xab: {  	_ =	task [dreg:s6], $0x5FFFF  }
0xac: {  	[dreg:$0x1] =	wrdreg $0xFFFFFFFF  }
0xad: {  	[dreg:$0x0] =	wrdreg $0x60  }
0xae: {  	[dreg:$0x2] =	wrdreg s24  }
0xaf: {  	[dreg:$0x3] =	wrdreg $0xA8000  }
0xb0: {  	[dreg:$0x4] =	wrdreg $0x9  }
0xb1: {  	_ =	task.clear_ibuf [dreg:s6], $0x5FFFF;
	_ =	strace $0x9000004C  }
0xb2: {  	s29 =	simm.s32 $0x9;
	_ =	strace $0x8000004E  }
0xb3: {  	_ =	swait.ge [sflag:s29], $0x1  }
0xb4: {  	[sflag:s29] =	ssyncadd.s32 $0xFFFFFFFF  }
0xb5: {  	_ =	strace $0x9000004E  }
0xb6: {  	_ =	sfence  }
0xb7: {  	s30 =	sld [smem:$0x0];
	_ =	sdelay $0x2  }
0xb8: {  	s31 =	sshll.u32 s1, $0xD;
	s1 =	sshrl.u32 s1, $0x2  }
0xb9: {  	s3 =	sand.u32 $0x4000, s31;
	s1 =	sadd.s32 s1, s30  }
0xba: {  	s0 =	sor.u32 s3, s0;
	s1 =	sshll.u32 s1, $0x11  }
0xbb: {  	s0 =	sor.u32 s1, s0  }
0xbc: {  	s0 =	sadd.s32 $0x8F2B, s0  }
0xbd: {  	[sflag:s0] =	ssyncadd.remote.s32 $0x1  }
0xbe: {  	_ =	sfence.sel $0xFFFF  }
0xbf: {  	[dreg:$0x0] =	wrdreg $0xFFFFFFFF;
	(pc) =	sbr.abs _section_cstart, $3  }
0xc0: {  	[dreg:$0x1] =	wrdreg $0xFFFFFFFF  }
0xc1: {  	_ =	task.clear_ibuf [dreg:s6], $0x2FFFF;
	_ =	strace $0x9FFFFFFF  }
0xc2: {  	(tm) =	ssettm $0x7FFFFFFF  }
0xc3: {  	_ =	shalt  }
tec
execute0_lowered:
.L_overlay_start_1:
0x0: {  	(tag) =	ssettag $0x1  }
0x1: {  	s6 =	rddreg [dreg:$0x0]  }
0x2: {  	s2 =	rddreg [dreg:$0x1]  }
0x3: {  	s0 =	rddreg [dreg:$0x2];
	s3 =	simm.s32 $0x0;
	s1 =	stileid.u32  }
0x4: {  	s4 =	srdreg.scid;
	s20 =	simm.s32 $0x400;
	s21 =	simm.s32 $0x1400  }
0x5: {  	s22 =	simm.s32 $0x1;
	s23 =	simm.s32 $0x2;
	s5 =	smul.u32 $0x2800, s1  }
0x6: {  	[smem:$0x7FF] =	sst s3;
	s8 =	sand.u32 $0x1, s4;
	s7 =	smul.u32 $0x50000, s1  }
0x7: {  	s4 =	sadd.s32 $0x19800, s6;
	s12 =	sadd.s32 $0xF800, s6;
	s13 =	sadd.s32 $0x5800, s6  }
0x8: {  	s25 =	sshll.u32 s1, $0x2;
	s28 =	sshrl.u32 s1, $0x1;
	_ =	strace $0x8000004D  }
0x9: {  	s9 =	smul.u32 $0x28000, s8;
	s10 =	ssub.s32 $0x2, s8;
	s26 =	sshll.u32 s8, $0x1  }
0xa: {  	s29 =	smul.u32 $0xA000, s28;
	s7 =	sshrl.u32 s7, $0x2;
	s11 =	sshrl.u32 s10, $0x1  }
0xb: {  	s9 =	sadd.s32 s5, s9;
	s5 =	sadd.s32 s7, s2;
	s15 =	ssub.s32 s10, s11  }
0xc: {  	s10 =	sor.u32 s26, s25;
	s14 =	sadd.s32 s9, s6;
	s6 =	sadd.s32 $0x4000, s5  }
0xd: {  	s7 =	sadd.s32 $0x8000, s5;
	s8 =	sadd.s32 $0xC000, s5;
	s16 =	sshll.u32 s10, $0x7  }
0xe: {  	s17 =	sor.u32 $0x1, s10;
	s9 =	sadd.s32 $0x10000, s5;
	s19 =	smul.u32 $0x280, s10  }
0xf: {  	s15 =	smax.u32 s15, $0x1;
	s16 =	sand.u32 $0x300, s16;
	s18 =	sshll.u32 s17, $0x7  }
0x10: {  	s17 =	smul.u32 $0x280, s17;
	s14 =	sadd.s32 $0x40A00, s14;
	s16 =	sor.u32 s29, s16  }
0x11: {  	s30 =	sand.u32 $0x380, s18;
	s11 =	sadd.s32 s13, s19;
	s19 =	simm.s32 $0x80  }
0x12: {  	s16 =	sshrl.u32 s16, $0x3;
	s18 =	sor.u32 s29, s30;
	s13 =	sadd.s32 s13, s17  }
0x13: {  	s17 =	simm.s32 $0x3;
	s10 =	sadd.s32 s12, s16;
	s31 =	sshrl.u32 s18, $0x3  }
0x14: {  	v0 =	vimm.f32 $0.0e+00;
	s16 =	simm.s32 $0x2800;
	s18 =	simm.s32 $0x6800;
	s12 =	sadd.s32 s12, s31  }
.LBB2_1:
0x15: {  	s24 =	simm.s32 $0x0;
	s25 =	simm.s32 $0x200  }
.LBB2_2:
0x16: {  	p0 =	sne.s32 s25, $0xFE00;
	[tilespmem:s24+$0x6870] =	vst v0  }
0x17: {  	[tilespmem:s24+$0x2800] =	vst v0  }
0x18: {  	[tilespmem:s24+$0x2810] =	vst v0  }
0x19: {  	[tilespmem:s24+$0x2820] =	vst v0  }
0x1a: {  	[tilespmem:s24+$0x2830] =	vst v0  }
0x1b: {  	[tilespmem:s24+$0x2840] =	vst v0  }
0x1c: {  	[tilespmem:s24+$0x2850] =	vst v0  }
0x1d: {  	[tilespmem:s24+$0x2860] =	vst v0  }
0x1e: {  	[tilespmem:s24+$0x2870] =	vst v0  }
0x1f: {  	[tilespmem:s24+$0x6800] =	vst v0  }
0x20: {  	[tilespmem:s24+$0x6810] =	vst v0  }
.Ltmp0:
0x21: {  	[tilespmem:s24+$0x6820] =	vst v0;
	(pc) =	sbr.rel @p0 .LBB2_2-.Ltmp0, $4  }
0x22: {  	[tilespmem:s24+$0x6830] =	vst v0  }
0x23: {  	[tilespmem:s24+$0x6840] =	vst v0  }
0x24: {  	[tilespmem:s24+$0x6850] =	vst v0  }
0x25: {  	[tilespmem:s24+$0x6860] =	vst v0;
	s24 =	sshra.s32 s25, $0x2;
	s25 =	sadd.s32 $0x200, s25  }
0x26: {  	[tilespmem:s24+$0x6870] =	vst v0  }
0x27: {  	[tilespmem:s24+$0x2800] =	vst v0  }
0x28: {  	[tilespmem:s24+$0x2810] =	vst v0  }
0x29: {  	[tilespmem:s24+$0x2820] =	vst v0  }
0x2a: {  	[tilespmem:s24+$0x2830] =	vst v0  }
0x2b: {  	[tilespmem:s24+$0x2840] =	vst v0  }
0x2c: {  	[tilespmem:s24+$0x2850] =	vst v0  }
0x2d: {  	[tilespmem:s24+$0x2860] =	vst v0  }
0x2e: {  	[tilespmem:s24+$0x2870] =	vst v0  }
0x2f: {  	[tilespmem:s24+$0x6800] =	vst v0  }
0x30: {  	[tilespmem:s24+$0x6810] =	vst v0  }
0x31: {  	[tilespmem:s24+$0x6820] =	vst v0  }
0x32: {  	[tilespmem:s24+$0x6830] =	vst v0  }
0x33: {  	[tilespmem:s24+$0x6840] =	vst v0  }
0x34: {  	[tilespmem:s24+$0x6850] =	vst v0  }
0x35: {  	[tilespmem:s24+$0x6860] =	vst v0  }
0x36: {  	[spmem:s5] =	stream.linear.scatter [tilespmem:s16], [sflag:$0x3], $0x4000, $0x38;
	[tilespmem:$0x1E800] =	vst v63  }
0x37: {  	_ =	swait.ge [sflag:s17], $0x4000  }
0x38: {  	[sflag:s17] =	ssyncset.done $0x0  }
0x39: {  	[sflag:s17] =	ssyncadd.s32 $0xFFFFC000  }
0x3a: {  	[spmem:s6] =	stream.linear.scatter [tilespmem:s18], [sflag:$0x3], $0x4000, $0x38;
	[tilespmem:$0x1E800] =	vst v63  }
0x3b: {  	_ =	swait.ge [sflag:s17], $0x4000  }
0x3c: {  	[sflag:s17] =	ssyncset.done $0x0  }
0x3d: {  	[sflag:s17] =	ssyncadd.s32 $0xFFFFC000  }
0x3e: {  	[spmem:s7] =	stream.linear.scatter [tilespmem:s16], [sflag:$0x3], $0x4000, $0x38;
	[tilespmem:$0x1E800] =	vst v63  }
0x3f: {  	_ =	swait.ge [sflag:s17], $0x4000  }
0x40: {  	[sflag:s17] =	ssyncset.done $0x0  }
0x41: {  	[sflag:s17] =	ssyncadd.s32 $0xFFFFC000  }
0x42: {  	[spmem:s8] =	stream.linear.scatter [tilespmem:s18], [sflag:$0x3], $0x4000, $0x38;
	[tilespmem:$0x1E800] =	vst v63  }
0x43: {  	_ =	swait.ge [sflag:s17], $0x4000  }
0x44: {  	[sflag:s17] =	ssyncset.done $0x0  }
0x45: {  	[sflag:s17] =	ssyncadd.s32 $0xFFFFC000  }
0x46: {  	[spmem:s9] =	stream.linear.scatter [tilespmem:s16], [sflag:$0x3], $0x4000, $0x38;
	[tilespmem:$0x1E800] =	vst v63  }
0x47: {  	_ =	swait.ge [sflag:s17], $0x4000  }
0x48: {  	[sflag:s17] =	ssyncset.done $0x0  }
0x49: {  	[sflag:s17] =	ssyncadd.s32 $0xFFFFC000  }
0x4a: {  	s26 =	simm.s32 $0x0;
	[bflag:$0x0] =	sbarrier.arrive $0xFFFF  }
0x4b: {  	[tilespmem:s26], [sflag:$0x3] =	stream.strided.gather [hbm4b:s10+s19], $0x1400, s20, s19, $0x38;
	[tilespmem:$0x1E800] =	vst v63  }
0x4c: {  	_ =	swait.ge [sflag:s17], $0x1400  }
0x4d: {  	[sflag:s17] =	ssyncset.done $0x0  }
0x4e: {  	[sflag:s17] =	ssyncadd.s32 $0xFFFFEC00  }
0x4f: {  	[tilespmem:s21], [sflag:$0x3] =	stream.linear.gather [hbm4b:s11+s26], $0x1400, $0x38;
	[tilespmem:$0x1E800] =	vst v63  }
0x50: {  	_ =	swait.ge [sflag:s17], $0x1400  }
0x51: {  	[sflag:s17] =	ssyncset.done $0x0  }
0x52: {  	s28 =	simm.s32 $0x0;
	[sflag:s17] =	ssyncadd.s32 $0xFFFFEC00  }
0x53: {  	[tilespmem:s16], [sflag:$0x1] =	stream.indirect.gather [hbm4b:s4+s19], $0x80, s28, s19, $0xb8;
	[tilespmem:$0x1E800] =	vst v63  }
0x54: {  	s29 =	simm.s32 $0x80  }
0x55: {  	[tilespmem:s18], [sflag:$0x1] =	stream.indirect.gather [hbm4b:s4+s19], $0x80, s29, s19, $0xb8;
	[tilespmem:$0x1E800] =	vst v63  }
0x56: {  	_ =	swait.ge [sflag:s22], $0x4000  }
0x57: {  	[sflag:s22] =	ssyncset.done $0x0  }
0x58: {  	[sflag:s22] =	ssyncadd.s32 $0xFFFFC000  }
0x59: {  	_ =	swait.ge [sflag:s22], $0x4000  }
0x5a: {  	[sflag:s22] =	ssyncset.done $0x0  }
0x5b: {  	s30 =	simm.s32 $0x1400;
	[sflag:s22] =	ssyncadd.s32 $0xFFFFC000  }
0x5c: {  	[spmem:s2] =	stream.indirect.scatter.add.f32 [tilespmem:s16], [sflag:$0x2], $0x80, s30, s19, $0xb8;
	[tilespmem:$0x1E800] =	vst v63  }
0x5d: {  	s31 =	simm.s32 $0x1480  }
0x5e: {  	[spmem:s2] =	stream.indirect.scatter.add.f32 [tilespmem:s18], [sflag:$0x2], $0x80, s31, s19, $0xb8;
	[tilespmem:$0x1E800] =	vst v63  }
0x5f: {  	_ =	swait.ge [sflag:s23], $0x4000  }
0x60: {  	[sflag:s23] =	ssyncset.done $0x0  }
0x61: {  	[sflag:s23] =	ssyncadd.s32 $0xFFFFC000  }
0x62: {  	_ =	swait.ge [sflag:s23], $0x4000  }
0x63: {  	s24 =	simm.s32 $0x400;
	s25 =	simm.s32 $0x800;
	[sflag:s23] =	ssyncset.done $0x0  }
.LBB2_4:
0x64: {  	s26 =	sshra.s32 s24, $0x2  }
0x65: {  	[sflag:s23] =	ssyncadd.s32 $0xFFFFC000;
	s24 =	smov.u32 s25;
	s28 =	sadd.s32 $0x400, s25  }
0x66: {  	[tilespmem:s16], [sflag:$0x1] =	stream.indirect.gather [hbm4b:s4+s19], $0x80, s26, s19, $0xb8;
	[tilespmem:$0x1E800] =	vst v63  }
0x67: {  	p0 =	sne.s32 s25, $0x4C00;
	s25 =	sadd.s32 $0x80, s26  }
0x68: {  	[tilespmem:s18], [sflag:$0x1] =	stream.indirect.gather [hbm4b:s4+s19], $0x80, s25, s19, $0xb8;
	[tilespmem:$0x1E800] =	vst v63  }
0x69: {  	_ =	swait.ge [sflag:s22], $0x4000  }
0x6a: {  	[sflag:s22] =	ssyncset.done $0x0  }
0x6b: {  	[sflag:s22] =	ssyncadd.s32 $0xFFFFC000  }
0x6c: {  	_ =	swait.ge [sflag:s22], $0x4000  }
0x6d: {  	[sflag:s22] =	ssyncset.done $0x0  }
0x6e: {  	s25 =	sadd.s32 $0x1400, s26;
	[sflag:s22] =	ssyncadd.s32 $0xFFFFC000  }
0x6f: {  	[spmem:s2] =	stream.indirect.scatter.add.f32 [tilespmem:s16], [sflag:$0x2], $0x80, s25, s19, $0xb8;
	[tilespmem:$0x1E800] =	vst v63  }
0x70: {  	s25 =	sadd.s32 $0x1480, s26  }
0x71: {  	[spmem:s2] =	stream.indirect.scatter.add.f32 [tilespmem:s18], [sflag:$0x2], $0x80, s25, s19, $0xb8;
	[tilespmem:$0x1E800] =	vst v63  }
.Ltmp1:
0x72: {  	_ =	swait.ge [sflag:s23], $0x4000;
	(pc) =	sbr.rel @p0 .LBB2_4-.Ltmp1, $4  }
0x73: {  	[sflag:s23] =	ssyncset.done $0x0  }
0x74: {  	[sflag:s23] =	ssyncadd.s32 $0xFFFFC000  }
0x75: {  	_ =	swait.ge [sflag:s23], $0x4000  }
0x76: {  	s25 =	smov.u32 s28;
	[sflag:s23] =	ssyncset.done $0x0  }
0x77: {  	s24 =	sshra.s32 s24, $0x2;
	[sflag:s23] =	ssyncadd.s32 $0xFFFFC000  }
0x78: {  	[tilespmem:s16], [sflag:$0x1] =	stream.indirect.gather [hbm4b:s4+s19], $0x80, s24, s19, $0xb8;
	[tilespmem:$0x1E800] =	vst v63  }
0x79: {  	s25 =	sadd.s32 $0x80, s24  }
0x7a: {  	[tilespmem:s18], [sflag:$0x1] =	stream.indirect.gather [hbm4b:s4+s19], $0x80, s25, s19, $0xb8;
	[tilespmem:$0x1E800] =	vst v63  }
0x7b: {  	_ =	swait.ge [sflag:s22], $0x4000  }
0x7c: {  	[sflag:s22] =	ssyncset.done $0x0  }
0x7d: {  	[sflag:s22] =	ssyncadd.s32 $0xFFFFC000  }
0x7e: {  	_ =	swait.ge [sflag:s22], $0x4000  }
0x7f: {  	[sflag:s22] =	ssyncset.done $0x0  }
0x80: {  	s31 =	sadd.s32 $0x1400, s24;
	[sflag:s22] =	ssyncadd.s32 $0xFFFFC000  }
0x81: {  	[spmem:s2] =	stream.indirect.scatter.add.f32 [tilespmem:s16], [sflag:$0x2], $0x80, s31, s19, $0xb8;
	[tilespmem:$0x1E800] =	vst v63  }
0x82: {  	s24 =	sadd.s32 $0x1480, s24  }
0x83: {  	[spmem:s2] =	stream.indirect.scatter.add.f32 [tilespmem:s18], [sflag:$0x2], $0x80, s24, s19, $0xb8;
	[tilespmem:$0x1E800] =	vst v63  }
0x84: {  	_ =	swait.ge [sflag:s23], $0x4000  }
0x85: {  	[sflag:s23] =	ssyncset.done $0x0  }
0x86: {  	[sflag:s23] =	ssyncadd.s32 $0xFFFFC000  }
0x87: {  	_ =	swait.ge [sflag:s23], $0x4000  }
0x88: {  	[sflag:s23] =	ssyncset.done $0x0  }
0x89: {  	s26 =	simm.s32 $0x0;
	[sflag:s23] =	ssyncadd.s32 $0xFFFFC000  }
0x8a: {  	[tilespmem:s26], [sflag:$0x3] =	stream.strided.gather [hbm4b:s12+s19], $0x1400, s20, s19, $0x38;
	[tilespmem:$0x1E800] =	vst v63  }
0x8b: {  	_ =	swait.ge [sflag:s17], $0x1400  }
0x8c: {  	[sflag:s17] =	ssyncset.done $0x0  }
0x8d: {  	[sflag:s17] =	ssyncadd.s32 $0xFFFFEC00  }
0x8e: {  	[tilespmem:s21], [sflag:$0x3] =	stream.linear.gather [hbm4b:s13+s26], $0x1400, $0x38;
	[tilespmem:$0x1E800] =	vst v63  }
0x8f: {  	_ =	swait.ge [sflag:s17], $0x1400  }
0x90: {  	[sflag:s17] =	ssyncset.done $0x0  }
0x91: {  	s28 =	simm.s32 $0x0;
	[sflag:s17] =	ssyncadd.s32 $0xFFFFEC00  }
0x92: {  	[tilespmem:s16], [sflag:$0x1] =	stream.indirect.gather [hbm4b:s4+s19], $0x80, s28, s19, $0xb8;
	[tilespmem:$0x1E800] =	vst v63  }
0x93: {  	s29 =	simm.s32 $0x80  }
0x94: {  	[tilespmem:s18], [sflag:$0x1] =	stream.indirect.gather [hbm4b:s4+s19], $0x80, s29, s19, $0xb8;
	[tilespmem:$0x1E800] =	vst v63  }
0x95: {  	_ =	swait.ge [sflag:s22], $0x4000  }
0x96: {  	[sflag:s22] =	ssyncset.done $0x0  }
0x97: {  	[sflag:s22] =	ssyncadd.s32 $0xFFFFC000  }
0x98: {  	_ =	swait.ge [sflag:s22], $0x4000  }
0x99: {  	[sflag:s22] =	ssyncset.done $0x0  }
0x9a: {  	s30 =	simm.s32 $0x1400;
	[sflag:s22] =	ssyncadd.s32 $0xFFFFC000  }
0x9b: {  	[spmem:s2] =	stream.indirect.scatter.add.f32 [tilespmem:s16], [sflag:$0x2], $0x80, s30, s19, $0xb8;
	[tilespmem:$0x1E800] =	vst v63  }
0x9c: {  	s31 =	simm.s32 $0x1480  }
0x9d: {  	[spmem:s2] =	stream.indirect.scatter.add.f32 [tilespmem:s18], [sflag:$0x2], $0x80, s31, s19, $0xb8;
	[tilespmem:$0x1E800] =	vst v63  }
0x9e: {  	_ =	swait.ge [sflag:s23], $0x4000  }
0x9f: {  	[sflag:s23] =	ssyncset.done $0x0  }
0xa0: {  	[sflag:s23] =	ssyncadd.s32 $0xFFFFC000  }
0xa1: {  	_ =	swait.ge [sflag:s23], $0x4000  }
0xa2: {  	s25 =	simm.s32 $0x800;
	s24 =	simm.s32 $0x400;
	[sflag:s23] =	ssyncset.done $0x0  }
.LBB2_6:
0xa3: {  	s26 =	sshra.s32 s24, $0x2  }
0xa4: {  	[sflag:s23] =	ssyncadd.s32 $0xFFFFC000;
	s24 =	smov.u32 s25;
	s28 =	sadd.s32 $0x400, s25  }
0xa5: {  	[tilespmem:s16], [sflag:$0x1] =	stream.indirect.gather [hbm4b:s4+s19], $0x80, s26, s19, $0xb8;
	[tilespmem:$0x1E800] =	vst v63  }
0xa6: {  	p0 =	sne.s32 s25, $0x4C00;
	s25 =	sadd.s32 $0x80, s26  }
0xa7: {  	[tilespmem:s18], [sflag:$0x1] =	stream.indirect.gather [hbm4b:s4+s19], $0x80, s25, s19, $0xb8;
	[tilespmem:$0x1E800] =	vst v63  }
0xa8: {  	_ =	swait.ge [sflag:s22], $0x4000  }
0xa9: {  	[sflag:s22] =	ssyncset.done $0x0  }
0xaa: {  	[sflag:s22] =	ssyncadd.s32 $0xFFFFC000  }
0xab: {  	_ =	swait.ge [sflag:s22], $0x4000  }
0xac: {  	[sflag:s22] =	ssyncset.done $0x0  }
0xad: {  	s25 =	sadd.s32 $0x1400, s26;
	[sflag:s22] =	ssyncadd.s32 $0xFFFFC000  }
0xae: {  	[spmem:s2] =	stream.indirect.scatter.add.f32 [tilespmem:s16], [sflag:$0x2], $0x80, s25, s19, $0xb8;
	[tilespmem:$0x1E800] =	vst v63  }
0xaf: {  	s25 =	sadd.s32 $0x1480, s26  }
0xb0: {  	[spmem:s2] =	stream.indirect.scatter.add.f32 [tilespmem:s18], [sflag:$0x2], $0x80, s25, s19, $0xb8;
	[tilespmem:$0x1E800] =	vst v63  }
.Ltmp2:
0xb1: {  	_ =	swait.ge [sflag:s23], $0x4000;
	(pc) =	sbr.rel @p0 .LBB2_6-.Ltmp2, $4  }
0xb2: {  	[sflag:s23] =	ssyncset.done $0x0  }
0xb3: {  	[sflag:s23] =	ssyncadd.s32 $0xFFFFC000  }
0xb4: {  	_ =	swait.ge [sflag:s23], $0x4000  }
0xb5: {  	s25 =	smov.u32 s28;
	[sflag:s23] =	ssyncset.done $0x0  }
0xb6: {  	s24 =	sshra.s32 s24, $0x2;
	[sflag:s23] =	ssyncadd.s32 $0xFFFFC000  }
0xb7: {  	[tilespmem:s16], [sflag:$0x1] =	stream.indirect.gather [hbm4b:s4+s19], $0x80, s24, s19, $0xb8;
	[tilespmem:$0x1E800] =	vst v63  }
0xb8: {  	s25 =	sadd.s32 $0x80, s24  }
0xb9: {  	[tilespmem:s18], [sflag:$0x1] =	stream.indirect.gather [hbm4b:s4+s19], $0x80, s25, s19, $0xb8;
	[tilespmem:$0x1E800] =	vst v63  }
0xba: {  	_ =	swait.ge [sflag:s22], $0x4000  }
0xbb: {  	[sflag:s22] =	ssyncset.done $0x0  }
0xbc: {  	[sflag:s22] =	ssyncadd.s32 $0xFFFFC000  }
0xbd: {  	_ =	swait.ge [sflag:s22], $0x4000  }
0xbe: {  	[sflag:s22] =	ssyncset.done $0x0  }
0xbf: {  	s29 =	sadd.s32 $0x1400, s24;
	[sflag:s22] =	ssyncadd.s32 $0xFFFFC000  }
0xc0: {  	[spmem:s2] =	stream.indirect.scatter.add.f32 [tilespmem:s16], [sflag:$0x2], $0x80, s29, s19, $0xb8;
	[tilespmem:$0x1E800] =	vst v63  }
0xc1: {  	s24 =	sadd.s32 $0x1480, s24  }
0xc2: {  	[spmem:s2] =	stream.indirect.scatter.add.f32 [tilespmem:s18], [sflag:$0x2], $0x80, s24, s19, $0xb8;
	[tilespmem:$0x1E800] =	vst v63  }
0xc3: {  	_ =	swait.ge [sflag:s23], $0x4000  }
0xc4: {  	[sflag:s23] =	ssyncset.done $0x0  }
0xc5: {  	[sflag:s23] =	ssyncadd.s32 $0xFFFFC000  }
0xc6: {  	_ =	swait.ge [sflag:s23], $0x4000  }
0xc7: {  	s30 =	sshll.u32 s1, $0x6;
	s3 =	sadd.s32 $0x1, s3;
	[sflag:s23] =	ssyncset.done $0x0  }
0xc8: {  	s31 =	sshrl.u32 s5, $0x3;
	p0 =	sne.s32 s3, s15;
	[sflag:s23] =	ssyncadd.s32 $0xFFFFC000  }
.Ltmp3:
0xc9: {  	s24 =	sor.u32 $0x1C03, s30;
	[bflag:$0x0] =	sbarrier.arrive $0xFFFF;
	(pc) =	sbr.rel @p0 .LBB2_1-.Ltmp3, $4  }
0xca: {  	[hbm:s14], [sflag:s24] =	dma.local [spmem:s31], $0x2800  }
0xcb: {  	_ =	swait.ge [sflag:s17], $0x2800  }
0xcc: {  	[sflag:s17] =	ssyncset.done $0x0  }
0xcd: {  	[sflag:s17] =	ssyncadd.s32 $0xFFFFD800  }
0xce: {  	_ =	sfence.sel $0x180000  }
0xcf: {  	[bflag:$0x0] =	sbarrier.arrive $0xFFFF  }
0xd0: {  	p0 =	sne.s32 s1, $0x0;
	_ =	strace $0x9000004D  }
0xd1: {  	s0 =	sadd.s32 @!p0 $0x100000, s0;
	[bflag:$0x2] =	sbarrier.arrive $0xFFFF  }
0xd2: {  	[sflag:s0] =	ssyncadd.tile.s32 @!p0 $0x1;
	_ =	shalt  }
.Lfunc_end2:
_tile_overlayer_lowered:
.L_overlay_start_2:
0xd3: {  	(tag) =	ssettag $0x2  }
0xd4: {  	s0 =	rddreg [dreg:$0x0];
	s2 =	stileid.u32  }
0xd5: {  	s1 =	rddreg [dreg:$0x1];
	p0 =	sne.s32 s2, $0x0  }
0xd6: {  	s3 =	rddreg [dreg:$0x2];
	[bflag:$0x3] =	sbarrier.arrive $0xFFFF;
	s2 =	simm.s32 @!p0 $0x1C03  }
0xd7: {  	[timem:s3], [sflag:s2] =	dma.local @!p0 [hbm:s0], s1  }
0xd8: {  	s0 =	simm.s32 @!p0 $0x3  }
0xd9: {  	_ =	swait.ge @!p0 [sflag:s0], s1  }
0xda: {  	s1 =	ssub.s32 @!p0 $0x0, s1;
	[sflag:s0] =	ssyncset.done @!p0 $0x0  }
0xdb: {  	[sflag:s0] =	ssyncadd.s32 @!p0 s1  }
0xdc: {  	[bflag:$0x3] =	sbarrier.arrive $0xFFFF  }
0xdd: {  	_ =	shalt  }

</sc_bundles>
